<compile_context>
chip_gen: v7x
topology: tpu7x:2x2x1
jax: 0.10.2.dev20260603
libtpu: 0.0.44.dev20260713+nightly
codegen_flags: <defaults>
</compile_context>

<pallas_src>
import functools

import jax
import jax.numpy as jnp
from jax import lax
from jax.experimental import pallas as pl
from jax.experimental.pallas import tpu as pltpu
import jax.experimental.pallas.tpu_sc as plsc

N = 10000
E = 320000
D_IN = 128
D_HID = 128
N_CLS = 40

NC, NS = 2, 16
NW = NC * NS
CR = 125
TCH = E // CR
WCH = TCH // NW
NPD = 10240
RPT = NPD // NS
DC = 64

_MESH = dict(core_axis_name="c", subcore_axis_name="s", num_cores=NC,
             num_subcores=NS)



_DL = 1000
_DNS = E // (NW * _DL)


def _deg_kernel(dst_hbm, degp_hbm, dst_v, ones_v, zeros_v, deg_sh, sem):
  c = lax.axis_index("c")
  s = lax.axis_index("s")
  w = s * NC + c

  z16 = jnp.zeros((16,), jnp.float32)
  for i in range(1024 // 16):
    ones_v[pl.ds(i * 16, 16)] = z16 + 1.0
  for i in range(128 // 16):
    zeros_v[pl.ds(i * 16, 16)] = z16
  for i in range(RPT // 128):
    pltpu.sync_copy(zeros_v, deg_sh.at[pl.ds(s * RPT + i * 128, 128)])
  plsc.subcore_barrier()

  pltpu.sync_copy(dst_hbm.at[pl.ds(w * _DNS, _DNS)], dst_v)
  def body(j, _):
    pltpu.sync_copy(ones_v.at[pl.ds(0, _DL)], deg_sh.at[dst_v.at[j]],
                    add=True)
    return 0
  lax.fori_loop(0, _DNS, body, 0)
  plsc.subcore_barrier()

  pltpu.sync_copy(deg_sh.at[pl.ds(s * RPT, RPT)],
                  degp_hbm.at[c, pl.ds(s * RPT, RPT)])


def _make_agg(d, multi, n_half, dtype=jnp.float32, tc_tiling=None):
  L = multi * CR
  ns = WCH // (n_half * multi)
  assert ns % 2 == 0
  if tc_tiling is None:
    tc_tiling = d % 128 == 0 and dtype == jnp.float32

  rows_t = pltpu.VMEM((2, L, d), dtype)

  @functools.partial(
      pl.kernel,
      out_type=jax.ShapeDtypeStruct((NC, NPD, d), dtype),
      mesh=plsc.VectorSubcoreMesh(**_MESH),
      compiler_params=pltpu.CompilerParams(use_tc_tiling_on_sc=tc_tiling),
      scratch_types=[
          pltpu.VMEM((ns, L), jnp.int32),
          pltpu.VMEM((ns, L), jnp.int32),
          rows_t,
          pltpu.VMEM_SHARED((NPD, d), dtype),
          pltpu.SemaphoreType.DMA,
          pltpu.SemaphoreType.DMA,
      ],
  )
  def agg(h_hbm, src_hbm, dst_hbm, out_hbm,
          src_v, dst_v, rows_v, acc_sh, gsem, ssem):
    c = lax.axis_index("c")
    s = lax.axis_index("s")
    w = s * NC + c

    @pl.when(c == 0)
    def _():
      pltpu.sync_copy(h_hbm.at[pl.ds(s * RPT, RPT)],
                      acc_sh.at[pl.ds(s * RPT, RPT)])

    @pl.when(c == 1)
    def _():
      zlanes = 16 if dtype == jnp.float32 else 32
      zv = jnp.zeros((zlanes,), dtype)
      def zb(i, _):
        for k in range(d // zlanes):
          rows_v[0, i, pl.ds(k * zlanes, zlanes)] = zv
        return 0
      lax.fori_loop(0, CR, zb, 0)
      for i in range(5):
        pltpu.sync_copy(rows_v.at[0, pl.ds(0, 120)],
                        acc_sh.at[pl.ds(s * RPT + i * 120, 120)])
      pltpu.sync_copy(rows_v.at[0, pl.ds(0, 40)],
                      acc_sh.at[pl.ds(s * RPT + 600, 40)])
    plsc.subcore_barrier()

    def idx(v, t):
      return v.at[t]

    for k in range(n_half):
      pltpu.sync_copy(src_hbm.at[pl.ds((w * n_half + k) * ns, ns)], src_v)
      pltpu.sync_copy(dst_hbm.at[pl.ds((w * n_half + k) * ns, ns)], dst_v)

      def gather(t, b):
        pltpu.async_copy(h_hbm.at[idx(src_v, t)], rows_v.at[b], gsem)

      def gwait(t, b):
        pltpu.make_async_copy(h_hbm.at[idx(src_v, t)], rows_v.at[b],
                              gsem).wait()

      def scat(t, b):
        pltpu.async_copy(rows_v.at[b], acc_sh.at[idx(dst_v, t)], ssem,
                         add=True)

      def swait(t, b):
        pltpu.make_async_copy(rows_v.at[b], acc_sh.at[idx(dst_v, t)],
                              ssem).wait()

      gather(0, 0)

      def body(i, _):
        t0 = 2 * i
        t1 = t0 + 1
        gwait(t0, 0)
        @pl.when(i >= 1)
        def _():
          swait(t0 - 1, 1)
        gather(t1, 1)
        scat(t0, 0)
        gwait(t1, 1)
        swait(t0, 0)
        @pl.when(t1 + 1 < ns)
        def _():
          gather(t1 + 1, 0)
        scat(t1, 1)
        return 0
      lax.fori_loop(0, ns // 2, body, 0)
      swait(ns - 1, 1)
    plsc.subcore_barrier()

    pltpu.sync_copy(acc_sh.at[pl.ds(s * RPT, RPT)],
                    out_hbm.at[c, pl.ds(s * RPT, RPT)])

  return agg


_agg_hid = _make_agg(D_HID, 4, 1, dtype=jnp.bfloat16)
_agg_cls = _make_agg(DC, 8, 1, dtype=jnp.bfloat16)

_deg = functools.partial(
    pl.kernel,
    out_type=jax.ShapeDtypeStruct((NC, NPD), jnp.float32),
    mesh=plsc.VectorSubcoreMesh(**_MESH),
    compiler_params=pltpu.CompilerParams(use_tc_tiling_on_sc=False),
    scratch_types=[
        pltpu.VMEM((_DNS, _DL), jnp.int32),
        pltpu.VMEM((1024,), jnp.float32),
        pltpu.VMEM((128,), jnp.float32),
        pltpu.VMEM_SHARED((NPD,), jnp.float32),
        pltpu.SemaphoreType.DMA,
    ],
)



_BM = 1024


def _mm1_body(degp_ref, x_ref, w1_ref, h1p_ref, dinv_ref):
  deg = degp_ref[0, :] + degp_ref[1, :] + 1.0
  dinv = lax.rsqrt(deg)
  h = jnp.dot(x_ref[...], w1_ref[...], preferred_element_type=jnp.float32)
  h1p_ref[...] = (h * dinv[:, None]).astype(jnp.bfloat16)
  dinv_ref[...] = dinv[:, None]


def _mm2_body(p_ref, dinv_ref, b1_ref, w2_ref, h2p_ref):
  dinv = dinv_ref[...]
  psum = p_ref[0].astype(jnp.float32) + p_ref[1].astype(jnp.float32)
  u = psum * dinv + b1_ref[...]
  h = jnp.maximum(u, 0.0)
  h2p_ref[...] = (jnp.dot(h, w2_ref[...],
                          preferred_element_type=jnp.float32)
                  * dinv).astype(jnp.bfloat16)


def _fin_body(p_ref, dinv_ref, b2_ref, out_ref):
  psum = p_ref[0].astype(jnp.float32) + p_ref[1].astype(jnp.float32)
  out_ref[...] = (psum * dinv_ref[...] + b2_ref[...])[:, :N_CLS]


def _row_spec(bm, d):
  return pl.BlockSpec((bm, d), lambda i: (i, 0))


def _part_spec(bm, d):
  return pl.BlockSpec((NC, bm, d), lambda i: (0, i, 0))


def _full_spec(shape):
  return pl.BlockSpec(shape, lambda i: tuple(0 for _ in shape))



def kernel(x, edge_index, W1, b1, W2, b2):
  src = edge_index[0].reshape(TCH, CR)
  dst = edge_index[1].reshape(TCH, CR)
  xp = jnp.zeros((NPD, D_IN), jnp.float32).at[:N].set(x)
  w2p = jnp.zeros((D_HID, DC), jnp.float32).at[:, :N_CLS].set(W2)
  b2p = jnp.zeros((1, DC), jnp.float32).at[0, :N_CLS].set(b2)
  b1r = b1.reshape(1, D_HID)

  degp = _deg(_deg_kernel)(edge_index[1].reshape(E // _DL, _DL))

  grid = (NPD // _BM,)

  h1p, dinv = pl.pallas_call(
      _mm1_body,
      grid=grid,
      in_specs=[
          pl.BlockSpec((NC, _BM), lambda i: (0, i)),
          _row_spec(_BM, D_IN),
          _full_spec((D_IN, D_HID)),
      ],
      out_specs=[_row_spec(_BM, D_HID), _row_spec(_BM, 1)],
      out_shape=[
          jax.ShapeDtypeStruct((NPD, D_HID), jnp.bfloat16),
          jax.ShapeDtypeStruct((NPD, 1), jnp.float32),
      ],
  )(degp, xp, W1)

  p1 = _agg_hid(h1p, src.reshape(E // 500, 500), dst.reshape(E // 500, 500))

  h2p = pl.pallas_call(
      _mm2_body,
      grid=grid,
      in_specs=[
          _part_spec(_BM, D_HID),
          _row_spec(_BM, 1),
          _full_spec((1, D_HID)),
          _full_spec((D_HID, DC)),
      ],
      out_specs=_row_spec(_BM, DC),
      out_shape=jax.ShapeDtypeStruct((NPD, DC), jnp.bfloat16),
  )(p1, dinv, b1r, w2p)

  p2 = _agg_cls(h2p, src.reshape(E // 1000, 1000),
                dst.reshape(E // 1000, 1000))

  out = pl.pallas_call(
      _fin_body,
      grid=grid,
      in_specs=[
          _part_spec(_BM, DC),
          _row_spec(_BM, 1),
          _full_spec((1, DC)),
      ],
      out_specs=_row_spec(_BM, N_CLS),
      out_shape=jax.ShapeDtypeStruct((NPD, N_CLS), jnp.float32),
  )(p2, dinv, b2p)

  return out[:N]

# --- scband reference (transcript-rebuilt; emitter-appended) ---
"""Pipeline reference for scband-gcnmodel-56865366999234 (READ-ONLY COPY).

The authoritative reference and input builder live on the scoring server;
editing this copy changes nothing except your own understanding.
"""

import jax, jax.numpy as jnp
import numpy as np


def gcn_conv(x, edge_index, W, b):
    # GCNConv with self-loops and symmetric normalization (PyG semantics)
    N = x.shape[0]
    loops = jnp.arange(N, dtype=edge_index.dtype)
    src = jnp.concatenate([edge_index[0], loops])
    dst = jnp.concatenate([edge_index[1], loops])
    deg = jnp.zeros((N,), x.dtype).at[dst].add(1.0)
    dinv = jnp.where(deg > 0, 1.0 / jnp.sqrt(deg), 0.0)
    norm = dinv[src] * dinv[dst]
    h = x @ W
    msg = h[src] * norm[:, None]
    out = jnp.zeros((N, W.shape[1]), x.dtype).at[dst].add(msg)
    return out + b


def setup_inputs(seed: int = 0) -> dict:
    key = jax.random.key(seed)
    k1, k2, k3, k4 = jax.random.split(key, 4)
    N, E, d_in, d_hid, n_cls = 10000, 320000, 128, 128, 40
    x = jax.random.normal(k1, (N, d_in), dtype=jnp.float32)
    edge_index = jax.random.randint(k2, (2, E), 0, N, dtype=jnp.int32)
    W1 = jax.random.normal(k3, (d_in, d_hid), dtype=jnp.float32) * (1.0 / np.sqrt(d_in))
    b1 = jnp.zeros((d_hid,), dtype=jnp.float32)
    W2 = jax.random.normal(k4, (d_hid, n_cls), dtype=jnp.float32) * (1.0 / np.sqrt(d_hid))
    b2 = jnp.zeros((n_cls,), dtype=jnp.float32)
    return {"x": x, "edge_index": edge_index, "W1": W1, "b1": b1, "W2": W2, "b2": b2}


def reference(x, edge_index, W1, b1, W2, b2):
    h = jax.nn.relu(gcn_conv(x, edge_index, W1, b1))
    out = gcn_conv(h, edge_index, W2, b2)
    return out

if __name__ == "__main__":
    import jax
    _d = setup_inputs()
    print(jax.jit(kernel)(*tuple(_d.values())))

</pallas_src>

<mosaic_0001>
#map = affine_map<(d0, d1) -> (0, 0)>
module attributes {stable_mosaic.version = 14 : i64} {
  func.func @_deg_kernel(%arg0: i32, %arg1: i32, %arg2: memref<320x1000xi32, #tpu.memory_space<hbm>>, %arg3: memref<2x10240xf32, #tpu.memory_space<hbm>>, %arg4: memref<10x1000xi32, #tpu.memory_space<vmem>>, %arg5: memref<1024xf32, #tpu.memory_space<vmem>>, %arg6: memref<128xf32, #tpu.memory_space<vmem>>, %arg7: memref<10240xf32, #tpu.memory_space<vmem_shared>>, %arg8: memref<!tpu.dma_semaphore, #tpu.memory_space<semaphore_mem>>) attributes {dimension_semantics = [#tpu.dimension_semantics<core_parallel>, #tpu.dimension_semantics<subcore_parallel>], iteration_bounds = array<i64: 2, 16>, scalar_prefetch = 0 : i64, scratch_operands = 5 : i64, tpu.core_type = #tpu.core_type<sc_vector_subcore>, window_params = [{transform_indices = #map}, {transform_indices = #map}]} {
    %mul3A = arith.constant 2 : i32
    %mul3A_0 = arith.muli %arg1, %mul3A : i32
    %add3A = arith.addi %mul3A_0, %arg0 : i32
    %broadcast_in_dim3A = arith.constant 0.000000e+00 : f32
    %broadcast_in_dim3A_1 = vector.broadcast %broadcast_in_dim3A : f32 to vector<16xf32>
    %add3A_2 = arith.constant 1.000000e+00 : f32
    %add3A_3 = vector.broadcast %add3A_2 : f32 to vector<16xf32>
    %add3A_4 = arith.addf %broadcast_in_dim3A_1, %add3A_3 : vector<16xf32>
    %swap3A = arith.constant 0 : index
    %swap3A_5 = tpu.vector_load %arg5[%swap3A] {strides = array<i32>} : memref<1024xf32, #tpu.memory_space<vmem>>, vector<16xf32>,
    %swap3A_6 = vector.shape_cast %swap3A_5 : vector<16xf32> to vector<16xf32>
    %swap3A_7 = vector.shape_cast %add3A_4 : vector<16xf32> to vector<16xf32>
    tpu.vector_store %arg5[%swap3A], %swap3A_7 {strides = array<i32>} : memref<1024xf32, #tpu.memory_space<vmem>>, vector<16xf32>,
    %add3A_8 = arith.constant 1.000000e+00 : f32
    %add3A_9 = vector.broadcast %add3A_8 : f32 to vector<16xf32>
    %add3A_10 = arith.addf %broadcast_in_dim3A_1, %add3A_9 : vector<16xf32>
    %swap3A_11 = arith.constant 16 : index
    %swap3A_12 = tpu.vector_load %arg5[%swap3A_11] {strides = array<i32>} : memref<1024xf32, #tpu.memory_space<vmem>>, vector<16xf32>,
    %swap3A_13 = vector.shape_cast %swap3A_12 : vector<16xf32> to vector<16xf32>
    %swap3A_14 = vector.shape_cast %add3A_10 : vector<16xf32> to vector<16xf32>
    tpu.vector_store %arg5[%swap3A_11], %swap3A_14 {strides = array<i32>} : memref<1024xf32, #tpu.memory_space<vmem>>, vector<16xf32>,
    %add3A_15 = arith.constant 1.000000e+00 : f32
    %add3A_16 = vector.broadcast %add3A_15 : f32 to vector<16xf32>
    %add3A_17 = arith.addf %broadcast_in_dim3A_1, %add3A_16 : vector<16xf32>
    %swap3A_18 = arith.constant 32 : index
    %swap3A_19 = tpu.vector_load %arg5[%swap3A_18] {strides = array<i32>} : memref<1024xf32, #tpu.memory_space<vmem>>, vector<16xf32>,
    %swap3A_20 = vector.shape_cast %swap3A_19 : vector<16xf32> to vector<16xf32>
    %swap3A_21 = vector.shape_cast %add3A_17 : vector<16xf32> to vector<16xf32>
    tpu.vector_store %arg5[%swap3A_18], %swap3A_21 {strides = array<i32>} : memref<1024xf32, #tpu.memory_space<vmem>>, vector<16xf32>,
    %add3A_22 = arith.constant 1.000000e+00 : f32
    %add3A_23 = vector.broadcast %add3A_22 : f32 to vector<16xf32>
    %add3A_24 = arith.addf %broadcast_in_dim3A_1, %add3A_23 : vector<16xf32>
    %swap3A_25 = arith.constant 48 : index
    %swap3A_26 = tpu.vector_load %arg5[%swap3A_25] {strides = array<i32>} : memref<1024xf32, #tpu.memory_space<vmem>>, vector<16xf32>,
    %swap3A_27 = vector.shape_cast %swap3A_26 : vector<16xf32> to vector<16xf32>
    %swap3A_28 = vector.shape_cast %add3A_24 : vector<16xf32> to vector<16xf32>
    tpu.vector_store %arg5[%swap3A_25], %swap3A_28 {strides = array<i32>} : memref<1024xf32, #tpu.memory_space<vmem>>, vector<16xf32>,
    %add3A_29 = arith.constant 1.000000e+00 : f32
    %add3A_30 = vector.broadcast %add3A_29 : f32 to vector<16xf32>
    %add3A_31 = arith.addf %broadcast_in_dim3A_1, %add3A_30 : vector<16xf32>
    %swap3A_32 = arith.constant 64 : index
    %swap3A_33 = tpu.vector_load %arg5[%swap3A_32] {strides = array<i32>} : memref<1024xf32, #tpu.memory_space<vmem>>, vector<16xf32>,
    %swap3A_34 = vector.shape_cast %swap3A_33 : vector<16xf32> to vector<16xf32>
    %swap3A_35 = vector.shape_cast %add3A_31 : vector<16xf32> to vector<16xf32>
    tpu.vector_store %arg5[%swap3A_32], %swap3A_35 {strides = array<i32>} : memref<1024xf32, #tpu.memory_space<vmem>>, vector<16xf32>,
    %add3A_36 = arith.constant 1.000000e+00 : f32
    %add3A_37 = vector.broadcast %add3A_36 : f32 to vector<16xf32>
    %add3A_38 = arith.addf %broadcast_in_dim3A_1, %add3A_37 : vector<16xf32>
    %swap3A_39 = arith.constant 80 : index
    %swap3A_40 = tpu.vector_load %arg5[%swap3A_39] {strides = array<i32>} : memref<1024xf32, #tpu.memory_space<vmem>>, vector<16xf32>,
    %swap3A_41 = vector.shape_cast %swap3A_40 : vector<16xf32> to vector<16xf32>
    %swap3A_42 = vector.shape_cast %add3A_38 : vector<16xf32> to vector<16xf32>
    tpu.vector_store %arg5[%swap3A_39], %swap3A_42 {strides = array<i32>} : memref<1024xf32, #tpu.memory_space<vmem>>, vector<16xf32>,
    %add3A_43 = arith.constant 1.000000e+00 : f32
    %add3A_44 = vector.broadcast %add3A_43 : f32 to vector<16xf32>
    %add3A_45 = arith.addf %broadcast_in_dim3A_1, %add3A_44 : vector<16xf32>
    %swap3A_46 = arith.constant 96 : index
    %swap3A_47 = tpu.vector_load %arg5[%swap3A_46] {strides = array<i32>} : memref<1024xf32, #tpu.memory_space<vmem>>, vector<16xf32>,
    %swap3A_48 = vector.shape_cast %swap3A_47 : vector<16xf32> to vector<16xf32>
    %swap3A_49 = vector.shape_cast %add3A_45 : vector<16xf32> to vector<16xf32>
    tpu.vector_store %arg5[%swap3A_46], %swap3A_49 {strides = array<i32>} : memref<1024xf32, #tpu.memory_space<vmem>>, vector<16xf32>,
    %add3A_50 = arith.constant 1.000000e+00 : f32
    %add3A_51 = vector.broadcast %add3A_50 : f32 to vector<16xf32>
    %add3A_52 = arith.addf %broadcast_in_dim3A_1, %add3A_51 : vector<16xf32>
    %swap3A_53 = arith.constant 112 : index
    %swap3A_54 = tpu.vector_load %arg5[%swap3A_53] {strides = array<i32>} : memref<1024xf32, #tpu.memory_space<vmem>>, vector<16xf32>,
    %swap3A_55 = vector.shape_cast %swap3A_54 : vector<16xf32> to vector<16xf32>
    %swap3A_56 = vector.shape_cast %add3A_52 : vector<16xf32> to vector<16xf32>
    tpu.vector_store %arg5[%swap3A_53], %swap3A_56 {strides = array<i32>} : memref<1024xf32, #tpu.memory_space<vmem>>, vector<16xf32>,
    %add3A_57 = arith.constant 1.000000e+00 : f32
    %add3A_58 = vector.broadcast %add3A_57 : f32 to vector<16xf32>
    %add3A_59 = arith.addf %broadcast_in_dim3A_1, %add3A_58 : vector<16xf32>
    %swap3A_60 = arith.constant 128 : index
    %swap3A_61 = tpu.vector_load %arg5[%swap3A_60] {strides = array<i32>} : memref<1024xf32, #tpu.memory_space<vmem>>, vector<16xf32>,
    %swap3A_62 = vector.shape_cast %swap3A_61 : vector<16xf32> to vector<16xf32>
    %swap3A_63 = vector.shape_cast %add3A_59 : vector<16xf32> to vector<16xf32>
    tpu.vector_store %arg5[%swap3A_60], %swap3A_63 {strides = array<i32>} : memref<1024xf32, #tpu.memory_space<vmem>>, vector<16xf32>,
    %add3A_64 = arith.constant 1.000000e+00 : f32
    %add3A_65 = vector.broadcast %add3A_64 : f32 to vector<16xf32>
    %add3A_66 = arith.addf %broadcast_in_dim3A_1, %add3A_65 : vector<16xf32>
    %swap3A_67 = arith.constant 144 : index
    %swap3A_68 = tpu.vector_load %arg5[%swap3A_67] {strides = array<i32>} : memref<1024xf32, #tpu.memory_space<vmem>>, vector<16xf32>,
    %swap3A_69 = vector.shape_cast %swap3A_68 : vector<16xf32> to vector<16xf32>
    %swap3A_70 = vector.shape_cast %add3A_66 : vector<16xf32> to vector<16xf32>
    tpu.vector_store %arg5[%swap3A_67], %swap3A_70 {strides = array<i32>} : memref<1024xf32, #tpu.memory_space<vmem>>, vector<16xf32>,
    %add3A_71 = arith.constant 1.000000e+00 : f32
    %add3A_72 = vector.broadcast %add3A_71 : f32 to vector<16xf32>
    %add3A_73 = arith.addf %broadcast_in_dim3A_1, %add3A_72 : vector<16xf32>
    %swap3A_74 = arith.constant 160 : index
    %swap3A_75 = tpu.vector_load %arg5[%swap3A_74] {strides = array<i32>} : memref<1024xf32, #tpu.memory_space<vmem>>, vector<16xf32>,
    %swap3A_76 = vector.shape_cast %swap3A_75 : vector<16xf32> to vector<16xf32>
    %swap3A_77 = vector.shape_cast %add3A_73 : vector<16xf32> to vector<16xf32>
    tpu.vector_store %arg5[%swap3A_74], %swap3A_77 {strides = array<i32>} : memref<1024xf32, #tpu.memory_space<vmem>>, vector<16xf32>,
    %add3A_78 = arith.constant 1.000000e+00 : f32
    %add3A_79 = vector.broadcast %add3A_78 : f32 to vector<16xf32>
    %add3A_80 = arith.addf %broadcast_in_dim3A_1, %add3A_79 : vector<16xf32>
    %swap3A_81 = arith.constant 176 : index
    %swap3A_82 = tpu.vector_load %arg5[%swap3A_81] {strides = array<i32>} : memref<1024xf32, #tpu.memory_space<vmem>>, vector<16xf32>,
    %swap3A_83 = vector.shape_cast %swap3A_82 : vector<16xf32> to vector<16xf32>
    %swap3A_84 = vector.shape_cast %add3A_80 : vector<16xf32> to vector<16xf32>
    tpu.vector_store %arg5[%swap3A_81], %swap3A_84 {strides = array<i32>} : memref<1024xf32, #tpu.memory_space<vmem>>, vector<16xf32>,
    %add3A_85 = arith.constant 1.000000e+00 : f32
    %add3A_86 = vector.broadcast %add3A_85 : f32 to vector<16xf32>
    %add3A_87 = arith.addf %broadcast_in_dim3A_1, %add3A_86 : vector<16xf32>
    %swap3A_88 = arith.constant 192 : index
    %swap3A_89 = tpu.vector_load %arg5[%swap3A_88] {strides = array<i32>} : memref<1024xf32, #tpu.memory_space<vmem>>, vector<16xf32>,
    %swap3A_90 = vector.shape_cast %swap3A_89 : vector<16xf32> to vector<16xf32>
    %swap3A_91 = vector.shape_cast %add3A_87 : vector<16xf32> to vector<16xf32>
    tpu.vector_store %arg5[%swap3A_88], %swap3A_91 {strides = array<i32>} : memref<1024xf32, #tpu.memory_space<vmem>>, vector<16xf32>,
    %add3A_92 = arith.constant 1.000000e+00 : f32
    %add3A_93 = vector.broadcast %add3A_92 : f32 to vector<16xf32>
    %add3A_94 = arith.addf %broadcast_in_dim3A_1, %add3A_93 : vector<16xf32>
    %swap3A_95 = arith.constant 208 : index
    %swap3A_96 = tpu.vector_load %arg5[%swap3A_95] {strides = array<i32>} : memref<1024xf32, #tpu.memory_space<vmem>>, vector<16xf32>,
    %swap3A_97 = vector.shape_cast %swap3A_96 : vector<16xf32> to vector<16xf32>
    %swap3A_98 = vector.shape_cast %add3A_94 : vector<16xf32> to vector<16xf32>
    tpu.vector_store %arg5[%swap3A_95], %swap3A_98 {strides = array<i32>} : memref<1024xf32, #tpu.memory_space<vmem>>, vector<16xf32>,
    %add3A_99 = arith.constant 1.000000e+00 : f32
    %add3A_100 = vector.broadcast %add3A_99 : f32 to vector<16xf32>
    %add3A_101 = arith.addf %broadcast_in_dim3A_1, %add3A_100 : vector<16xf32>
    %swap3A_102 = arith.constant 224 : index
    %swap3A_103 = tpu.vector_load %arg5[%swap3A_102] {strides = array<i32>} : memref<1024xf32, #tpu.memory_space<vmem>>, vector<16xf32>,
    %swap3A_104 = vector.shape_cast %swap3A_103 : vector<16xf32> to vector<16xf32>
    %swap3A_105 = vector.shape_cast %add3A_101 : vector<16xf32> to vector<16xf32>
    tpu.vector_store %arg5[%swap3A_102], %swap3A_105 {strides = array<i32>} : memref<1024xf32, #tpu.memory_space<vmem>>, vector<16xf32>,
    %add3A_106 = arith.constant 1.000000e+00 : f32
    %add3A_107 = vector.broadcast %add3A_106 : f32 to vector<16xf32>
    %add3A_108 = arith.addf %broadcast_in_dim3A_1, %add3A_107 : vector<16xf32>
    %swap3A_109 = arith.constant 240 : index
    %swap3A_110 = tpu.vector_load %arg5[%swap3A_109] {strides = array<i32>} : memref<1024xf32, #tpu.memory_space<vmem>>, vector<16xf32>,
    %swap3A_111 = vector.shape_cast %swap3A_110 : vector<16xf32> to vector<16xf32>
    %swap3A_112 = vector.shape_cast %add3A_108 : vector<16xf32> to vector<16xf32>
    tpu.vector_store %arg5[%swap3A_109], %swap3A_112 {strides = array<i32>} : memref<1024xf32, #tpu.memory_space<vmem>>, vector<16xf32>,
    %add3A_113 = arith.constant 1.000000e+00 : f32
    %add3A_114 = vector.broadcast %add3A_113 : f32 to vector<16xf32>
    %add3A_115 = arith.addf %broadcast_in_dim3A_1, %add3A_114 : vector<16xf32>
    %swap3A_116 = arith.constant 256 : index
    %swap3A_117 = tpu.vector_load %arg5[%swap3A_116] {strides = array<i32>} : memref<1024xf32, #tpu.memory_space<vmem>>, vector<16xf32>,
    %swap3A_118 = vector.shape_cast %swap3A_117 : vector<16xf32> to vector<16xf32>
    %swap3A_119 = vector.shape_cast %add3A_115 : vector<16xf32> to vector<16xf32>
    tpu.vector_store %arg5[%swap3A_116], %swap3A_119 {strides = array<i32>} : memref<1024xf32, #tpu.memory_space<vmem>>, vector<16xf32>,
    %add3A_120 = arith.constant 1.000000e+00 : f32
    %add3A_121 = vector.broadcast %add3A_120 : f32 to vector<16xf32>
    %add3A_122 = arith.addf %broadcast_in_dim3A_1, %add3A_121 : vector<16xf32>
    %swap3A_123 = arith.constant 272 : index
    %swap3A_124 = tpu.vector_load %arg5[%swap3A_123] {strides = array<i32>} : memref<1024xf32, #tpu.memory_space<vmem>>, vector<16xf32>,
    %swap3A_125 = vector.shape_cast %swap3A_124 : vector<16xf32> to vector<16xf32>
    %swap3A_126 = vector.shape_cast %add3A_122 : vector<16xf32> to vector<16xf32>
    tpu.vector_store %arg5[%swap3A_123], %swap3A_126 {strides = array<i32>} : memref<1024xf32, #tpu.memory_space<vmem>>, vector<16xf32>,
    %add3A_127 = arith.constant 1.000000e+00 : f32
    %add3A_128 = vector.broadcast %add3A_127 : f32 to vector<16xf32>
    %add3A_129 = arith.addf %broadcast_in_dim3A_1, %add3A_128 : vector<16xf32>
    %swap3A_130 = arith.constant 288 : index
    %swap3A_131 = tpu.vector_load %arg5[%swap3A_130] {strides = array<i32>} : memref<1024xf32, #tpu.memory_space<vmem>>, vector<16xf32>,
    %swap3A_132 = vector.shape_cast %swap3A_131 : vector<16xf32> to vector<16xf32>
    %swap3A_133 = vector.shape_cast %add3A_129 : vector<16xf32> to vector<16xf32>
    tpu.vector_store %arg5[%swap3A_130], %swap3A_133 {strides = array<i32>} : memref<1024xf32, #tpu.memory_space<vmem>>, vector<16xf32>,
    %add3A_134 = arith.constant 1.000000e+00 : f32
    %add3A_135 = vector.broadcast %add3A_134 : f32 to vector<16xf32>
    %add3A_136 = arith.addf %broadcast_in_dim3A_1, %add3A_135 : vector<16xf32>
    %swap3A_137 = arith.constant 304 : index
    %swap3A_138 = tpu.vector_load %arg5[%swap3A_137] {strides = array<i32>} : memref<1024xf32, #tpu.memory_space<vmem>>, vector<16xf32>,
    %swap3A_139 = vector.shape_cast %swap3A_138 : vector<16xf32> to vector<16xf32>
    %swap3A_140 = vector.shape_cast %add3A_136 : vector<16xf32> to vector<16xf32>
    tpu.vector_store %arg5[%swap3A_137], %swap3A_140 {strides = array<i32>} : memref<1024xf32, #tpu.memory_space<vmem>>, vector<16xf32>,
    %add3A_141 = arith.constant 1.000000e+00 : f32
    %add3A_142 = vector.broadcast %add3A_141 : f32 to vector<16xf32>
    %add3A_143 = arith.addf %broadcast_in_dim3A_1, %add3A_142 : vector<16xf32>
    %swap3A_144 = arith.constant 320 : index
    %swap3A_145 = tpu.vector_load %arg5[%swap3A_144] {strides = array<i32>} : memref<1024xf32, #tpu.memory_space<vmem>>, vector<16xf32>,
    %swap3A_146 = vector.shape_cast %swap3A_145 : vector<16xf32> to vector<16xf32>
    %swap3A_147 = vector.shape_cast %add3A_143 : vector<16xf32> to vector<16xf32>
    tpu.vector_store %arg5[%swap3A_144], %swap3A_147 {strides = array<i32>} : memref<1024xf32, #tpu.memory_space<vmem>>, vector<16xf32>,
    %add3A_148 = arith.constant 1.000000e+00 : f32
    %add3A_149 = vector.broadcast %add3A_148 : f32 to vector<16xf32>
    %add3A_150 = arith.addf %broadcast_in_dim3A_1, %add3A_149 : vector<16xf32>
    %swap3A_151 = arith.constant 336 : index
    %swap3A_152 = tpu.vector_load %arg5[%swap3A_151] {strides = array<i32>} : memref<1024xf32, #tpu.memory_space<vmem>>, vector<16xf32>,
    %swap3A_153 = vector.shape_cast %swap3A_152 : vector<16xf32> to vector<16xf32>
    %swap3A_154 = vector.shape_cast %add3A_150 : vector<16xf32> to vector<16xf32>
    tpu.vector_store %arg5[%swap3A_151], %swap3A_154 {strides = array<i32>} : memref<1024xf32, #tpu.memory_space<vmem>>, vector<16xf32>,
    %add3A_155 = arith.constant 1.000000e+00 : f32
    %add3A_156 = vector.broadcast %add3A_155 : f32 to vector<16xf32>
    %add3A_157 = arith.addf %broadcast_in_dim3A_1, %add3A_156 : vector<16xf32>
    %swap3A_158 = arith.constant 352 : index
    %swap3A_159 = tpu.vector_load %arg5[%swap3A_158] {strides = array<i32>} : memref<1024xf32, #tpu.memory_space<vmem>>, vector<16xf32>,
    %swap3A_160 = vector.shape_cast %swap3A_159 : vector<16xf32> to vector<16xf32>
    %swap3A_161 = vector.shape_cast %add3A_157 : vector<16xf32> to vector<16xf32>
    tpu.vector_store %arg5[%swap3A_158], %swap3A_161 {strides = array<i32>} : memref<1024xf32, #tpu.memory_space<vmem>>, vector<16xf32>,
    %add3A_162 = arith.constant 1.000000e+00 : f32
    %add3A_163 = vector.broadcast %add3A_162 : f32 to vector<16xf32>
    %add3A_164 = arith.addf %broadcast_in_dim3A_1, %add3A_163 : vector<16xf32>
    %swap3A_165 = arith.constant 368 : index
    %swap3A_166 = tpu.vector_load %arg5[%swap3A_165] {strides = array<i32>} : memref<1024xf32, #tpu.memory_space<vmem>>, vector<16xf32>,
    %swap3A_167 = vector.shape_cast %swap3A_166 : vector<16xf32> to vector<16xf32>
    %swap3A_168 = vector.shape_cast %add3A_164 : vector<16xf32> to vector<16xf32>
    tpu.vector_store %arg5[%swap3A_165], %swap3A_168 {strides = array<i32>} : memref<1024xf32, #tpu.memory_space<vmem>>, vector<16xf32>,
    %add3A_169 = arith.constant 1.000000e+00 : f32
    %add3A_170 = vector.broadcast %add3A_169 : f32 to vector<16xf32>
    %add3A_171 = arith.addf %broadcast_in_dim3A_1, %add3A_170 : vector<16xf32>
    %swap3A_172 = arith.constant 384 : index
    %swap3A_173 = tpu.vector_load %arg5[%swap3A_172] {strides = array<i32>} : memref<1024xf32, #tpu.memory_space<vmem>>, vector<16xf32>,
    %swap3A_174 = vector.shape_cast %swap3A_173 : vector<16xf32> to vector<16xf32>
    %swap3A_175 = vector.shape_cast %add3A_171 : vector<16xf32> to vector<16xf32>
    tpu.vector_store %arg5[%swap3A_172], %swap3A_175 {strides = array<i32>} : memref<1024xf32, #tpu.memory_space<vmem>>, vector<16xf32>,
    %add3A_176 = arith.constant 1.000000e+00 : f32
    %add3A_177 = vector.broadcast %add3A_176 : f32 to vector<16xf32>
    %add3A_178 = arith.addf %broadcast_in_dim3A_1, %add3A_177 : vector<16xf32>
    %swap3A_179 = arith.constant 400 : index
    %swap3A_180 = tpu.vector_load %arg5[%swap3A_179] {strides = array<i32>} : memref<1024xf32, #tpu.memory_space<vmem>>, vector<16xf32>,
    %swap3A_181 = vector.shape_cast %swap3A_180 : vector<16xf32> to vector<16xf32>
    %swap3A_182 = vector.shape_cast %add3A_178 : vector<16xf32> to vector<16xf32>
    tpu.vector_store %arg5[%swap3A_179], %swap3A_182 {strides = array<i32>} : memref<1024xf32, #tpu.memory_space<vmem>>, vector<16xf32>,
    %add3A_183 = arith.constant 1.000000e+00 : f32
    %add3A_184 = vector.broadcast %add3A_183 : f32 to vector<16xf32>
    %add3A_185 = arith.addf %broadcast_in_dim3A_1, %add3A_184 : vector<16xf32>
    %swap3A_186 = arith.constant 416 : index
    %swap3A_187 = tpu.vector_load %arg5[%swap3A_186] {strides = array<i32>} : memref<1024xf32, #tpu.memory_space<vmem>>, vector<16xf32>,
    %swap3A_188 = vector.shape_cast %swap3A_187 : vector<16xf32> to vector<16xf32>
    %swap3A_189 = vector.shape_cast %add3A_185 : vector<16xf32> to vector<16xf32>
    tpu.vector_store %arg5[%swap3A_186], %swap3A_189 {strides = array<i32>} : memref<1024xf32, #tpu.memory_space<vmem>>, vector<16xf32>,
    %add3A_190 = arith.constant 1.000000e+00 : f32
    %add3A_191 = vector.broadcast %add3A_190 : f32 to vector<16xf32>
    %add3A_192 = arith.addf %broadcast_in_dim3A_1, %add3A_191 : vector<16xf32>
    %swap3A_193 = arith.constant 432 : index
    %swap3A_194 = tpu.vector_load %arg5[%swap3A_193] {strides = array<i32>} : memref<1024xf32, #tpu.memory_space<vmem>>, vector<16xf32>,
    %swap3A_195 = vector.shape_cast %swap3A_194 : vector<16xf32> to vector<16xf32>
    %swap3A_196 = vector.shape_cast %add3A_192 : vector<16xf32> to vector<16xf32>
    tpu.vector_store %arg5[%swap3A_193], %swap3A_196 {strides = array<i32>} : memref<1024xf32, #tpu.memory_space<vmem>>, vector<16xf32>,
    %add3A_197 = arith.constant 1.000000e+00 : f32
    %add3A_198 = vector.broadcast %add3A_197 : f32 to vector<16xf32>
    %add3A_199 = arith.addf %broadcast_in_dim3A_1, %add3A_198 : vector<16xf32>
    %swap3A_200 = arith.constant 448 : index
    %swap3A_201 = tpu.vector_load %arg5[%swap3A_200] {strides = array<i32>} : memref<1024xf32, #tpu.memory_space<vmem>>, vector<16xf32>,
    %swap3A_202 = vector.shape_cast %swap3A_201 : vector<16xf32> to vector<16xf32>
    %swap3A_203 = vector.shape_cast %add3A_199 : vector<16xf32> to vector<16xf32>
    tpu.vector_store %arg5[%swap3A_200], %swap3A_203 {strides = array<i32>} : memref<1024xf32, #tpu.memory_space<vmem>>, vector<16xf32>,
    %add3A_204 = arith.constant 1.000000e+00 : f32
    %add3A_205 = vector.broadcast %add3A_204 : f32 to vector<16xf32>
    %add3A_206 = arith.addf %broadcast_in_dim3A_1, %add3A_205 : vector<16xf32>
    %swap3A_207 = arith.constant 464 : index
    %swap3A_208 = tpu.vector_load %arg5[%swap3A_207] {strides = array<i32>} : memref<1024xf32, #tpu.memory_space<vmem>>, vector<16xf32>,
    %swap3A_209 = vector.shape_cast %swap3A_208 : vector<16xf32> to vector<16xf32>
    %swap3A_210 = vector.shape_cast %add3A_206 : vector<16xf32> to vector<16xf32>
    tpu.vector_store %arg5[%swap3A_207], %swap3A_210 {strides = array<i32>} : memref<1024xf32, #tpu.memory_space<vmem>>, vector<16xf32>,
    %add3A_211 = arith.constant 1.000000e+00 : f32
    %add3A_212 = vector.broadcast %add3A_211 : f32 to vector<16xf32>
    %add3A_213 = arith.addf %broadcast_in_dim3A_1, %add3A_212 : vector<16xf32>
    %swap3A_214 = arith.constant 480 : index
    %swap3A_215 = tpu.vector_load %arg5[%swap3A_214] {strides = array<i32>} : memref<1024xf32, #tpu.memory_space<vmem>>, vector<16xf32>,
    %swap3A_216 = vector.shape_cast %swap3A_215 : vector<16xf32> to vector<16xf32>
    %swap3A_217 = vector.shape_cast %add3A_213 : vector<16xf32> to vector<16xf32>
    tpu.vector_store %arg5[%swap3A_214], %swap3A_217 {strides = array<i32>} : memref<1024xf32, #tpu.memory_space<vmem>>, vector<16xf32>,
    %add3A_218 = arith.constant 1.000000e+00 : f32
    %add3A_219 = vector.broadcast %add3A_218 : f32 to vector<16xf32>
    %add3A_220 = arith.addf %broadcast_in_dim3A_1, %add3A_219 : vector<16xf32>
    %swap3A_221 = arith.constant 496 : index
    %swap3A_222 = tpu.vector_load %arg5[%swap3A_221] {strides = array<i32>} : memref<1024xf32, #tpu.memory_space<vmem>>, vector<16xf32>,
    %swap3A_223 = vector.shape_cast %swap3A_222 : vector<16xf32> to vector<16xf32>
    %swap3A_224 = vector.shape_cast %add3A_220 : vector<16xf32> to vector<16xf32>
    tpu.vector_store %arg5[%swap3A_221], %swap3A_224 {strides = array<i32>} : memref<1024xf32, #tpu.memory_space<vmem>>, vector<16xf32>,
    %add3A_225 = arith.constant 1.000000e+00 : f32
    %add3A_226 = vector.broadcast %add3A_225 : f32 to vector<16xf32>
    %add3A_227 = arith.addf %broadcast_in_dim3A_1, %add3A_226 : vector<16xf32>
    %swap3A_228 = arith.constant 512 : index
    %swap3A_229 = tpu.vector_load %arg5[%swap3A_228] {strides = array<i32>} : memref<1024xf32, #tpu.memory_space<vmem>>, vector<16xf32>,
    %swap3A_230 = vector.shape_cast %swap3A_229 : vector<16xf32> to vector<16xf32>
    %swap3A_231 = vector.shape_cast %add3A_227 : vector<16xf32> to vector<16xf32>
    tpu.vector_store %arg5[%swap3A_228], %swap3A_231 {strides = array<i32>} : memref<1024xf32, #tpu.memory_space<vmem>>, vector<16xf32>,
    %add3A_232 = arith.constant 1.000000e+00 : f32
    %add3A_233 = vector.broadcast %add3A_232 : f32 to vector<16xf32>
    %add3A_234 = arith.addf %broadcast_in_dim3A_1, %add3A_233 : vector<16xf32>
    %swap3A_235 = arith.constant 528 : index
    %swap3A_236 = tpu.vector_load %arg5[%swap3A_235] {strides = array<i32>} : memref<1024xf32, #tpu.memory_space<vmem>>, vector<16xf32>,
    %swap3A_237 = vector.shape_cast %swap3A_236 : vector<16xf32> to vector<16xf32>
    %swap3A_238 = vector.shape_cast %add3A_234 : vector<16xf32> to vector<16xf32>
    tpu.vector_store %arg5[%swap3A_235], %swap3A_238 {strides = array<i32>} : memref<1024xf32, #tpu.memory_space<vmem>>, vector<16xf32>,
    %add3A_239 = arith.constant 1.000000e+00 : f32
    %add3A_240 = vector.broadcast %add3A_239 : f32 to vector<16xf32>
    %add3A_241 = arith.addf %broadcast_in_dim3A_1, %add3A_240 : vector<16xf32>
    %swap3A_242 = arith.constant 544 : index
    %swap3A_243 = tpu.vector_load %arg5[%swap3A_242] {strides = array<i32>} : memref<1024xf32, #tpu.memory_space<vmem>>, vector<16xf32>,
    %swap3A_244 = vector.shape_cast %swap3A_243 : vector<16xf32> to vector<16xf32>
    %swap3A_245 = vector.shape_cast %add3A_241 : vector<16xf32> to vector<16xf32>
    tpu.vector_store %arg5[%swap3A_242], %swap3A_245 {strides = array<i32>} : memref<1024xf32, #tpu.memory_space<vmem>>, vector<16xf32>,
    %add3A_246 = arith.constant 1.000000e+00 : f32
    %add3A_247 = vector.broadcast %add3A_246 : f32 to vector<16xf32>
    %add3A_248 = arith.addf %broadcast_in_dim3A_1, %add3A_247 : vector<16xf32>
    %swap3A_249 = arith.constant 560 : index
    %swap3A_250 = tpu.vector_load %arg5[%swap3A_249] {strides = array<i32>} : memref<1024xf32, #tpu.memory_space<vmem>>, vector<16xf32>,
    %swap3A_251 = vector.shape_cast %swap3A_250 : vector<16xf32> to vector<16xf32>
    %swap3A_252 = vector.shape_cast %add3A_248 : vector<16xf32> to vector<16xf32>
    tpu.vector_store %arg5[%swap3A_249], %swap3A_252 {strides = array<i32>} : memref<1024xf32, #tpu.memory_space<vmem>>, vector<16xf32>,
    %add3A_253 = arith.constant 1.000000e+00 : f32
    %add3A_254 = vector.broadcast %add3A_253 : f32 to vector<16xf32>
    %add3A_255 = arith.addf %broadcast_in_dim3A_1, %add3A_254 : vector<16xf32>
    %swap3A_256 = arith.constant 576 : index
    %swap3A_257 = tpu.vector_load %arg5[%swap3A_256] {strides = array<i32>} : memref<1024xf32, #tpu.memory_space<vmem>>, vector<16xf32>,
    %swap3A_258 = vector.shape_cast %swap3A_257 : vector<16xf32> to vector<16xf32>
    %swap3A_259 = vector.shape_cast %add3A_255 : vector<16xf32> to vector<16xf32>
    tpu.vector_store %arg5[%swap3A_256], %swap3A_259 {strides = array<i32>} : memref<1024xf32, #tpu.memory_space<vmem>>, vector<16xf32>,
    %add3A_260 = arith.constant 1.000000e+00 : f32
    %add3A_261 = vector.broadcast %add3A_260 : f32 to vector<16xf32>
    %add3A_262 = arith.addf %broadcast_in_dim3A_1, %add3A_261 : vector<16xf32>
    %swap3A_263 = arith.constant 592 : index
    %swap3A_264 = tpu.vector_load %arg5[%swap3A_263] {strides = array<i32>} : memref<1024xf32, #tpu.memory_space<vmem>>, vector<16xf32>,
    %swap3A_265 = vector.shape_cast %swap3A_264 : vector<16xf32> to vector<16xf32>
    %swap3A_266 = vector.shape_cast %add3A_262 : vector<16xf32> to vector<16xf32>
    tpu.vector_store %arg5[%swap3A_263], %swap3A_266 {strides = array<i32>} : memref<1024xf32, #tpu.memory_space<vmem>>, vector<16xf32>,
    %add3A_267 = arith.constant 1.000000e+00 : f32
    %add3A_268 = vector.broadcast %add3A_267 : f32 to vector<16xf32>
    %add3A_269 = arith.addf %broadcast_in_dim3A_1, %add3A_268 : vector<16xf32>
    %swap3A_270 = arith.constant 608 : index
    %swap3A_271 = tpu.vector_load %arg5[%swap3A_270] {strides = array<i32>} : memref<1024xf32, #tpu.memory_space<vmem>>, vector<16xf32>,
    %swap3A_272 = vector.shape_cast %swap3A_271 : vector<16xf32> to vector<16xf32>
    %swap3A_273 = vector.shape_cast %add3A_269 : vector<16xf32> to vector<16xf32>
    tpu.vector_store %arg5[%swap3A_270], %swap3A_273 {strides = array<i32>} : memref<1024xf32, #tpu.memory_space<vmem>>, vector<16xf32>,
    %add3A_274 = arith.constant 1.000000e+00 : f32
    %add3A_275 = vector.broadcast %add3A_274 : f32 to vector<16xf32>
    %add3A_276 = arith.addf %broadcast_in_dim3A_1, %add3A_275 : vector<16xf32>
    %swap3A_277 = arith.constant 624 : index
    %swap3A_278 = tpu.vector_load %arg5[%swap3A_277] {strides = array<i32>} : memref<1024xf32, #tpu.memory_space<vmem>>, vector<16xf32>,
    %swap3A_279 = vector.shape_cast %swap3A_278 : vector<16xf32> to vector<16xf32>
    %swap3A_280 = vector.shape_cast %add3A_276 : vector<16xf32> to vector<16xf32>
    tpu.vector_store %arg5[%swap3A_277], %swap3A_280 {strides = array<i32>} : memref<1024xf32, #tpu.memory_space<vmem>>, vector<16xf32>,
    %add3A_281 = arith.constant 1.000000e+00 : f32
    %add3A_282 = vector.broadcast %add3A_281 : f32 to vector<16xf32>
    %add3A_283 = arith.addf %broadcast_in_dim3A_1, %add3A_282 : vector<16xf32>
    %swap3A_284 = arith.constant 640 : index
    %swap3A_285 = tpu.vector_load %arg5[%swap3A_284] {strides = array<i32>} : memref<1024xf32, #tpu.memory_space<vmem>>, vector<16xf32>,
    %swap3A_286 = vector.shape_cast %swap3A_285 : vector<16xf32> to vector<16xf32>
    %swap3A_287 = vector.shape_cast %add3A_283 : vector<16xf32> to vector<16xf32>
    tpu.vector_store %arg5[%swap3A_284], %swap3A_287 {strides = array<i32>} : memref<1024xf32, #tpu.memory_space<vmem>>, vector<16xf32>,
    %add3A_288 = arith.constant 1.000000e+00 : f32
    %add3A_289 = vector.broadcast %add3A_288 : f32 to vector<16xf32>
    %add3A_290 = arith.addf %broadcast_in_dim3A_1, %add3A_289 : vector<16xf32>
    %swap3A_291 = arith.constant 656 : index
    %swap3A_292 = tpu.vector_load %arg5[%swap3A_291] {strides = array<i32>} : memref<1024xf32, #tpu.memory_space<vmem>>, vector<16xf32>,
    %swap3A_293 = vector.shape_cast %swap3A_292 : vector<16xf32> to vector<16xf32>
    %swap3A_294 = vector.shape_cast %add3A_290 : vector<16xf32> to vector<16xf32>
    tpu.vector_store %arg5[%swap3A_291], %swap3A_294 {strides = array<i32>} : memref<1024xf32, #tpu.memory_space<vmem>>, vector<16xf32>,
    %add3A_295 = arith.constant 1.000000e+00 : f32
    %add3A_296 = vector.broadcast %add3A_295 : f32 to vector<16xf32>
    %add3A_297 = arith.addf %broadcast_in_dim3A_1, %add3A_296 : vector<16xf32>
    %swap3A_298 = arith.constant 672 : index
    %swap3A_299 = tpu.vector_load %arg5[%swap3A_298] {strides = array<i32>} : memref<1024xf32, #tpu.memory_space<vmem>>, vector<16xf32>,
    %swap3A_300 = vector.shape_cast %swap3A_299 : vector<16xf32> to vector<16xf32>
    %swap3A_301 = vector.shape_cast %add3A_297 : vector<16xf32> to vector<16xf32>
    tpu.vector_store %arg5[%swap3A_298], %swap3A_301 {strides = array<i32>} : memref<1024xf32, #tpu.memory_space<vmem>>, vector<16xf32>,
    %add3A_302 = arith.constant 1.000000e+00 : f32
    %add3A_303 = vector.broadcast %add3A_302 : f32 to vector<16xf32>
    %add3A_304 = arith.addf %broadcast_in_dim3A_1, %add3A_303 : vector<16xf32>
    %swap3A_305 = arith.constant 688 : index
    %swap3A_306 = tpu.vector_load %arg5[%swap3A_305] {strides = array<i32>} : memref<1024xf32, #tpu.memory_space<vmem>>, vector<16xf32>,
    %swap3A_307 = vector.shape_cast %swap3A_306 : vector<16xf32> to vector<16xf32>
    %swap3A_308 = vector.shape_cast %add3A_304 : vector<16xf32> to vector<16xf32>
    tpu.vector_store %arg5[%swap3A_305], %swap3A_308 {strides = array<i32>} : memref<1024xf32, #tpu.memory_space<vmem>>, vector<16xf32>,
    %add3A_309 = arith.constant 1.000000e+00 : f32
    %add3A_310 = vector.broadcast %add3A_309 : f32 to vector<16xf32>
    %add3A_311 = arith.addf %broadcast_in_dim3A_1, %add3A_310 : vector<16xf32>
    %swap3A_312 = arith.constant 704 : index
    %swap3A_313 = tpu.vector_load %arg5[%swap3A_312] {strides = array<i32>} : memref<1024xf32, #tpu.memory_space<vmem>>, vector<16xf32>,
    %swap3A_314 = vector.shape_cast %swap3A_313 : vector<16xf32> to vector<16xf32>
    %swap3A_315 = vector.shape_cast %add3A_311 : vector<16xf32> to vector<16xf32>
    tpu.vector_store %arg5[%swap3A_312], %swap3A_315 {strides = array<i32>} : memref<1024xf32, #tpu.memory_space<vmem>>, vector<16xf32>,
    %add3A_316 = arith.constant 1.000000e+00 : f32
    %add3A_317 = vector.broadcast %add3A_316 : f32 to vector<16xf32>
    %add3A_318 = arith.addf %broadcast_in_dim3A_1, %add3A_317 : vector<16xf32>
    %swap3A_319 = arith.constant 720 : index
    %swap3A_320 = tpu.vector_load %arg5[%swap3A_319] {strides = array<i32>} : memref<1024xf32, #tpu.memory_space<vmem>>, vector<16xf32>,
    %swap3A_321 = vector.shape_cast %swap3A_320 : vector<16xf32> to vector<16xf32>
    %swap3A_322 = vector.shape_cast %add3A_318 : vector<16xf32> to vector<16xf32>
    tpu.vector_store %arg5[%swap3A_319], %swap3A_322 {strides = array<i32>} : memref<1024xf32, #tpu.memory_space<vmem>>, vector<16xf32>,
    %add3A_323 = arith.constant 1.000000e+00 : f32
    %add3A_324 = vector.broadcast %add3A_323 : f32 to vector<16xf32>
    %add3A_325 = arith.addf %broadcast_in_dim3A_1, %add3A_324 : vector<16xf32>
    %swap3A_326 = arith.constant 736 : index
    %swap3A_327 = tpu.vector_load %arg5[%swap3A_326] {strides = array<i32>} : memref<1024xf32, #tpu.memory_space<vmem>>, vector<16xf32>,
    %swap3A_328 = vector.shape_cast %swap3A_327 : vector<16xf32> to vector<16xf32>
    %swap3A_329 = vector.shape_cast %add3A_325 : vector<16xf32> to vector<16xf32>
    tpu.vector_store %arg5[%swap3A_326], %swap3A_329 {strides = array<i32>} : memref<1024xf32, #tpu.memory_space<vmem>>, vector<16xf32>,
    %add3A_330 = arith.constant 1.000000e+00 : f32
    %add3A_331 = vector.broadcast %add3A_330 : f32 to vector<16xf32>
    %add3A_332 = arith.addf %broadcast_in_dim3A_1, %add3A_331 : vector<16xf32>
    %swap3A_333 = arith.constant 752 : index
    %swap3A_334 = tpu.vector_load %arg5[%swap3A_333] {strides = array<i32>} : memref<1024xf32, #tpu.memory_space<vmem>>, vector<16xf32>,
    %swap3A_335 = vector.shape_cast %swap3A_334 : vector<16xf32> to vector<16xf32>
    %swap3A_336 = vector.shape_cast %add3A_332 : vector<16xf32> to vector<16xf32>
    tpu.vector_store %arg5[%swap3A_333], %swap3A_336 {strides = array<i32>} : memref<1024xf32, #tpu.memory_space<vmem>>, vector<16xf32>,
    %add3A_337 = arith.constant 1.000000e+00 : f32
    %add3A_338 = vector.broadcast %add3A_337 : f32 to vector<16xf32>
    %add3A_339 = arith.addf %broadcast_in_dim3A_1, %add3A_338 : vector<16xf32>
    %swap3A_340 = arith.constant 768 : index
    %swap3A_341 = tpu.vector_load %arg5[%swap3A_340] {strides = array<i32>} : memref<1024xf32, #tpu.memory_space<vmem>>, vector<16xf32>,
    %swap3A_342 = vector.shape_cast %swap3A_341 : vector<16xf32> to vector<16xf32>
    %swap3A_343 = vector.shape_cast %add3A_339 : vector<16xf32> to vector<16xf32>
    tpu.vector_store %arg5[%swap3A_340], %swap3A_343 {strides = array<i32>} : memref<1024xf32, #tpu.memory_space<vmem>>, vector<16xf32>,
    %add3A_344 = arith.constant 1.000000e+00 : f32
    %add3A_345 = vector.broadcast %add3A_344 : f32 to vector<16xf32>
    %add3A_346 = arith.addf %broadcast_in_dim3A_1, %add3A_345 : vector<16xf32>
    %swap3A_347 = arith.constant 784 : index
    %swap3A_348 = tpu.vector_load %arg5[%swap3A_347] {strides = array<i32>} : memref<1024xf32, #tpu.memory_space<vmem>>, vector<16xf32>,
    %swap3A_349 = vector.shape_cast %swap3A_348 : vector<16xf32> to vector<16xf32>
    %swap3A_350 = vector.shape_cast %add3A_346 : vector<16xf32> to vector<16xf32>
    tpu.vector_store %arg5[%swap3A_347], %swap3A_350 {strides = array<i32>} : memref<1024xf32, #tpu.memory_space<vmem>>, vector<16xf32>,
    %add3A_351 = arith.constant 1.000000e+00 : f32
    %add3A_352 = vector.broadcast %add3A_351 : f32 to vector<16xf32>
    %add3A_353 = arith.addf %broadcast_in_dim3A_1, %add3A_352 : vector<16xf32>
    %swap3A_354 = arith.constant 800 : index
    %swap3A_355 = tpu.vector_load %arg5[%swap3A_354] {strides = array<i32>} : memref<1024xf32, #tpu.memory_space<vmem>>, vector<16xf32>,
    %swap3A_356 = vector.shape_cast %swap3A_355 : vector<16xf32> to vector<16xf32>
    %swap3A_357 = vector.shape_cast %add3A_353 : vector<16xf32> to vector<16xf32>
    tpu.vector_store %arg5[%swap3A_354], %swap3A_357 {strides = array<i32>} : memref<1024xf32, #tpu.memory_space<vmem>>, vector<16xf32>,
    %add3A_358 = arith.constant 1.000000e+00 : f32
    %add3A_359 = vector.broadcast %add3A_358 : f32 to vector<16xf32>
    %add3A_360 = arith.addf %broadcast_in_dim3A_1, %add3A_359 : vector<16xf32>
    %swap3A_361 = arith.constant 816 : index
    %swap3A_362 = tpu.vector_load %arg5[%swap3A_361] {strides = array<i32>} : memref<1024xf32, #tpu.memory_space<vmem>>, vector<16xf32>,
    %swap3A_363 = vector.shape_cast %swap3A_362 : vector<16xf32> to vector<16xf32>
    %swap3A_364 = vector.shape_cast %add3A_360 : vector<16xf32> to vector<16xf32>
    tpu.vector_store %arg5[%swap3A_361], %swap3A_364 {strides = array<i32>} : memref<1024xf32, #tpu.memory_space<vmem>>, vector<16xf32>,
    %add3A_365 = arith.constant 1.000000e+00 : f32
    %add3A_366 = vector.broadcast %add3A_365 : f32 to vector<16xf32>
    %add3A_367 = arith.addf %broadcast_in_dim3A_1, %add3A_366 : vector<16xf32>
    %swap3A_368 = arith.constant 832 : index
    %swap3A_369 = tpu.vector_load %arg5[%swap3A_368] {strides = array<i32>} : memref<1024xf32, #tpu.memory_space<vmem>>, vector<16xf32>,
    %swap3A_370 = vector.shape_cast %swap3A_369 : vector<16xf32> to vector<16xf32>
    %swap3A_371 = vector.shape_cast %add3A_367 : vector<16xf32> to vector<16xf32>
    tpu.vector_store %arg5[%swap3A_368], %swap3A_371 {strides = array<i32>} : memref<1024xf32, #tpu.memory_space<vmem>>, vector<16xf32>,
    %add3A_372 = arith.constant 1.000000e+00 : f32
    %add3A_373 = vector.broadcast %add3A_372 : f32 to vector<16xf32>
    %add3A_374 = arith.addf %broadcast_in_dim3A_1, %add3A_373 : vector<16xf32>
    %swap3A_375 = arith.constant 848 : index
    %swap3A_376 = tpu.vector_load %arg5[%swap3A_375] {strides = array<i32>} : memref<1024xf32, #tpu.memory_space<vmem>>, vector<16xf32>,
    %swap3A_377 = vector.shape_cast %swap3A_376 : vector<16xf32> to vector<16xf32>
    %swap3A_378 = vector.shape_cast %add3A_374 : vector<16xf32> to vector<16xf32>
    tpu.vector_store %arg5[%swap3A_375], %swap3A_378 {strides = array<i32>} : memref<1024xf32, #tpu.memory_space<vmem>>, vector<16xf32>,
    %add3A_379 = arith.constant 1.000000e+00 : f32
    %add3A_380 = vector.broadcast %add3A_379 : f32 to vector<16xf32>
    %add3A_381 = arith.addf %broadcast_in_dim3A_1, %add3A_380 : vector<16xf32>
    %swap3A_382 = arith.constant 864 : index
    %swap3A_383 = tpu.vector_load %arg5[%swap3A_382] {strides = array<i32>} : memref<1024xf32, #tpu.memory_space<vmem>>, vector<16xf32>,
    %swap3A_384 = vector.shape_cast %swap3A_383 : vector<16xf32> to vector<16xf32>
    %swap3A_385 = vector.shape_cast %add3A_381 : vector<16xf32> to vector<16xf32>
    tpu.vector_store %arg5[%swap3A_382], %swap3A_385 {strides = array<i32>} : memref<1024xf32, #tpu.memory_space<vmem>>, vector<16xf32>,
    %add3A_386 = arith.constant 1.000000e+00 : f32
    %add3A_387 = vector.broadcast %add3A_386 : f32 to vector<16xf32>
    %add3A_388 = arith.addf %broadcast_in_dim3A_1, %add3A_387 : vector<16xf32>
    %swap3A_389 = arith.constant 880 : index
    %swap3A_390 = tpu.vector_load %arg5[%swap3A_389] {strides = array<i32>} : memref<1024xf32, #tpu.memory_space<vmem>>, vector<16xf32>,
    %swap3A_391 = vector.shape_cast %swap3A_390 : vector<16xf32> to vector<16xf32>
    %swap3A_392 = vector.shape_cast %add3A_388 : vector<16xf32> to vector<16xf32>
    tpu.vector_store %arg5[%swap3A_389], %swap3A_392 {strides = array<i32>} : memref<1024xf32, #tpu.memory_space<vmem>>, vector<16xf32>,
    %add3A_393 = arith.constant 1.000000e+00 : f32
    %add3A_394 = vector.broadcast %add3A_393 : f32 to vector<16xf32>
    %add3A_395 = arith.addf %broadcast_in_dim3A_1, %add3A_394 : vector<16xf32>
    %swap3A_396 = arith.constant 896 : index
    %swap3A_397 = tpu.vector_load %arg5[%swap3A_396] {strides = array<i32>} : memref<1024xf32, #tpu.memory_space<vmem>>, vector<16xf32>,
    %swap3A_398 = vector.shape_cast %swap3A_397 : vector<16xf32> to vector<16xf32>
    %swap3A_399 = vector.shape_cast %add3A_395 : vector<16xf32> to vector<16xf32>
    tpu.vector_store %arg5[%swap3A_396], %swap3A_399 {strides = array<i32>} : memref<1024xf32, #tpu.memory_space<vmem>>, vector<16xf32>,
    %add3A_400 = arith.constant 1.000000e+00 : f32
    %add3A_401 = vector.broadcast %add3A_400 : f32 to vector<16xf32>
    %add3A_402 = arith.addf %broadcast_in_dim3A_1, %add3A_401 : vector<16xf32>
    %swap3A_403 = arith.constant 912 : index
    %swap3A_404 = tpu.vector_load %arg5[%swap3A_403] {strides = array<i32>} : memref<1024xf32, #tpu.memory_space<vmem>>, vector<16xf32>,
    %swap3A_405 = vector.shape_cast %swap3A_404 : vector<16xf32> to vector<16xf32>
    %swap3A_406 = vector.shape_cast %add3A_402 : vector<16xf32> to vector<16xf32>
    tpu.vector_store %arg5[%swap3A_403], %swap3A_406 {strides = array<i32>} : memref<1024xf32, #tpu.memory_space<vmem>>, vector<16xf32>,
    %add3A_407 = arith.constant 1.000000e+00 : f32
    %add3A_408 = vector.broadcast %add3A_407 : f32 to vector<16xf32>
    %add3A_409 = arith.addf %broadcast_in_dim3A_1, %add3A_408 : vector<16xf32>
    %swap3A_410 = arith.constant 928 : index
    %swap3A_411 = tpu.vector_load %arg5[%swap3A_410] {strides = array<i32>} : memref<1024xf32, #tpu.memory_space<vmem>>, vector<16xf32>,
    %swap3A_412 = vector.shape_cast %swap3A_411 : vector<16xf32> to vector<16xf32>
    %swap3A_413 = vector.shape_cast %add3A_409 : vector<16xf32> to vector<16xf32>
    tpu.vector_store %arg5[%swap3A_410], %swap3A_413 {strides = array<i32>} : memref<1024xf32, #tpu.memory_space<vmem>>, vector<16xf32>,
    %add3A_414 = arith.constant 1.000000e+00 : f32
    %add3A_415 = vector.broadcast %add3A_414 : f32 to vector<16xf32>
    %add3A_416 = arith.addf %broadcast_in_dim3A_1, %add3A_415 : vector<16xf32>
    %swap3A_417 = arith.constant 944 : index
    %swap3A_418 = tpu.vector_load %arg5[%swap3A_417] {strides = array<i32>} : memref<1024xf32, #tpu.memory_space<vmem>>, vector<16xf32>,
    %swap3A_419 = vector.shape_cast %swap3A_418 : vector<16xf32> to vector<16xf32>
    %swap3A_420 = vector.shape_cast %add3A_416 : vector<16xf32> to vector<16xf32>
    tpu.vector_store %arg5[%swap3A_417], %swap3A_420 {strides = array<i32>} : memref<1024xf32, #tpu.memory_space<vmem>>, vector<16xf32>,
    %add3A_421 = arith.constant 1.000000e+00 : f32
    %add3A_422 = vector.broadcast %add3A_421 : f32 to vector<16xf32>
    %add3A_423 = arith.addf %broadcast_in_dim3A_1, %add3A_422 : vector<16xf32>
    %swap3A_424 = arith.constant 960 : index
    %swap3A_425 = tpu.vector_load %arg5[%swap3A_424] {strides = array<i32>} : memref<1024xf32, #tpu.memory_space<vmem>>, vector<16xf32>,
    %swap3A_426 = vector.shape_cast %swap3A_425 : vector<16xf32> to vector<16xf32>
    %swap3A_427 = vector.shape_cast %add3A_423 : vector<16xf32> to vector<16xf32>
    tpu.vector_store %arg5[%swap3A_424], %swap3A_427 {strides = array<i32>} : memref<1024xf32, #tpu.memory_space<vmem>>, vector<16xf32>,
    %add3A_428 = arith.constant 1.000000e+00 : f32
    %add3A_429 = vector.broadcast %add3A_428 : f32 to vector<16xf32>
    %add3A_430 = arith.addf %broadcast_in_dim3A_1, %add3A_429 : vector<16xf32>
    %swap3A_431 = arith.constant 976 : index
    %swap3A_432 = tpu.vector_load %arg5[%swap3A_431] {strides = array<i32>} : memref<1024xf32, #tpu.memory_space<vmem>>, vector<16xf32>,
    %swap3A_433 = vector.shape_cast %swap3A_432 : vector<16xf32> to vector<16xf32>
    %swap3A_434 = vector.shape_cast %add3A_430 : vector<16xf32> to vector<16xf32>
    tpu.vector_store %arg5[%swap3A_431], %swap3A_434 {strides = array<i32>} : memref<1024xf32, #tpu.memory_space<vmem>>, vector<16xf32>,
    %add3A_435 = arith.constant 1.000000e+00 : f32
    %add3A_436 = vector.broadcast %add3A_435 : f32 to vector<16xf32>
    %add3A_437 = arith.addf %broadcast_in_dim3A_1, %add3A_436 : vector<16xf32>
    %swap3A_438 = arith.constant 992 : index
    %swap3A_439 = tpu.vector_load %arg5[%swap3A_438] {strides = array<i32>} : memref<1024xf32, #tpu.memory_space<vmem>>, vector<16xf32>,
    %swap3A_440 = vector.shape_cast %swap3A_439 : vector<16xf32> to vector<16xf32>
    %swap3A_441 = vector.shape_cast %add3A_437 : vector<16xf32> to vector<16xf32>
    tpu.vector_store %arg5[%swap3A_438], %swap3A_441 {strides = array<i32>} : memref<1024xf32, #tpu.memory_space<vmem>>, vector<16xf32>,
    %add3A_442 = arith.constant 1.000000e+00 : f32
    %add3A_443 = vector.broadcast %add3A_442 : f32 to vector<16xf32>
    %add3A_444 = arith.addf %broadcast_in_dim3A_1, %add3A_443 : vector<16xf32>
    %swap3A_445 = arith.constant 1008 : index
    %swap3A_446 = tpu.vector_load %arg5[%swap3A_445] {strides = array<i32>} : memref<1024xf32, #tpu.memory_space<vmem>>, vector<16xf32>,
    %swap3A_447 = vector.shape_cast %swap3A_446 : vector<16xf32> to vector<16xf32>
    %swap3A_448 = vector.shape_cast %add3A_444 : vector<16xf32> to vector<16xf32>
    tpu.vector_store %arg5[%swap3A_445], %swap3A_448 {strides = array<i32>} : memref<1024xf32, #tpu.memory_space<vmem>>, vector<16xf32>,
    %swap3A_449 = arith.constant 0 : index
    %swap3A_450 = tpu.vector_load %arg6[%swap3A_449] {strides = array<i32>} : memref<128xf32, #tpu.memory_space<vmem>>, vector<16xf32>,
    %swap3A_451 = vector.shape_cast %swap3A_450 : vector<16xf32> to vector<16xf32>
    %swap3A_452 = vector.shape_cast %broadcast_in_dim3A_1 : vector<16xf32> to vector<16xf32>
    tpu.vector_store %arg6[%swap3A_449], %swap3A_452 {strides = array<i32>} : memref<128xf32, #tpu.memory_space<vmem>>, vector<16xf32>,
    %swap3A_453 = arith.constant 16 : index
    %swap3A_454 = tpu.vector_load %arg6[%swap3A_453] {strides = array<i32>} : memref<128xf32, #tpu.memory_space<vmem>>, vector<16xf32>,
    %swap3A_455 = vector.shape_cast %swap3A_454 : vector<16xf32> to vector<16xf32>
    %swap3A_456 = vector.shape_cast %broadcast_in_dim3A_1 : vector<16xf32> to vector<16xf32>
    tpu.vector_store %arg6[%swap3A_453], %swap3A_456 {strides = array<i32>} : memref<128xf32, #tpu.memory_space<vmem>>, vector<16xf32>,
    %swap3A_457 = arith.constant 32 : index
    %swap3A_458 = tpu.vector_load %arg6[%swap3A_457] {strides = array<i32>} : memref<128xf32, #tpu.memory_space<vmem>>, vector<16xf32>,
    %swap3A_459 = vector.shape_cast %swap3A_458 : vector<16xf32> to vector<16xf32>
    %swap3A_460 = vector.shape_cast %broadcast_in_dim3A_1 : vector<16xf32> to vector<16xf32>
    tpu.vector_store %arg6[%swap3A_457], %swap3A_460 {strides = array<i32>} : memref<128xf32, #tpu.memory_space<vmem>>, vector<16xf32>,
    %swap3A_461 = arith.constant 48 : index
    %swap3A_462 = tpu.vector_load %arg6[%swap3A_461] {strides = array<i32>} : memref<128xf32, #tpu.memory_space<vmem>>, vector<16xf32>,
    %swap3A_463 = vector.shape_cast %swap3A_462 : vector<16xf32> to vector<16xf32>
    %swap3A_464 = vector.shape_cast %broadcast_in_dim3A_1 : vector<16xf32> to vector<16xf32>
    tpu.vector_store %arg6[%swap3A_461], %swap3A_464 {strides = array<i32>} : memref<128xf32, #tpu.memory_space<vmem>>, vector<16xf32>,
    %swap3A_465 = arith.constant 64 : index
    %swap3A_466 = tpu.vector_load %arg6[%swap3A_465] {strides = array<i32>} : memref<128xf32, #tpu.memory_space<vmem>>, vector<16xf32>,
    %swap3A_467 = vector.shape_cast %swap3A_466 : vector<16xf32> to vector<16xf32>
    %swap3A_468 = vector.shape_cast %broadcast_in_dim3A_1 : vector<16xf32> to vector<16xf32>
    tpu.vector_store %arg6[%swap3A_465], %swap3A_468 {strides = array<i32>} : memref<128xf32, #tpu.memory_space<vmem>>, vector<16xf32>,
    %swap3A_469 = arith.constant 80 : index
    %swap3A_470 = tpu.vector_load %arg6[%swap3A_469] {strides = array<i32>} : memref<128xf32, #tpu.memory_space<vmem>>, vector<16xf32>,
    %swap3A_471 = vector.shape_cast %swap3A_470 : vector<16xf32> to vector<16xf32>
    %swap3A_472 = vector.shape_cast %broadcast_in_dim3A_1 : vector<16xf32> to vector<16xf32>
    tpu.vector_store %arg6[%swap3A_469], %swap3A_472 {strides = array<i32>} : memref<128xf32, #tpu.memory_space<vmem>>, vector<16xf32>,
    %swap3A_473 = arith.constant 96 : index
    %swap3A_474 = tpu.vector_load %arg6[%swap3A_473] {strides = array<i32>} : memref<128xf32, #tpu.memory_space<vmem>>, vector<16xf32>,
    %swap3A_475 = vector.shape_cast %swap3A_474 : vector<16xf32> to vector<16xf32>
    %swap3A_476 = vector.shape_cast %broadcast_in_dim3A_1 : vector<16xf32> to vector<16xf32>
    tpu.vector_store %arg6[%swap3A_473], %swap3A_476 {strides = array<i32>} : memref<128xf32, #tpu.memory_space<vmem>>, vector<16xf32>,
    %swap3A_477 = arith.constant 112 : index
    %swap3A_478 = tpu.vector_load %arg6[%swap3A_477] {strides = array<i32>} : memref<128xf32, #tpu.memory_space<vmem>>, vector<16xf32>,
    %swap3A_479 = vector.shape_cast %swap3A_478 : vector<16xf32> to vector<16xf32>
    %swap3A_480 = vector.shape_cast %broadcast_in_dim3A_1 : vector<16xf32> to vector<16xf32>
    tpu.vector_store %arg6[%swap3A_477], %swap3A_480 {strides = array<i32>} : memref<128xf32, #tpu.memory_space<vmem>>, vector<16xf32>,
    %mul3A_481 = arith.constant 640 : i32
    %mul3A_482 = arith.muli %arg1, %mul3A_481 : i32
    %add3A_483 = arith.constant 0 : i32
    %add3A_484 = arith.addi %mul3A_482, %add3A_483 : i32
    "tpu.region"() ({
      %run_scoped3A = tpu.sem_alloc : memref<!tpu.dma_semaphore, #tpu.memory_space<semaphore_mem>>
      %dma_start3A = tpu.memref_slice %arg7[%add3A_484] : memref<10240xf32, #tpu.memory_space<vmem_shared>> -> memref<128xf32, #tpu.memory_space<vmem_shared>>
      %dma_start3A_514 = tpu.memref_slice %arg7[%add3A_484] : memref<10240xf32, #tpu.memory_space<vmem_shared>> -> memref<128xf32, #tpu.memory_space<vmem_shared>>
      tpu.enqueue_dma source(%arg6 : memref<128xf32, #tpu.memory_space<vmem>>) target(%dma_start3A_514 : memref<128xf32, #tpu.memory_space<vmem_shared>>) target_semaphore(%run_scoped3A : memref<!tpu.dma_semaphore, #tpu.memory_space<semaphore_mem>>)
      %dma_wait3A = tpu.memref_slice %arg7[%add3A_484] : memref<10240xf32, #tpu.memory_space<vmem_shared>> -> memref<128xf32, #tpu.memory_space<vmem_shared>>
      %dma_wait3A_515 = tpu.memref_slice %arg7[%add3A_484] : memref<10240xf32, #tpu.memory_space<vmem_shared>> -> memref<128xf32, #tpu.memory_space<vmem_shared>>
      tpu.wait_dma2 semaphore(%run_scoped3A : memref<!tpu.dma_semaphore, #tpu.memory_space<semaphore_mem>>) src(%arg6 : memref<128xf32, #tpu.memory_space<vmem>>) dst(%dma_wait3A_515 : memref<128xf32, #tpu.memory_space<vmem_shared>>)
      tpu.yield
    }) : () -> ()
    %mul3A_485 = arith.constant 640 : i32
    %mul3A_486 = arith.muli %arg1, %mul3A_485 : i32
    %add3A_487 = arith.constant 128 : i32
    %add3A_488 = arith.addi %mul3A_486, %add3A_487 : i32
    "tpu.region"() ({
      %run_scoped3A = tpu.sem_alloc : memref<!tpu.dma_semaphore, #tpu.memory_space<semaphore_mem>>
      %dma_start3A = tpu.memref_slice %arg7[%add3A_488] : memref<10240xf32, #tpu.memory_space<vmem_shared>> -> memref<128xf32, #tpu.memory_space<vmem_shared>>
      %dma_start3A_514 = tpu.memref_slice %arg7[%add3A_488] : memref<10240xf32, #tpu.memory_space<vmem_shared>> -> memref<128xf32, #tpu.memory_space<vmem_shared>>
      tpu.enqueue_dma source(%arg6 : memref<128xf32, #tpu.memory_space<vmem>>) target(%dma_start3A_514 : memref<128xf32, #tpu.memory_space<vmem_shared>>) target_semaphore(%run_scoped3A : memref<!tpu.dma_semaphore, #tpu.memory_space<semaphore_mem>>)
      %dma_wait3A = tpu.memref_slice %arg7[%add3A_488] : memref<10240xf32, #tpu.memory_space<vmem_shared>> -> memref<128xf32, #tpu.memory_space<vmem_shared>>
      %dma_wait3A_515 = tpu.memref_slice %arg7[%add3A_488] : memref<10240xf32, #tpu.memory_space<vmem_shared>> -> memref<128xf32, #tpu.memory_space<vmem_shared>>
      tpu.wait_dma2 semaphore(%run_scoped3A : memref<!tpu.dma_semaphore, #tpu.memory_space<semaphore_mem>>) src(%arg6 : memref<128xf32, #tpu.memory_space<vmem>>) dst(%dma_wait3A_515 : memref<128xf32, #tpu.memory_space<vmem_shared>>)
      tpu.yield
    }) : () -> ()
    %mul3A_489 = arith.constant 640 : i32
    %mul3A_490 = arith.muli %arg1, %mul3A_489 : i32
    %add3A_491 = arith.constant 256 : i32
    %add3A_492 = arith.addi %mul3A_490, %add3A_491 : i32
    "tpu.region"() ({
      %run_scoped3A = tpu.sem_alloc : memref<!tpu.dma_semaphore, #tpu.memory_space<semaphore_mem>>
      %dma_start3A = tpu.memref_slice %arg7[%add3A_492] : memref<10240xf32, #tpu.memory_space<vmem_shared>> -> memref<128xf32, #tpu.memory_space<vmem_shared>>
      %dma_start3A_514 = tpu.memref_slice %arg7[%add3A_492] : memref<10240xf32, #tpu.memory_space<vmem_shared>> -> memref<128xf32, #tpu.memory_space<vmem_shared>>
      tpu.enqueue_dma source(%arg6 : memref<128xf32, #tpu.memory_space<vmem>>) target(%dma_start3A_514 : memref<128xf32, #tpu.memory_space<vmem_shared>>) target_semaphore(%run_scoped3A : memref<!tpu.dma_semaphore, #tpu.memory_space<semaphore_mem>>)
      %dma_wait3A = tpu.memref_slice %arg7[%add3A_492] : memref<10240xf32, #tpu.memory_space<vmem_shared>> -> memref<128xf32, #tpu.memory_space<vmem_shared>>
      %dma_wait3A_515 = tpu.memref_slice %arg7[%add3A_492] : memref<10240xf32, #tpu.memory_space<vmem_shared>> -> memref<128xf32, #tpu.memory_space<vmem_shared>>
      tpu.wait_dma2 semaphore(%run_scoped3A : memref<!tpu.dma_semaphore, #tpu.memory_space<semaphore_mem>>) src(%arg6 : memref<128xf32, #tpu.memory_space<vmem>>) dst(%dma_wait3A_515 : memref<128xf32, #tpu.memory_space<vmem_shared>>)
      tpu.yield
    }) : () -> ()
    %mul3A_493 = arith.constant 640 : i32
    %mul3A_494 = arith.muli %arg1, %mul3A_493 : i32
    %add3A_495 = arith.constant 384 : i32
    %add3A_496 = arith.addi %mul3A_494, %add3A_495 : i32
    "tpu.region"() ({
      %run_scoped3A = tpu.sem_alloc : memref<!tpu.dma_semaphore, #tpu.memory_space<semaphore_mem>>
      %dma_start3A = tpu.memref_slice %arg7[%add3A_496] : memref<10240xf32, #tpu.memory_space<vmem_shared>> -> memref<128xf32, #tpu.memory_space<vmem_shared>>
      %dma_start3A_514 = tpu.memref_slice %arg7[%add3A_496] : memref<10240xf32, #tpu.memory_space<vmem_shared>> -> memref<128xf32, #tpu.memory_space<vmem_shared>>
      tpu.enqueue_dma source(%arg6 : memref<128xf32, #tpu.memory_space<vmem>>) target(%dma_start3A_514 : memref<128xf32, #tpu.memory_space<vmem_shared>>) target_semaphore(%run_scoped3A : memref<!tpu.dma_semaphore, #tpu.memory_space<semaphore_mem>>)
      %dma_wait3A = tpu.memref_slice %arg7[%add3A_496] : memref<10240xf32, #tpu.memory_space<vmem_shared>> -> memref<128xf32, #tpu.memory_space<vmem_shared>>
      %dma_wait3A_515 = tpu.memref_slice %arg7[%add3A_496] : memref<10240xf32, #tpu.memory_space<vmem_shared>> -> memref<128xf32, #tpu.memory_space<vmem_shared>>
      tpu.wait_dma2 semaphore(%run_scoped3A : memref<!tpu.dma_semaphore, #tpu.memory_space<semaphore_mem>>) src(%arg6 : memref<128xf32, #tpu.memory_space<vmem>>) dst(%dma_wait3A_515 : memref<128xf32, #tpu.memory_space<vmem_shared>>)
      tpu.yield
    }) : () -> ()
    %mul3A_497 = arith.constant 640 : i32
    %mul3A_498 = arith.muli %arg1, %mul3A_497 : i32
    %add3A_499 = arith.constant 512 : i32
    %add3A_500 = arith.addi %mul3A_498, %add3A_499 : i32
    "tpu.region"() ({
      %run_scoped3A = tpu.sem_alloc : memref<!tpu.dma_semaphore, #tpu.memory_space<semaphore_mem>>
      %dma_start3A = tpu.memref_slice %arg7[%add3A_500] : memref<10240xf32, #tpu.memory_space<vmem_shared>> -> memref<128xf32, #tpu.memory_space<vmem_shared>>
      %dma_start3A_514 = tpu.memref_slice %arg7[%add3A_500] : memref<10240xf32, #tpu.memory_space<vmem_shared>> -> memref<128xf32, #tpu.memory_space<vmem_shared>>
      tpu.enqueue_dma source(%arg6 : memref<128xf32, #tpu.memory_space<vmem>>) target(%dma_start3A_514 : memref<128xf32, #tpu.memory_space<vmem_shared>>) target_semaphore(%run_scoped3A : memref<!tpu.dma_semaphore, #tpu.memory_space<semaphore_mem>>)
      %dma_wait3A = tpu.memref_slice %arg7[%add3A_500] : memref<10240xf32, #tpu.memory_space<vmem_shared>> -> memref<128xf32, #tpu.memory_space<vmem_shared>>
      %dma_wait3A_515 = tpu.memref_slice %arg7[%add3A_500] : memref<10240xf32, #tpu.memory_space<vmem_shared>> -> memref<128xf32, #tpu.memory_space<vmem_shared>>
      tpu.wait_dma2 semaphore(%run_scoped3A : memref<!tpu.dma_semaphore, #tpu.memory_space<semaphore_mem>>) src(%arg6 : memref<128xf32, #tpu.memory_space<vmem>>) dst(%dma_wait3A_515 : memref<128xf32, #tpu.memory_space<vmem_shared>>)
      tpu.yield
    }) : () -> ()
    %barrier3A = arith.constant 0 : index
    tpu.barrier barrier_id(%barrier3A)
    %mul3A_501 = arith.constant 10 : i32
    %mul3A_502 = arith.muli %add3A, %mul3A_501 : i32
    "tpu.region"() ({
      %run_scoped3A = tpu.sem_alloc : memref<!tpu.dma_semaphore, #tpu.memory_space<semaphore_mem>>
      %dma_start3A = arith.constant 0 : i32
      %dma_start3A_514 = tpu.memref_slice %arg2[%mul3A_502, %dma_start3A] : memref<320x1000xi32, #tpu.memory_space<hbm>> -> memref<10x1000xi32, #tpu.memory_space<hbm>>
      %dma_start3A_515 = arith.constant 0 : i32
      %dma_start3A_516 = tpu.memref_slice %arg2[%mul3A_502, %dma_start3A_515] : memref<320x1000xi32, #tpu.memory_space<hbm>> -> memref<10x1000xi32, #tpu.memory_space<hbm>>
      tpu.enqueue_dma source(%dma_start3A_516 : memref<10x1000xi32, #tpu.memory_space<hbm>>) target(%arg4 : memref<10x1000xi32, #tpu.memory_space<vmem>>) target_semaphore(%run_scoped3A : memref<!tpu.dma_semaphore, #tpu.memory_space<semaphore_mem>>)
      %dma_wait3A = arith.constant 0 : i32
      %dma_wait3A_517 = tpu.memref_slice %arg2[%mul3A_502, %dma_wait3A] : memref<320x1000xi32, #tpu.memory_space<hbm>> -> memref<10x1000xi32, #tpu.memory_space<hbm>>
      %dma_wait3A_518 = arith.constant 0 : i32
      %dma_wait3A_519 = tpu.memref_slice %arg2[%mul3A_502, %dma_wait3A_518] : memref<320x1000xi32, #tpu.memory_space<hbm>> -> memref<10x1000xi32, #tpu.memory_space<hbm>>
      tpu.wait_dma2 semaphore(%run_scoped3A : memref<!tpu.dma_semaphore, #tpu.memory_space<semaphore_mem>>) src(%dma_wait3A_519 : memref<10x1000xi32, #tpu.memory_space<hbm>>) dst(%arg4 : memref<10x1000xi32, #tpu.memory_space<vmem>>)
      tpu.yield
    }) : () -> ()
    %scan3A = arith.constant 0 : i32
    %scan3A_503 = arith.constant 0 : i32
    %scan3A_504 = arith.constant 10 : i32
    %scan3A_505 = arith.addi %scan3A_503, %scan3A_504 : i32
    %scan3A_506 = arith.constant 1 : i32
    %scan3A_507 = scf.for %scan3A_514 = %scan3A_503 to %scan3A_505 step %scan3A_506 iter_args(%scan3A_515 = %scan3A) -> (i32)  : i32 {
      "tpu.region"() ({
        %run_scoped3A = tpu.sem_alloc : memref<!tpu.dma_semaphore, #tpu.memory_space<semaphore_mem>>
        %dma_start3A = arith.constant 0 : i32
        %dma_start3A_517 = tpu.memref_slice %arg5[%dma_start3A] : memref<1024xf32, #tpu.memory_space<vmem>> -> memref<1000xf32, #tpu.memory_space<vmem>>
        %dma_start3A_518 = arith.constant 0 : i32
        %dma_start3A_519 = tpu.memref_slice %arg4[%scan3A_514, %dma_start3A_518] : memref<10x1000xi32, #tpu.memory_space<vmem>> -> memref<1x1000xi32, #tpu.memory_space<vmem>>
        %dma_start3A_520 = tpu.memref_squeeze %dma_start3A_519 : memref<1x1000xi32, #tpu.memory_space<vmem>> -> memref<1000xi32, #tpu.memory_space<vmem>>
        %dma_start3A_521 = arith.constant 0 : i32
        %dma_start3A_522 = tpu.memref_slice %arg7[%dma_start3A_521] : memref<10240xf32, #tpu.memory_space<vmem_shared>> -> memref<10240xf32, #tpu.memory_space<vmem_shared>>
        tpu.enqueue_indirect_dma source(%dma_start3A_517 : memref<1000xf32, #tpu.memory_space<vmem>>) target(%dma_start3A_522 : memref<10240xf32, #tpu.memory_space<vmem_shared>>) offsets(%dma_start3A_520 : memref<1000xi32, #tpu.memory_space<vmem>>) semaphore(%run_scoped3A : memref<!tpu.dma_semaphore, #tpu.memory_space<semaphore_mem>>) {add = true}
        %dma_wait3A = arith.constant 0 : i32
        %dma_wait3A_523 = tpu.memref_slice %arg5[%dma_wait3A] : memref<1024xf32, #tpu.memory_space<vmem>> -> memref<1000xf32, #tpu.memory_space<vmem>>
        %dma_wait3A_524 = arith.constant 0 : i32
        %dma_wait3A_525 = tpu.memref_slice %arg4[%scan3A_514, %dma_wait3A_524] : memref<10x1000xi32, #tpu.memory_space<vmem>> -> memref<1x1000xi32, #tpu.memory_space<vmem>>
        %dma_wait3A_526 = tpu.memref_squeeze %dma_wait3A_525 : memref<1x1000xi32, #tpu.memory_space<vmem>> -> memref<1000xi32, #tpu.memory_space<vmem>>
        %dma_wait3A_527 = arith.constant 0 : i32
        %dma_wait3A_528 = tpu.memref_slice %arg7[%dma_wait3A_527] : memref<10240xf32, #tpu.memory_space<vmem_shared>> -> memref<10240xf32, #tpu.memory_space<vmem_shared>>
        tpu.wait_indirect_dma semaphore(%run_scoped3A : memref<!tpu.dma_semaphore, #tpu.memory_space<semaphore_mem>>) src(%dma_wait3A_523 : memref<1000xf32, #tpu.memory_space<vmem>>) dst(%dma_wait3A_528 : memref<10240xf32, #tpu.memory_space<vmem_shared>>)
        tpu.yield
      }) : () -> ()
      %scan3A_516 = arith.constant 0 : i32
      scf.yield %scan3A_516 : i32
    }
    %scan3A_508 = arith.constant 10 : i32
    %barrier3A_509 = arith.constant 0 : index
    tpu.barrier barrier_id(%barrier3A_509)
    %mul3A_510 = arith.constant 640 : i32
    %mul3A_511 = arith.muli %arg1, %mul3A_510 : i32
    %mul3A_512 = arith.constant 640 : i32
    %mul3A_513 = arith.muli %arg1, %mul3A_512 : i32
    "tpu.region"() ({
      %run_scoped3A = tpu.sem_alloc : memref<!tpu.dma_semaphore, #tpu.memory_space<semaphore_mem>>
      %dma_start3A = tpu.memref_slice %arg3[%arg0, %mul3A_513] : memref<2x10240xf32, #tpu.memory_space<hbm>> -> memref<1x640xf32, #tpu.memory_space<hbm>>
      %dma_start3A_514 = tpu.memref_squeeze %dma_start3A : memref<1x640xf32, #tpu.memory_space<hbm>> -> memref<640xf32, #tpu.memory_space<hbm>>
      %dma_start3A_515 = tpu.memref_slice %arg7[%mul3A_511] : memref<10240xf32, #tpu.memory_space<vmem_shared>> -> memref<640xf32, #tpu.memory_space<vmem_shared>>
      tpu.enqueue_dma source(%dma_start3A_515 : memref<640xf32, #tpu.memory_space<vmem_shared>>) target(%dma_start3A_514 : memref<640xf32, #tpu.memory_space<hbm>>) target_semaphore(%run_scoped3A : memref<!tpu.dma_semaphore, #tpu.memory_space<semaphore_mem>>)
      %dma_wait3A = tpu.memref_slice %arg3[%arg0, %mul3A_513] : memref<2x10240xf32, #tpu.memory_space<hbm>> -> memref<1x640xf32, #tpu.memory_space<hbm>>
      %dma_wait3A_516 = tpu.memref_squeeze %dma_wait3A : memref<1x640xf32, #tpu.memory_space<hbm>> -> memref<640xf32, #tpu.memory_space<hbm>>
      %dma_wait3A_517 = tpu.memref_slice %arg7[%mul3A_511] : memref<10240xf32, #tpu.memory_space<vmem_shared>> -> memref<640xf32, #tpu.memory_space<vmem_shared>>
      tpu.wait_dma2 semaphore(%run_scoped3A : memref<!tpu.dma_semaphore, #tpu.memory_space<semaphore_mem>>) src(%dma_wait3A_517 : memref<640xf32, #tpu.memory_space<vmem_shared>>) dst(%dma_wait3A_516 : memref<640xf32, #tpu.memory_space<hbm>>)
      tpu.yield
    }) : () -> ()
    return
  }
}

#map = affine_map<(d0, d1) -> (0, 0)>
#map1 = affine_map<(d0, d1) -> (0, 0, 0)>
module attributes {stable_mosaic.version = 14 : i64} {
  func.func @agg(%arg0: i32, %arg1: i32, %arg2: memref<10240x128xbf16, #tpu.memory_space<hbm>>, %arg3: memref<640x500xi32, #tpu.memory_space<hbm>>, %arg4: memref<640x500xi32, #tpu.memory_space<hbm>>, %arg5: memref<2x10240x128xbf16, #tpu.memory_space<hbm>>, %arg6: memref<20x500xi32, #tpu.memory_space<vmem>>, %arg7: memref<20x500xi32, #tpu.memory_space<vmem>>, %arg8: memref<2x500x128xbf16, #tpu.memory_space<vmem>>, %arg9: memref<10240x128xbf16, #tpu.memory_space<vmem_shared>>, %arg10: memref<!tpu.dma_semaphore, #tpu.memory_space<semaphore_mem>>, %arg11: memref<!tpu.dma_semaphore, #tpu.memory_space<semaphore_mem>>) attributes {dimension_semantics = [#tpu.dimension_semantics<core_parallel>, #tpu.dimension_semantics<subcore_parallel>], iteration_bounds = array<i64: 2, 16>, scalar_prefetch = 0 : i64, scratch_operands = 6 : i64, tpu.core_type = #tpu.core_type<sc_vector_subcore>, window_params = [{transform_indices = #map}, {transform_indices = #map}, {transform_indices = #map}, {transform_indices = #map1}]} {
    %mul3A = arith.constant 2 : i32
    %mul3A_0 = arith.muli %arg1, %mul3A : i32
    %add3A = arith.addi %mul3A_0, %arg0 : i32
    %eq3A = arith.constant 0 : i32
    %eq3A_1 = arith.cmpi eq, %arg0, %eq3A : i32
    %convert_element_type3A = arith.extui %eq3A_1 : i1 to i32
    %cond3A = arith.constant 0 : i32
    %cond3A_2 = arith.cmpi ne, %convert_element_type3A, %cond3A : i32
    scf.if %cond3A_2 {
      %mul3A_53 = arith.constant 640 : i32
      %mul3A_54 = arith.muli %arg1, %mul3A_53 : i32
      %mul3A_55 = arith.constant 640 : i32
      %mul3A_56 = arith.muli %arg1, %mul3A_55 : i32
      "tpu.region"() ({
        %run_scoped3A = tpu.sem_alloc : memref<!tpu.dma_semaphore, #tpu.memory_space<semaphore_mem>>
        %dma_start3A_57 = arith.constant 0 : i32
        %dma_start3A_58 = tpu.memref_slice %arg9[%mul3A_56, %dma_start3A_57] : memref<10240x128xbf16, #tpu.memory_space<vmem_shared>> -> memref<640x128xbf16, #tpu.memory_space<vmem_shared>>
        %dma_start3A_59 = arith.constant 0 : i32
        %dma_start3A_60 = tpu.memref_slice %arg2[%mul3A_54, %dma_start3A_59] : memref<10240x128xbf16, #tpu.memory_space<hbm>> -> memref<640x128xbf16, #tpu.memory_space<hbm>>
        tpu.enqueue_dma source(%dma_start3A_60 : memref<640x128xbf16, #tpu.memory_space<hbm>>) target(%dma_start3A_58 : memref<640x128xbf16, #tpu.memory_space<vmem_shared>>) target_semaphore(%run_scoped3A : memref<!tpu.dma_semaphore, #tpu.memory_space<semaphore_mem>>)
        %dma_wait3A_61 = arith.constant 0 : i32
        %dma_wait3A_62 = tpu.memref_slice %arg9[%mul3A_56, %dma_wait3A_61] : memref<10240x128xbf16, #tpu.memory_space<vmem_shared>> -> memref<640x128xbf16, #tpu.memory_space<vmem_shared>>
        %dma_wait3A_63 = arith.constant 0 : i32
        %dma_wait3A_64 = tpu.memref_slice %arg2[%mul3A_54, %dma_wait3A_63] : memref<10240x128xbf16, #tpu.memory_space<hbm>> -> memref<640x128xbf16, #tpu.memory_space<hbm>>
        tpu.wait_dma2 semaphore(%run_scoped3A : memref<!tpu.dma_semaphore, #tpu.memory_space<semaphore_mem>>) src(%dma_wait3A_64 : memref<640x128xbf16, #tpu.memory_space<hbm>>) dst(%dma_wait3A_62 : memref<640x128xbf16, #tpu.memory_space<vmem_shared>>)
        tpu.yield
      }) : () -> ()
    } else {
    }
    %eq3A_3 = arith.constant 1 : i32
    %eq3A_4 = arith.cmpi eq, %arg0, %eq3A_3 : i32
    %convert_element_type3A_5 = arith.extui %eq3A_4 : i1 to i32
    %cond3A_6 = arith.constant 0 : i32
    %cond3A_7 = arith.cmpi ne, %convert_element_type3A_5, %cond3A_6 : i32
    scf.if %cond3A_7 {
      %broadcast_in_dim3A = arith.constant 0.000000e+00 : bf16
      %broadcast_in_dim3A_53 = vector.broadcast %broadcast_in_dim3A : bf16 to vector<32xbf16>
      %scan3A_54 = arith.constant 0 : i32
      %scan3A_55 = arith.constant 0 : i32
      %scan3A_56 = arith.constant 125 : i32
      %scan3A_57 = arith.addi %scan3A_55, %scan3A_56 : i32
      %scan3A_58 = arith.constant 1 : i32
      %scan3A_59 = scf.for %scan3A_90 = %scan3A_55 to %scan3A_57 step %scan3A_58 iter_args(%scan3A_91 = %scan3A_54) -> (i32)  : i32 {
        %swap3A = arith.constant 0 : i32
        %swap3A_92 = arith.index_cast %swap3A : i32 to index
        %swap3A_93 = arith.index_cast %scan3A_90 : i32 to index
        %swap3A_94 = arith.constant 0 : index
        %swap3A_95 = tpu.vector_load %arg8[%swap3A_92, %swap3A_93, %swap3A_94] {strides = array<i32>} : memref<2x500x128xbf16, #tpu.memory_space<vmem>>, vector<1x1x32xbf16>,
        %swap3A_96 = vector.shape_cast %swap3A_95 : vector<1x1x32xbf16> to vector<32xbf16>
        %swap3A_97 = vector.shape_cast %broadcast_in_dim3A_53 : vector<32xbf16> to vector<1x1x32xbf16>
        tpu.vector_store %arg8[%swap3A_92, %swap3A_93, %swap3A_94], %swap3A_97 {strides = array<i32>} : memref<2x500x128xbf16, #tpu.memory_space<vmem>>, vector<1x1x32xbf16>,
        %swap3A_98 = arith.constant 0 : i32
        %swap3A_99 = arith.index_cast %swap3A_98 : i32 to index
        %swap3A_100 = arith.index_cast %scan3A_90 : i32 to index
        %swap3A_101 = arith.constant 32 : index
        %swap3A_102 = tpu.vector_load %arg8[%swap3A_99, %swap3A_100, %swap3A_101] {strides = array<i32>} : memref<2x500x128xbf16, #tpu.memory_space<vmem>>, vector<1x1x32xbf16>,
        %swap3A_103 = vector.shape_cast %swap3A_102 : vector<1x1x32xbf16> to vector<32xbf16>
        %swap3A_104 = vector.shape_cast %broadcast_in_dim3A_53 : vector<32xbf16> to vector<1x1x32xbf16>
        tpu.vector_store %arg8[%swap3A_99, %swap3A_100, %swap3A_101], %swap3A_104 {strides = array<i32>} : memref<2x500x128xbf16, #tpu.memory_space<vmem>>, vector<1x1x32xbf16>,
        %swap3A_105 = arith.constant 0 : i32
        %swap3A_106 = arith.index_cast %swap3A_105 : i32 to index
        %swap3A_107 = arith.index_cast %scan3A_90 : i32 to index
        %swap3A_108 = arith.constant 64 : index
        %swap3A_109 = tpu.vector_load %arg8[%swap3A_106, %swap3A_107, %swap3A_108] {strides = array<i32>} : memref<2x500x128xbf16, #tpu.memory_space<vmem>>, vector<1x1x32xbf16>,
        %swap3A_110 = vector.shape_cast %swap3A_109 : vector<1x1x32xbf16> to vector<32xbf16>
        %swap3A_111 = vector.shape_cast %broadcast_in_dim3A_53 : vector<32xbf16> to vector<1x1x32xbf16>
        tpu.vector_store %arg8[%swap3A_106, %swap3A_107, %swap3A_108], %swap3A_111 {strides = array<i32>} : memref<2x500x128xbf16, #tpu.memory_space<vmem>>, vector<1x1x32xbf16>,
        %swap3A_112 = arith.constant 0 : i32
        %swap3A_113 = arith.index_cast %swap3A_112 : i32 to index
        %swap3A_114 = arith.index_cast %scan3A_90 : i32 to index
        %swap3A_115 = arith.constant 96 : index
        %swap3A_116 = tpu.vector_load %arg8[%swap3A_113, %swap3A_114, %swap3A_115] {strides = array<i32>} : memref<2x500x128xbf16, #tpu.memory_space<vmem>>, vector<1x1x32xbf16>,
        %swap3A_117 = vector.shape_cast %swap3A_116 : vector<1x1x32xbf16> to vector<32xbf16>
        %swap3A_118 = vector.shape_cast %broadcast_in_dim3A_53 : vector<32xbf16> to vector<1x1x32xbf16>
        tpu.vector_store %arg8[%swap3A_113, %swap3A_114, %swap3A_115], %swap3A_118 {strides = array<i32>} : memref<2x500x128xbf16, #tpu.memory_space<vmem>>, vector<1x1x32xbf16>,
        %scan3A_119 = arith.constant 0 : i32
        scf.yield %scan3A_119 : i32
      }
      %scan3A_60 = arith.constant 125 : i32
      %mul3A_61 = arith.constant 640 : i32
      %mul3A_62 = arith.muli %arg1, %mul3A_61 : i32
      %add3A_63 = arith.constant 0 : i32
      %add3A_64 = arith.addi %mul3A_62, %add3A_63 : i32
      %run_scoped3A = arith.constant 0 : i32
      "tpu.region"() ({
        %run_scoped3A_90 = tpu.sem_alloc : memref<!tpu.dma_semaphore, #tpu.memory_space<semaphore_mem>>
        %dma_start3A_91 = arith.constant 0 : i32
        %dma_start3A_92 = arith.constant 0 : i32
        %dma_start3A_93 = tpu.memref_slice %arg8[%run_scoped3A, %dma_start3A_91, %dma_start3A_92] : memref<2x500x128xbf16, #tpu.memory_space<vmem>> -> memref<1x120x128xbf16, #tpu.memory_space<vmem>>
        %dma_start3A_94 = tpu.memref_squeeze %dma_start3A_93 : memref<1x120x128xbf16, #tpu.memory_space<vmem>> -> memref<120x128xbf16, #tpu.memory_space<vmem>>
        %dma_start3A_95 = arith.constant 0 : i32
        %dma_start3A_96 = tpu.memref_slice %arg9[%add3A_64, %dma_start3A_95] : memref<10240x128xbf16, #tpu.memory_space<vmem_shared>> -> memref<120x128xbf16, #tpu.memory_space<vmem_shared>>
        %dma_start3A_97 = arith.constant 0 : i32
        %dma_start3A_98 = tpu.memref_slice %arg9[%add3A_64, %dma_start3A_97] : memref<10240x128xbf16, #tpu.memory_space<vmem_shared>> -> memref<120x128xbf16, #tpu.memory_space<vmem_shared>>
        %dma_start3A_99 = arith.constant 0 : i32
        %dma_start3A_100 = arith.constant 0 : i32
        %dma_start3A_101 = tpu.memref_slice %arg8[%run_scoped3A, %dma_start3A_99, %dma_start3A_100] : memref<2x500x128xbf16, #tpu.memory_space<vmem>> -> memref<1x120x128xbf16, #tpu.memory_space<vmem>>
        %dma_start3A_102 = tpu.memref_squeeze %dma_start3A_101 : memref<1x120x128xbf16, #tpu.memory_space<vmem>> -> memref<120x128xbf16, #tpu.memory_space<vmem>>
        tpu.enqueue_dma source(%dma_start3A_102 : memref<120x128xbf16, #tpu.memory_space<vmem>>) target(%dma_start3A_98 : memref<120x128xbf16, #tpu.memory_space<vmem_shared>>) target_semaphore(%run_scoped3A_90 : memref<!tpu.dma_semaphore, #tpu.memory_space<semaphore_mem>>)
        %dma_wait3A_103 = arith.constant 0 : i32
        %dma_wait3A_104 = arith.constant 0 : i32
        %dma_wait3A_105 = tpu.memref_slice %arg8[%run_scoped3A, %dma_wait3A_103, %dma_wait3A_104] : memref<2x500x128xbf16, #tpu.memory_space<vmem>> -> memref<1x120x128xbf16, #tpu.memory_space<vmem>>
        %dma_wait3A_106 = tpu.memref_squeeze %dma_wait3A_105 : memref<1x120x128xbf16, #tpu.memory_space<vmem>> -> memref<120x128xbf16, #tpu.memory_space<vmem>>
        %dma_wait3A_107 = arith.constant 0 : i32
        %dma_wait3A_108 = tpu.memref_slice %arg9[%add3A_64, %dma_wait3A_107] : memref<10240x128xbf16, #tpu.memory_space<vmem_shared>> -> memref<120x128xbf16, #tpu.memory_space<vmem_shared>>
        %dma_wait3A_109 = arith.constant 0 : i32
        %dma_wait3A_110 = tpu.memref_slice %arg9[%add3A_64, %dma_wait3A_109] : memref<10240x128xbf16, #tpu.memory_space<vmem_shared>> -> memref<120x128xbf16, #tpu.memory_space<vmem_shared>>
        %dma_wait3A_111 = arith.constant 0 : i32
        %dma_wait3A_112 = arith.constant 0 : i32
        %dma_wait3A_113 = tpu.memref_slice %arg8[%run_scoped3A, %dma_wait3A_111, %dma_wait3A_112] : memref<2x500x128xbf16, #tpu.memory_space<vmem>> -> memref<1x120x128xbf16, #tpu.memory_space<vmem>>
        %dma_wait3A_114 = tpu.memref_squeeze %dma_wait3A_113 : memref<1x120x128xbf16, #tpu.memory_space<vmem>> -> memref<120x128xbf16, #tpu.memory_space<vmem>>
        tpu.wait_dma2 semaphore(%run_scoped3A_90 : memref<!tpu.dma_semaphore, #tpu.memory_space<semaphore_mem>>) src(%dma_wait3A_114 : memref<120x128xbf16, #tpu.memory_space<vmem>>) dst(%dma_wait3A_110 : memref<120x128xbf16, #tpu.memory_space<vmem_shared>>)
        tpu.yield
      }) : () -> ()
      %mul3A_65 = arith.constant 640 : i32
      %mul3A_66 = arith.muli %arg1, %mul3A_65 : i32
      %add3A_67 = arith.constant 120 : i32
      %add3A_68 = arith.addi %mul3A_66, %add3A_67 : i32
      %run_scoped3A_69 = arith.constant 0 : i32
      "tpu.region"() ({
        %run_scoped3A_90 = tpu.sem_alloc : memref<!tpu.dma_semaphore, #tpu.memory_space<semaphore_mem>>
        %dma_start3A_91 = arith.constant 0 : i32
        %dma_start3A_92 = arith.constant 0 : i32
        %dma_start3A_93 = tpu.memref_slice %arg8[%run_scoped3A_69, %dma_start3A_91, %dma_start3A_92] : memref<2x500x128xbf16, #tpu.memory_space<vmem>> -> memref<1x120x128xbf16, #tpu.memory_space<vmem>>
        %dma_start3A_94 = tpu.memref_squeeze %dma_start3A_93 : memref<1x120x128xbf16, #tpu.memory_space<vmem>> -> memref<120x128xbf16, #tpu.memory_space<vmem>>
        %dma_start3A_95 = arith.constant 0 : i32
        %dma_start3A_96 = tpu.memref_slice %arg9[%add3A_68, %dma_start3A_95] : memref<10240x128xbf16, #tpu.memory_space<vmem_shared>> -> memref<120x128xbf16, #tpu.memory_space<vmem_shared>>
        %dma_start3A_97 = arith.constant 0 : i32
        %dma_start3A_98 = tpu.memref_slice %arg9[%add3A_68, %dma_start3A_97] : memref<10240x128xbf16, #tpu.memory_space<vmem_shared>> -> memref<120x128xbf16, #tpu.memory_space<vmem_shared>>
        %dma_start3A_99 = arith.constant 0 : i32
        %dma_start3A_100 = arith.constant 0 : i32
        %dma_start3A_101 = tpu.memref_slice %arg8[%run_scoped3A_69, %dma_start3A_99, %dma_start3A_100] : memref<2x500x128xbf16, #tpu.memory_space<vmem>> -> memref<1x120x128xbf16, #tpu.memory_space<vmem>>
        %dma_start3A_102 = tpu.memref_squeeze %dma_start3A_101 : memref<1x120x128xbf16, #tpu.memory_space<vmem>> -> memref<120x128xbf16, #tpu.memory_space<vmem>>
        tpu.enqueue_dma source(%dma_start3A_102 : memref<120x128xbf16, #tpu.memory_space<vmem>>) target(%dma_start3A_98 : memref<120x128xbf16, #tpu.memory_space<vmem_shared>>) target_semaphore(%run_scoped3A_90 : memref<!tpu.dma_semaphore, #tpu.memory_space<semaphore_mem>>)
        %dma_wait3A_103 = arith.constant 0 : i32
        %dma_wait3A_104 = arith.constant 0 : i32
        %dma_wait3A_105 = tpu.memref_slice %arg8[%run_scoped3A_69, %dma_wait3A_103, %dma_wait3A_104] : memref<2x500x128xbf16, #tpu.memory_space<vmem>> -> memref<1x120x128xbf16, #tpu.memory_space<vmem>>
        %dma_wait3A_106 = tpu.memref_squeeze %dma_wait3A_105 : memref<1x120x128xbf16, #tpu.memory_space<vmem>> -> memref<120x128xbf16, #tpu.memory_space<vmem>>
        %dma_wait3A_107 = arith.constant 0 : i32
        %dma_wait3A_108 = tpu.memref_slice %arg9[%add3A_68, %dma_wait3A_107] : memref<10240x128xbf16, #tpu.memory_space<vmem_shared>> -> memref<120x128xbf16, #tpu.memory_space<vmem_shared>>
        %dma_wait3A_109 = arith.constant 0 : i32
        %dma_wait3A_110 = tpu.memref_slice %arg9[%add3A_68, %dma_wait3A_109] : memref<10240x128xbf16, #tpu.memory_space<vmem_shared>> -> memref<120x128xbf16, #tpu.memory_space<vmem_shared>>
        %dma_wait3A_111 = arith.constant 0 : i32
        %dma_wait3A_112 = arith.constant 0 : i32
        %dma_wait3A_113 = tpu.memref_slice %arg8[%run_scoped3A_69, %dma_wait3A_111, %dma_wait3A_112] : memref<2x500x128xbf16, #tpu.memory_space<vmem>> -> memref<1x120x128xbf16, #tpu.memory_space<vmem>>
        %dma_wait3A_114 = tpu.memref_squeeze %dma_wait3A_113 : memref<1x120x128xbf16, #tpu.memory_space<vmem>> -> memref<120x128xbf16, #tpu.memory_space<vmem>>
        tpu.wait_dma2 semaphore(%run_scoped3A_90 : memref<!tpu.dma_semaphore, #tpu.memory_space<semaphore_mem>>) src(%dma_wait3A_114 : memref<120x128xbf16, #tpu.memory_space<vmem>>) dst(%dma_wait3A_110 : memref<120x128xbf16, #tpu.memory_space<vmem_shared>>)
        tpu.yield
      }) : () -> ()
      %mul3A_70 = arith.constant 640 : i32
      %mul3A_71 = arith.muli %arg1, %mul3A_70 : i32
      %add3A_72 = arith.constant 240 : i32
      %add3A_73 = arith.addi %mul3A_71, %add3A_72 : i32
      %run_scoped3A_74 = arith.constant 0 : i32
      "tpu.region"() ({
        %run_scoped3A_90 = tpu.sem_alloc : memref<!tpu.dma_semaphore, #tpu.memory_space<semaphore_mem>>
        %dma_start3A_91 = arith.constant 0 : i32
        %dma_start3A_92 = arith.constant 0 : i32
        %dma_start3A_93 = tpu.memref_slice %arg8[%run_scoped3A_74, %dma_start3A_91, %dma_start3A_92] : memref<2x500x128xbf16, #tpu.memory_space<vmem>> -> memref<1x120x128xbf16, #tpu.memory_space<vmem>>
        %dma_start3A_94 = tpu.memref_squeeze %dma_start3A_93 : memref<1x120x128xbf16, #tpu.memory_space<vmem>> -> memref<120x128xbf16, #tpu.memory_space<vmem>>
        %dma_start3A_95 = arith.constant 0 : i32
        %dma_start3A_96 = tpu.memref_slice %arg9[%add3A_73, %dma_start3A_95] : memref<10240x128xbf16, #tpu.memory_space<vmem_shared>> -> memref<120x128xbf16, #tpu.memory_space<vmem_shared>>
        %dma_start3A_97 = arith.constant 0 : i32
        %dma_start3A_98 = tpu.memref_slice %arg9[%add3A_73, %dma_start3A_97] : memref<10240x128xbf16, #tpu.memory_space<vmem_shared>> -> memref<120x128xbf16, #tpu.memory_space<vmem_shared>>
        %dma_start3A_99 = arith.constant 0 : i32
        %dma_start3A_100 = arith.constant 0 : i32
        %dma_start3A_101 = tpu.memref_slice %arg8[%run_scoped3A_74, %dma_start3A_99, %dma_start3A_100] : memref<2x500x128xbf16, #tpu.memory_space<vmem>> -> memref<1x120x128xbf16, #tpu.memory_space<vmem>>
        %dma_start3A_102 = tpu.memref_squeeze %dma_start3A_101 : memref<1x120x128xbf16, #tpu.memory_space<vmem>> -> memref<120x128xbf16, #tpu.memory_space<vmem>>
        tpu.enqueue_dma source(%dma_start3A_102 : memref<120x128xbf16, #tpu.memory_space<vmem>>) target(%dma_start3A_98 : memref<120x128xbf16, #tpu.memory_space<vmem_shared>>) target_semaphore(%run_scoped3A_90 : memref<!tpu.dma_semaphore, #tpu.memory_space<semaphore_mem>>)
        %dma_wait3A_103 = arith.constant 0 : i32
        %dma_wait3A_104 = arith.constant 0 : i32
        %dma_wait3A_105 = tpu.memref_slice %arg8[%run_scoped3A_74, %dma_wait3A_103, %dma_wait3A_104] : memref<2x500x128xbf16, #tpu.memory_space<vmem>> -> memref<1x120x128xbf16, #tpu.memory_space<vmem>>
        %dma_wait3A_106 = tpu.memref_squeeze %dma_wait3A_105 : memref<1x120x128xbf16, #tpu.memory_space<vmem>> -> memref<120x128xbf16, #tpu.memory_space<vmem>>
        %dma_wait3A_107 = arith.constant 0 : i32
        %dma_wait3A_108 = tpu.memref_slice %arg9[%add3A_73, %dma_wait3A_107] : memref<10240x128xbf16, #tpu.memory_space<vmem_shared>> -> memref<120x128xbf16, #tpu.memory_space<vmem_shared>>
        %dma_wait3A_109 = arith.constant 0 : i32
        %dma_wait3A_110 = tpu.memref_slice %arg9[%add3A_73, %dma_wait3A_109] : memref<10240x128xbf16, #tpu.memory_space<vmem_shared>> -> memref<120x128xbf16, #tpu.memory_space<vmem_shared>>
        %dma_wait3A_111 = arith.constant 0 : i32
        %dma_wait3A_112 = arith.constant 0 : i32
        %dma_wait3A_113 = tpu.memref_slice %arg8[%run_scoped3A_74, %dma_wait3A_111, %dma_wait3A_112] : memref<2x500x128xbf16, #tpu.memory_space<vmem>> -> memref<1x120x128xbf16, #tpu.memory_space<vmem>>
        %dma_wait3A_114 = tpu.memref_squeeze %dma_wait3A_113 : memref<1x120x128xbf16, #tpu.memory_space<vmem>> -> memref<120x128xbf16, #tpu.memory_space<vmem>>
        tpu.wait_dma2 semaphore(%run_scoped3A_90 : memref<!tpu.dma_semaphore, #tpu.memory_space<semaphore_mem>>) src(%dma_wait3A_114 : memref<120x128xbf16, #tpu.memory_space<vmem>>) dst(%dma_wait3A_110 : memref<120x128xbf16, #tpu.memory_space<vmem_shared>>)
        tpu.yield
      }) : () -> ()
      %mul3A_75 = arith.constant 640 : i32
      %mul3A_76 = arith.muli %arg1, %mul3A_75 : i32
      %add3A_77 = arith.constant 360 : i32
      %add3A_78 = arith.addi %mul3A_76, %add3A_77 : i32
      %run_scoped3A_79 = arith.constant 0 : i32
      "tpu.region"() ({
        %run_scoped3A_90 = tpu.sem_alloc : memref<!tpu.dma_semaphore, #tpu.memory_space<semaphore_mem>>
        %dma_start3A_91 = arith.constant 0 : i32
        %dma_start3A_92 = arith.constant 0 : i32
        %dma_start3A_93 = tpu.memref_slice %arg8[%run_scoped3A_79, %dma_start3A_91, %dma_start3A_92] : memref<2x500x128xbf16, #tpu.memory_space<vmem>> -> memref<1x120x128xbf16, #tpu.memory_space<vmem>>
        %dma_start3A_94 = tpu.memref_squeeze %dma_start3A_93 : memref<1x120x128xbf16, #tpu.memory_space<vmem>> -> memref<120x128xbf16, #tpu.memory_space<vmem>>
        %dma_start3A_95 = arith.constant 0 : i32
        %dma_start3A_96 = tpu.memref_slice %arg9[%add3A_78, %dma_start3A_95] : memref<10240x128xbf16, #tpu.memory_space<vmem_shared>> -> memref<120x128xbf16, #tpu.memory_space<vmem_shared>>
        %dma_start3A_97 = arith.constant 0 : i32
        %dma_start3A_98 = tpu.memref_slice %arg9[%add3A_78, %dma_start3A_97] : memref<10240x128xbf16, #tpu.memory_space<vmem_shared>> -> memref<120x128xbf16, #tpu.memory_space<vmem_shared>>
        %dma_start3A_99 = arith.constant 0 : i32
        %dma_start3A_100 = arith.constant 0 : i32
        %dma_start3A_101 = tpu.memref_slice %arg8[%run_scoped3A_79, %dma_start3A_99, %dma_start3A_100] : memref<2x500x128xbf16, #tpu.memory_space<vmem>> -> memref<1x120x128xbf16, #tpu.memory_space<vmem>>
        %dma_start3A_102 = tpu.memref_squeeze %dma_start3A_101 : memref<1x120x128xbf16, #tpu.memory_space<vmem>> -> memref<120x128xbf16, #tpu.memory_space<vmem>>
        tpu.enqueue_dma source(%dma_start3A_102 : memref<120x128xbf16, #tpu.memory_space<vmem>>) target(%dma_start3A_98 : memref<120x128xbf16, #tpu.memory_space<vmem_shared>>) target_semaphore(%run_scoped3A_90 : memref<!tpu.dma_semaphore, #tpu.memory_space<semaphore_mem>>)
        %dma_wait3A_103 = arith.constant 0 : i32
        %dma_wait3A_104 = arith.constant 0 : i32
        %dma_wait3A_105 = tpu.memref_slice %arg8[%run_scoped3A_79, %dma_wait3A_103, %dma_wait3A_104] : memref<2x500x128xbf16, #tpu.memory_space<vmem>> -> memref<1x120x128xbf16, #tpu.memory_space<vmem>>
        %dma_wait3A_106 = tpu.memref_squeeze %dma_wait3A_105 : memref<1x120x128xbf16, #tpu.memory_space<vmem>> -> memref<120x128xbf16, #tpu.memory_space<vmem>>
        %dma_wait3A_107 = arith.constant 0 : i32
        %dma_wait3A_108 = tpu.memref_slice %arg9[%add3A_78, %dma_wait3A_107] : memref<10240x128xbf16, #tpu.memory_space<vmem_shared>> -> memref<120x128xbf16, #tpu.memory_space<vmem_shared>>
        %dma_wait3A_109 = arith.constant 0 : i32
        %dma_wait3A_110 = tpu.memref_slice %arg9[%add3A_78, %dma_wait3A_109] : memref<10240x128xbf16, #tpu.memory_space<vmem_shared>> -> memref<120x128xbf16, #tpu.memory_space<vmem_shared>>
        %dma_wait3A_111 = arith.constant 0 : i32
        %dma_wait3A_112 = arith.constant 0 : i32
        %dma_wait3A_113 = tpu.memref_slice %arg8[%run_scoped3A_79, %dma_wait3A_111, %dma_wait3A_112] : memref<2x500x128xbf16, #tpu.memory_space<vmem>> -> memref<1x120x128xbf16, #tpu.memory_space<vmem>>
        %dma_wait3A_114 = tpu.memref_squeeze %dma_wait3A_113 : memref<1x120x128xbf16, #tpu.memory_space<vmem>> -> memref<120x128xbf16, #tpu.memory_space<vmem>>
        tpu.wait_dma2 semaphore(%run_scoped3A_90 : memref<!tpu.dma_semaphore, #tpu.memory_space<semaphore_mem>>) src(%dma_wait3A_114 : memref<120x128xbf16, #tpu.memory_space<vmem>>) dst(%dma_wait3A_110 : memref<120x128xbf16, #tpu.memory_space<vmem_shared>>)
        tpu.yield
      }) : () -> ()
      %mul3A_80 = arith.constant 640 : i32
      %mul3A_81 = arith.muli %arg1, %mul3A_80 : i32
      %add3A_82 = arith.constant 480 : i32
      %add3A_83 = arith.addi %mul3A_81, %add3A_82 : i32
      %run_scoped3A_84 = arith.constant 0 : i32
      "tpu.region"() ({
        %run_scoped3A_90 = tpu.sem_alloc : memref<!tpu.dma_semaphore, #tpu.memory_space<semaphore_mem>>
        %dma_start3A_91 = arith.constant 0 : i32
        %dma_start3A_92 = arith.constant 0 : i32
        %dma_start3A_93 = tpu.memref_slice %arg8[%run_scoped3A_84, %dma_start3A_91, %dma_start3A_92] : memref<2x500x128xbf16, #tpu.memory_space<vmem>> -> memref<1x120x128xbf16, #tpu.memory_space<vmem>>
        %dma_start3A_94 = tpu.memref_squeeze %dma_start3A_93 : memref<1x120x128xbf16, #tpu.memory_space<vmem>> -> memref<120x128xbf16, #tpu.memory_space<vmem>>
        %dma_start3A_95 = arith.constant 0 : i32
        %dma_start3A_96 = tpu.memref_slice %arg9[%add3A_83, %dma_start3A_95] : memref<10240x128xbf16, #tpu.memory_space<vmem_shared>> -> memref<120x128xbf16, #tpu.memory_space<vmem_shared>>
        %dma_start3A_97 = arith.constant 0 : i32
        %dma_start3A_98 = tpu.memref_slice %arg9[%add3A_83, %dma_start3A_97] : memref<10240x128xbf16, #tpu.memory_space<vmem_shared>> -> memref<120x128xbf16, #tpu.memory_space<vmem_shared>>
        %dma_start3A_99 = arith.constant 0 : i32
        %dma_start3A_100 = arith.constant 0 : i32
        %dma_start3A_101 = tpu.memref_slice %arg8[%run_scoped3A_84, %dma_start3A_99, %dma_start3A_100] : memref<2x500x128xbf16, #tpu.memory_space<vmem>> -> memref<1x120x128xbf16, #tpu.memory_space<vmem>>
        %dma_start3A_102 = tpu.memref_squeeze %dma_start3A_101 : memref<1x120x128xbf16, #tpu.memory_space<vmem>> -> memref<120x128xbf16, #tpu.memory_space<vmem>>
        tpu.enqueue_dma source(%dma_start3A_102 : memref<120x128xbf16, #tpu.memory_space<vmem>>) target(%dma_start3A_98 : memref<120x128xbf16, #tpu.memory_space<vmem_shared>>) target_semaphore(%run_scoped3A_90 : memref<!tpu.dma_semaphore, #tpu.memory_space<semaphore_mem>>)
        %dma_wait3A_103 = arith.constant 0 : i32
        %dma_wait3A_104 = arith.constant 0 : i32
        %dma_wait3A_105 = tpu.memref_slice %arg8[%run_scoped3A_84, %dma_wait3A_103, %dma_wait3A_104] : memref<2x500x128xbf16, #tpu.memory_space<vmem>> -> memref<1x120x128xbf16, #tpu.memory_space<vmem>>
        %dma_wait3A_106 = tpu.memref_squeeze %dma_wait3A_105 : memref<1x120x128xbf16, #tpu.memory_space<vmem>> -> memref<120x128xbf16, #tpu.memory_space<vmem>>
        %dma_wait3A_107 = arith.constant 0 : i32
        %dma_wait3A_108 = tpu.memref_slice %arg9[%add3A_83, %dma_wait3A_107] : memref<10240x128xbf16, #tpu.memory_space<vmem_shared>> -> memref<120x128xbf16, #tpu.memory_space<vmem_shared>>
        %dma_wait3A_109 = arith.constant 0 : i32
        %dma_wait3A_110 = tpu.memref_slice %arg9[%add3A_83, %dma_wait3A_109] : memref<10240x128xbf16, #tpu.memory_space<vmem_shared>> -> memref<120x128xbf16, #tpu.memory_space<vmem_shared>>
        %dma_wait3A_111 = arith.constant 0 : i32
        %dma_wait3A_112 = arith.constant 0 : i32
        %dma_wait3A_113 = tpu.memref_slice %arg8[%run_scoped3A_84, %dma_wait3A_111, %dma_wait3A_112] : memref<2x500x128xbf16, #tpu.memory_space<vmem>> -> memref<1x120x128xbf16, #tpu.memory_space<vmem>>
        %dma_wait3A_114 = tpu.memref_squeeze %dma_wait3A_113 : memref<1x120x128xbf16, #tpu.memory_space<vmem>> -> memref<120x128xbf16, #tpu.memory_space<vmem>>
        tpu.wait_dma2 semaphore(%run_scoped3A_90 : memref<!tpu.dma_semaphore, #tpu.memory_space<semaphore_mem>>) src(%dma_wait3A_114 : memref<120x128xbf16, #tpu.memory_space<vmem>>) dst(%dma_wait3A_110 : memref<120x128xbf16, #tpu.memory_space<vmem_shared>>)
        tpu.yield
      }) : () -> ()
      %mul3A_85 = arith.constant 640 : i32
      %mul3A_86 = arith.muli %arg1, %mul3A_85 : i32
      %add3A_87 = arith.constant 600 : i32
      %add3A_88 = arith.addi %mul3A_86, %add3A_87 : i32
      %run_scoped3A_89 = arith.constant 0 : i32
      "tpu.region"() ({
        %run_scoped3A_90 = tpu.sem_alloc : memref<!tpu.dma_semaphore, #tpu.memory_space<semaphore_mem>>
        %dma_start3A_91 = arith.constant 0 : i32
        %dma_start3A_92 = arith.constant 0 : i32
        %dma_start3A_93 = tpu.memref_slice %arg8[%run_scoped3A_89, %dma_start3A_91, %dma_start3A_92] : memref<2x500x128xbf16, #tpu.memory_space<vmem>> -> memref<1x40x128xbf16, #tpu.memory_space<vmem>>
        %dma_start3A_94 = tpu.memref_squeeze %dma_start3A_93 : memref<1x40x128xbf16, #tpu.memory_space<vmem>> -> memref<40x128xbf16, #tpu.memory_space<vmem>>
        %dma_start3A_95 = arith.constant 0 : i32
        %dma_start3A_96 = tpu.memref_slice %arg9[%add3A_88, %dma_start3A_95] : memref<10240x128xbf16, #tpu.memory_space<vmem_shared>> -> memref<40x128xbf16, #tpu.memory_space<vmem_shared>>
        %dma_start3A_97 = arith.constant 0 : i32
        %dma_start3A_98 = tpu.memref_slice %arg9[%add3A_88, %dma_start3A_97] : memref<10240x128xbf16, #tpu.memory_space<vmem_shared>> -> memref<40x128xbf16, #tpu.memory_space<vmem_shared>>
        %dma_start3A_99 = arith.constant 0 : i32
        %dma_start3A_100 = arith.constant 0 : i32
        %dma_start3A_101 = tpu.memref_slice %arg8[%run_scoped3A_89, %dma_start3A_99, %dma_start3A_100] : memref<2x500x128xbf16, #tpu.memory_space<vmem>> -> memref<1x40x128xbf16, #tpu.memory_space<vmem>>
        %dma_start3A_102 = tpu.memref_squeeze %dma_start3A_101 : memref<1x40x128xbf16, #tpu.memory_space<vmem>> -> memref<40x128xbf16, #tpu.memory_space<vmem>>
        tpu.enqueue_dma source(%dma_start3A_102 : memref<40x128xbf16, #tpu.memory_space<vmem>>) target(%dma_start3A_98 : memref<40x128xbf16, #tpu.memory_space<vmem_shared>>) target_semaphore(%run_scoped3A_90 : memref<!tpu.dma_semaphore, #tpu.memory_space<semaphore_mem>>)
        %dma_wait3A_103 = arith.constant 0 : i32
        %dma_wait3A_104 = arith.constant 0 : i32
        %dma_wait3A_105 = tpu.memref_slice %arg8[%run_scoped3A_89, %dma_wait3A_103, %dma_wait3A_104] : memref<2x500x128xbf16, #tpu.memory_space<vmem>> -> memref<1x40x128xbf16, #tpu.memory_space<vmem>>
        %dma_wait3A_106 = tpu.memref_squeeze %dma_wait3A_105 : memref<1x40x128xbf16, #tpu.memory_space<vmem>> -> memref<40x128xbf16, #tpu.memory_space<vmem>>
        %dma_wait3A_107 = arith.constant 0 : i32
        %dma_wait3A_108 = tpu.memref_slice %arg9[%add3A_88, %dma_wait3A_107] : memref<10240x128xbf16, #tpu.memory_space<vmem_shared>> -> memref<40x128xbf16, #tpu.memory_space<vmem_shared>>
        %dma_wait3A_109 = arith.constant 0 : i32
        %dma_wait3A_110 = tpu.memref_slice %arg9[%add3A_88, %dma_wait3A_109] : memref<10240x128xbf16, #tpu.memory_space<vmem_shared>> -> memref<40x128xbf16, #tpu.memory_space<vmem_shared>>
        %dma_wait3A_111 = arith.constant 0 : i32
        %dma_wait3A_112 = arith.constant 0 : i32
        %dma_wait3A_113 = tpu.memref_slice %arg8[%run_scoped3A_89, %dma_wait3A_111, %dma_wait3A_112] : memref<2x500x128xbf16, #tpu.memory_space<vmem>> -> memref<1x40x128xbf16, #tpu.memory_space<vmem>>
        %dma_wait3A_114 = tpu.memref_squeeze %dma_wait3A_113 : memref<1x40x128xbf16, #tpu.memory_space<vmem>> -> memref<40x128xbf16, #tpu.memory_space<vmem>>
        tpu.wait_dma2 semaphore(%run_scoped3A_90 : memref<!tpu.dma_semaphore, #tpu.memory_space<semaphore_mem>>) src(%dma_wait3A_114 : memref<40x128xbf16, #tpu.memory_space<vmem>>) dst(%dma_wait3A_110 : memref<40x128xbf16, #tpu.memory_space<vmem_shared>>)
        tpu.yield
      }) : () -> ()
    } else {
    }
    %barrier3A = arith.constant 0 : index
    tpu.barrier barrier_id(%barrier3A)
    %mul3A_8 = arith.constant 1 : i32
    %mul3A_9 = arith.muli %add3A, %mul3A_8 : i32
    %add3A_10 = arith.constant 0 : i32
    %add3A_11 = arith.addi %mul3A_9, %add3A_10 : i32
    %mul3A_12 = arith.constant 20 : i32
    %mul3A_13 = arith.muli %add3A_11, %mul3A_12 : i32
    "tpu.region"() ({
      %run_scoped3A = tpu.sem_alloc : memref<!tpu.dma_semaphore, #tpu.memory_space<semaphore_mem>>
      %dma_start3A_53 = arith.constant 0 : i32
      %dma_start3A_54 = tpu.memref_slice %arg3[%mul3A_13, %dma_start3A_53] : memref<640x500xi32, #tpu.memory_space<hbm>> -> memref<20x500xi32, #tpu.memory_space<hbm>>
      %dma_start3A_55 = arith.constant 0 : i32
      %dma_start3A_56 = tpu.memref_slice %arg3[%mul3A_13, %dma_start3A_55] : memref<640x500xi32, #tpu.memory_space<hbm>> -> memref<20x500xi32, #tpu.memory_space<hbm>>
      tpu.enqueue_dma source(%dma_start3A_56 : memref<20x500xi32, #tpu.memory_space<hbm>>) target(%arg6 : memref<20x500xi32, #tpu.memory_space<vmem>>) target_semaphore(%run_scoped3A : memref<!tpu.dma_semaphore, #tpu.memory_space<semaphore_mem>>)
      %dma_wait3A_57 = arith.constant 0 : i32
      %dma_wait3A_58 = tpu.memref_slice %arg3[%mul3A_13, %dma_wait3A_57] : memref<640x500xi32, #tpu.memory_space<hbm>> -> memref<20x500xi32, #tpu.memory_space<hbm>>
      %dma_wait3A_59 = arith.constant 0 : i32
      %dma_wait3A_60 = tpu.memref_slice %arg3[%mul3A_13, %dma_wait3A_59] : memref<640x500xi32, #tpu.memory_space<hbm>> -> memref<20x500xi32, #tpu.memory_space<hbm>>
      tpu.wait_dma2 semaphore(%run_scoped3A : memref<!tpu.dma_semaphore, #tpu.memory_space<semaphore_mem>>) src(%dma_wait3A_60 : memref<20x500xi32, #tpu.memory_space<hbm>>) dst(%arg6 : memref<20x500xi32, #tpu.memory_space<vmem>>)
      tpu.yield
    }) : () -> ()
    %mul3A_14 = arith.constant 1 : i32
    %mul3A_15 = arith.muli %add3A, %mul3A_14 : i32
    %add3A_16 = arith.constant 0 : i32
    %add3A_17 = arith.addi %mul3A_15, %add3A_16 : i32
    %mul3A_18 = arith.constant 20 : i32
    %mul3A_19 = arith.muli %add3A_17, %mul3A_18 : i32
    "tpu.region"() ({
      %run_scoped3A = tpu.sem_alloc : memref<!tpu.dma_semaphore, #tpu.memory_space<semaphore_mem>>
      %dma_start3A_53 = arith.constant 0 : i32
      %dma_start3A_54 = tpu.memref_slice %arg4[%mul3A_19, %dma_start3A_53] : memref<640x500xi32, #tpu.memory_space<hbm>> -> memref<20x500xi32, #tpu.memory_space<hbm>>
      %dma_start3A_55 = arith.constant 0 : i32
      %dma_start3A_56 = tpu.memref_slice %arg4[%mul3A_19, %dma_start3A_55] : memref<640x500xi32, #tpu.memory_space<hbm>> -> memref<20x500xi32, #tpu.memory_space<hbm>>
      tpu.enqueue_dma source(%dma_start3A_56 : memref<20x500xi32, #tpu.memory_space<hbm>>) target(%arg7 : memref<20x500xi32, #tpu.memory_space<vmem>>) target_semaphore(%run_scoped3A : memref<!tpu.dma_semaphore, #tpu.memory_space<semaphore_mem>>)
      %dma_wait3A_57 = arith.constant 0 : i32
      %dma_wait3A_58 = tpu.memref_slice %arg4[%mul3A_19, %dma_wait3A_57] : memref<640x500xi32, #tpu.memory_space<hbm>> -> memref<20x500xi32, #tpu.memory_space<hbm>>
      %dma_wait3A_59 = arith.constant 0 : i32
      %dma_wait3A_60 = tpu.memref_slice %arg4[%mul3A_19, %dma_wait3A_59] : memref<640x500xi32, #tpu.memory_space<hbm>> -> memref<20x500xi32, #tpu.memory_space<hbm>>
      tpu.wait_dma2 semaphore(%run_scoped3A : memref<!tpu.dma_semaphore, #tpu.memory_space<semaphore_mem>>) src(%dma_wait3A_60 : memref<20x500xi32, #tpu.memory_space<hbm>>) dst(%arg7 : memref<20x500xi32, #tpu.memory_space<vmem>>)
      tpu.yield
    }) : () -> ()
    %dma_start3A = arith.constant 0 : i32
    %dma_start3A_20 = arith.constant 0 : i32
    %dma_start3A_21 = arith.constant 0 : i32
    %dma_start3A_22 = arith.constant 0 : i32
    %dma_start3A_23 = tpu.memref_slice %arg8[%dma_start3A_20, %dma_start3A_21, %dma_start3A_22] : memref<2x500x128xbf16, #tpu.memory_space<vmem>> -> memref<1x500x128xbf16, #tpu.memory_space<vmem>>
    %dma_start3A_24 = tpu.memref_squeeze %dma_start3A_23 : memref<1x500x128xbf16, #tpu.memory_space<vmem>> -> memref<500x128xbf16, #tpu.memory_space<vmem>>
    %dma_start3A_25 = arith.constant 0 : i32
    %dma_start3A_26 = tpu.memref_slice %arg6[%dma_start3A, %dma_start3A_25] : memref<20x500xi32, #tpu.memory_space<vmem>> -> memref<1x500xi32, #tpu.memory_space<vmem>>
    %dma_start3A_27 = tpu.memref_squeeze %dma_start3A_26 : memref<1x500xi32, #tpu.memory_space<vmem>> -> memref<500xi32, #tpu.memory_space<vmem>>
    %dma_start3A_28 = arith.constant 0 : i32
    %dma_start3A_29 = arith.constant 0 : i32
    %dma_start3A_30 = tpu.memref_slice %arg2[%dma_start3A_28, %dma_start3A_29] : memref<10240x128xbf16, #tpu.memory_space<hbm>> -> memref<10240x128xbf16, #tpu.memory_space<hbm>>
    tpu.enqueue_indirect_dma source(%dma_start3A_30 : memref<10240x128xbf16, #tpu.memory_space<hbm>>) target(%dma_start3A_24 : memref<500x128xbf16, #tpu.memory_space<vmem>>) offsets(%dma_start3A_27 : memref<500xi32, #tpu.memory_space<vmem>>) semaphore(%arg10 : memref<!tpu.dma_semaphore, #tpu.memory_space<semaphore_mem>>)
    %scan3A = arith.constant 0 : i32
    %scan3A_31 = arith.constant 0 : i32
    %scan3A_32 = arith.constant 10 : i32
    %scan3A_33 = arith.addi %scan3A_31, %scan3A_32 : i32
    %scan3A_34 = arith.constant 1 : i32
    %scan3A_35 = scf.for %scan3A_53 = %scan3A_31 to %scan3A_33 step %scan3A_34 iter_args(%scan3A_54 = %scan3A) -> (i32)  : i32 {
      %mul3A_55 = arith.constant 2 : i32
      %mul3A_56 = arith.muli %mul3A_55, %scan3A_53 : i32
      %add3A_57 = arith.constant 1 : i32
      %add3A_58 = arith.addi %mul3A_56, %add3A_57 : i32
      %dma_wait3A_59 = arith.constant 0 : i32
      %dma_wait3A_60 = arith.constant 0 : i32
      %dma_wait3A_61 = arith.constant 0 : i32
      %dma_wait3A_62 = tpu.memref_slice %arg8[%dma_wait3A_59, %dma_wait3A_60, %dma_wait3A_61] : memref<2x500x128xbf16, #tpu.memory_space<vmem>> -> memref<1x500x128xbf16, #tpu.memory_space<vmem>>
      %dma_wait3A_63 = tpu.memref_squeeze %dma_wait3A_62 : memref<1x500x128xbf16, #tpu.memory_space<vmem>> -> memref<500x128xbf16, #tpu.memory_space<vmem>>
      %dma_wait3A_64 = arith.constant 0 : i32
      %dma_wait3A_65 = tpu.memref_slice %arg6[%mul3A_56, %dma_wait3A_64] : memref<20x500xi32, #tpu.memory_space<vmem>> -> memref<1x500xi32, #tpu.memory_space<vmem>>
      %dma_wait3A_66 = tpu.memref_squeeze %dma_wait3A_65 : memref<1x500xi32, #tpu.memory_space<vmem>> -> memref<500xi32, #tpu.memory_space<vmem>>
      %dma_wait3A_67 = arith.constant 0 : i32
      %dma_wait3A_68 = arith.constant 0 : i32
      %dma_wait3A_69 = tpu.memref_slice %arg2[%dma_wait3A_67, %dma_wait3A_68] : memref<10240x128xbf16, #tpu.memory_space<hbm>> -> memref<10240x128xbf16, #tpu.memory_space<hbm>>
      tpu.wait_indirect_dma semaphore(%arg10 : memref<!tpu.dma_semaphore, #tpu.memory_space<semaphore_mem>>) src(%dma_wait3A_69 : memref<10240x128xbf16, #tpu.memory_space<hbm>>) dst(%dma_wait3A_63 : memref<500x128xbf16, #tpu.memory_space<vmem>>)
      %ge3A = arith.constant 1 : i32
      %ge3A_70 = arith.cmpi sge, %scan3A_53, %ge3A : i32
      %convert_element_type3A_71 = arith.extui %ge3A_70 : i1 to i32
      %cond3A_72 = arith.constant 0 : i32
      %cond3A_73 = arith.cmpi ne, %convert_element_type3A_71, %cond3A_72 : i32
      scf.if %cond3A_73 {
        %sub3A = arith.constant 1 : i32
        %sub3A_136 = arith.subi %mul3A_56, %sub3A : i32
        %dma_wait3A_137 = arith.constant 1 : i32
        %dma_wait3A_138 = arith.constant 0 : i32
        %dma_wait3A_139 = arith.constant 0 : i32
        %dma_wait3A_140 = tpu.memref_slice %arg8[%dma_wait3A_137, %dma_wait3A_138, %dma_wait3A_139] : memref<2x500x128xbf16, #tpu.memory_space<vmem>> -> memref<1x500x128xbf16, #tpu.memory_space<vmem>>
        %dma_wait3A_141 = tpu.memref_squeeze %dma_wait3A_140 : memref<1x500x128xbf16, #tpu.memory_space<vmem>> -> memref<500x128xbf16, #tpu.memory_space<vmem>>
        %dma_wait3A_142 = arith.constant 0 : i32
        %dma_wait3A_143 = tpu.memref_slice %arg7[%sub3A_136, %dma_wait3A_142] : memref<20x500xi32, #tpu.memory_space<vmem>> -> memref<1x500xi32, #tpu.memory_space<vmem>>
        %dma_wait3A_144 = tpu.memref_squeeze %dma_wait3A_143 : memref<1x500xi32, #tpu.memory_space<vmem>> -> memref<500xi32, #tpu.memory_space<vmem>>
        %dma_wait3A_145 = arith.constant 0 : i32
        %dma_wait3A_146 = arith.constant 0 : i32
        %dma_wait3A_147 = tpu.memref_slice %arg9[%dma_wait3A_145, %dma_wait3A_146] : memref<10240x128xbf16, #tpu.memory_space<vmem_shared>> -> memref<10240x128xbf16, #tpu.memory_space<vmem_shared>>
        tpu.wait_indirect_dma semaphore(%arg11 : memref<!tpu.dma_semaphore, #tpu.memory_space<semaphore_mem>>) src(%dma_wait3A_141 : memref<500x128xbf16, #tpu.memory_space<vmem>>) dst(%dma_wait3A_147 : memref<10240x128xbf16, #tpu.memory_space<vmem_shared>>)
      } else {
      }
      %dma_start3A_74 = arith.constant 1 : i32
      %dma_start3A_75 = arith.constant 0 : i32
      %dma_start3A_76 = arith.constant 0 : i32
      %dma_start3A_77 = tpu.memref_slice %arg8[%dma_start3A_74, %dma_start3A_75, %dma_start3A_76] : memref<2x500x128xbf16, #tpu.memory_space<vmem>> -> memref<1x500x128xbf16, #tpu.memory_space<vmem>>
      %dma_start3A_78 = tpu.memref_squeeze %dma_start3A_77 : memref<1x500x128xbf16, #tpu.memory_space<vmem>> -> memref<500x128xbf16, #tpu.memory_space<vmem>>
      %dma_start3A_79 = arith.constant 0 : i32
      %dma_start3A_80 = tpu.memref_slice %arg6[%add3A_58, %dma_start3A_79] : memref<20x500xi32, #tpu.memory_space<vmem>> -> memref<1x500xi32, #tpu.memory_space<vmem>>
      %dma_start3A_81 = tpu.memref_squeeze %dma_start3A_80 : memref<1x500xi32, #tpu.memory_space<vmem>> -> memref<500xi32, #tpu.memory_space<vmem>>
      %dma_start3A_82 = arith.constant 0 : i32
      %dma_start3A_83 = arith.constant 0 : i32
      %dma_start3A_84 = tpu.memref_slice %arg2[%dma_start3A_82, %dma_start3A_83] : memref<10240x128xbf16, #tpu.memory_space<hbm>> -> memref<10240x128xbf16, #tpu.memory_space<hbm>>
      tpu.enqueue_indirect_dma source(%dma_start3A_84 : memref<10240x128xbf16, #tpu.memory_space<hbm>>) target(%dma_start3A_78 : memref<500x128xbf16, #tpu.memory_space<vmem>>) offsets(%dma_start3A_81 : memref<500xi32, #tpu.memory_space<vmem>>) semaphore(%arg10 : memref<!tpu.dma_semaphore, #tpu.memory_space<semaphore_mem>>)
      %dma_start3A_85 = arith.constant 0 : i32
      %dma_start3A_86 = arith.constant 0 : i32
      %dma_start3A_87 = arith.constant 0 : i32
      %dma_start3A_88 = tpu.memref_slice %arg8[%dma_start3A_85, %dma_start3A_86, %dma_start3A_87] : memref<2x500x128xbf16, #tpu.memory_space<vmem>> -> memref<1x500x128xbf16, #tpu.memory_space<vmem>>
      %dma_start3A_89 = tpu.memref_squeeze %dma_start3A_88 : memref<1x500x128xbf16, #tpu.memory_space<vmem>> -> memref<500x128xbf16, #tpu.memory_space<vmem>>
      %dma_start3A_90 = arith.constant 0 : i32
      %dma_start3A_91 = tpu.memref_slice %arg7[%mul3A_56, %dma_start3A_90] : memref<20x500xi32, #tpu.memory_space<vmem>> -> memref<1x500xi32, #tpu.memory_space<vmem>>
      %dma_start3A_92 = tpu.memref_squeeze %dma_start3A_91 : memref<1x500xi32, #tpu.memory_space<vmem>> -> memref<500xi32, #tpu.memory_space<vmem>>
      %dma_start3A_93 = arith.constant 0 : i32
      %dma_start3A_94 = arith.constant 0 : i32
      %dma_start3A_95 = tpu.memref_slice %arg9[%dma_start3A_93, %dma_start3A_94] : memref<10240x128xbf16, #tpu.memory_space<vmem_shared>> -> memref<10240x128xbf16, #tpu.memory_space<vmem_shared>>
      tpu.enqueue_indirect_dma source(%dma_start3A_89 : memref<500x128xbf16, #tpu.memory_space<vmem>>) target(%dma_start3A_95 : memref<10240x128xbf16, #tpu.memory_space<vmem_shared>>) offsets(%dma_start3A_92 : memref<500xi32, #tpu.memory_space<vmem>>) semaphore(%arg11 : memref<!tpu.dma_semaphore, #tpu.memory_space<semaphore_mem>>) {add = true}
      %dma_wait3A_96 = arith.constant 1 : i32
      %dma_wait3A_97 = arith.constant 0 : i32
      %dma_wait3A_98 = arith.constant 0 : i32
      %dma_wait3A_99 = tpu.memref_slice %arg8[%dma_wait3A_96, %dma_wait3A_97, %dma_wait3A_98] : memref<2x500x128xbf16, #tpu.memory_space<vmem>> -> memref<1x500x128xbf16, #tpu.memory_space<vmem>>
      %dma_wait3A_100 = tpu.memref_squeeze %dma_wait3A_99 : memref<1x500x128xbf16, #tpu.memory_space<vmem>> -> memref<500x128xbf16, #tpu.memory_space<vmem>>
      %dma_wait3A_101 = arith.constant 0 : i32
      %dma_wait3A_102 = tpu.memref_slice %arg6[%add3A_58, %dma_wait3A_101] : memref<20x500xi32, #tpu.memory_space<vmem>> -> memref<1x500xi32, #tpu.memory_space<vmem>>
      %dma_wait3A_103 = tpu.memref_squeeze %dma_wait3A_102 : memref<1x500xi32, #tpu.memory_space<vmem>> -> memref<500xi32, #tpu.memory_space<vmem>>
      %dma_wait3A_104 = arith.constant 0 : i32
      %dma_wait3A_105 = arith.constant 0 : i32
      %dma_wait3A_106 = tpu.memref_slice %arg2[%dma_wait3A_104, %dma_wait3A_105] : memref<10240x128xbf16, #tpu.memory_space<hbm>> -> memref<10240x128xbf16, #tpu.memory_space<hbm>>
      tpu.wait_indirect_dma semaphore(%arg10 : memref<!tpu.dma_semaphore, #tpu.memory_space<semaphore_mem>>) src(%dma_wait3A_106 : memref<10240x128xbf16, #tpu.memory_space<hbm>>) dst(%dma_wait3A_100 : memref<500x128xbf16, #tpu.memory_space<vmem>>)
      %dma_wait3A_107 = arith.constant 0 : i32
      %dma_wait3A_108 = arith.constant 0 : i32
      %dma_wait3A_109 = arith.constant 0 : i32
      %dma_wait3A_110 = tpu.memref_slice %arg8[%dma_wait3A_107, %dma_wait3A_108, %dma_wait3A_109] : memref<2x500x128xbf16, #tpu.memory_space<vmem>> -> memref<1x500x128xbf16, #tpu.memory_space<vmem>>
      %dma_wait3A_111 = tpu.memref_squeeze %dma_wait3A_110 : memref<1x500x128xbf16, #tpu.memory_space<vmem>> -> memref<500x128xbf16, #tpu.memory_space<vmem>>
      %dma_wait3A_112 = arith.constant 0 : i32
      %dma_wait3A_113 = tpu.memref_slice %arg7[%mul3A_56, %dma_wait3A_112] : memref<20x500xi32, #tpu.memory_space<vmem>> -> memref<1x500xi32, #tpu.memory_space<vmem>>
      %dma_wait3A_114 = tpu.memref_squeeze %dma_wait3A_113 : memref<1x500xi32, #tpu.memory_space<vmem>> -> memref<500xi32, #tpu.memory_space<vmem>>
      %dma_wait3A_115 = arith.constant 0 : i32
      %dma_wait3A_116 = arith.constant 0 : i32
      %dma_wait3A_117 = tpu.memref_slice %arg9[%dma_wait3A_115, %dma_wait3A_116] : memref<10240x128xbf16, #tpu.memory_space<vmem_shared>> -> memref<10240x128xbf16, #tpu.memory_space<vmem_shared>>
      tpu.wait_indirect_dma semaphore(%arg11 : memref<!tpu.dma_semaphore, #tpu.memory_space<semaphore_mem>>) src(%dma_wait3A_111 : memref<500x128xbf16, #tpu.memory_space<vmem>>) dst(%dma_wait3A_117 : memref<10240x128xbf16, #tpu.memory_space<vmem_shared>>)
      %add3A_118 = arith.constant 1 : i32
      %add3A_119 = arith.addi %add3A_58, %add3A_118 : i32
      %lt3A = arith.constant 20 : i32
      %lt3A_120 = arith.cmpi slt, %add3A_119, %lt3A : i32
      %convert_element_type3A_121 = arith.extui %lt3A_120 : i1 to i32
      %cond3A_122 = arith.constant 0 : i32
      %cond3A_123 = arith.cmpi ne, %convert_element_type3A_121, %cond3A_122 : i32
      scf.if %cond3A_123 {
        %add3A_136 = arith.constant 1 : i32
        %add3A_137 = arith.addi %add3A_58, %add3A_136 : i32
        %dma_start3A_138 = arith.constant 0 : i32
        %dma_start3A_139 = arith.constant 0 : i32
        %dma_start3A_140 = arith.constant 0 : i32
        %dma_start3A_141 = tpu.memref_slice %arg8[%dma_start3A_138, %dma_start3A_139, %dma_start3A_140] : memref<2x500x128xbf16, #tpu.memory_space<vmem>> -> memref<1x500x128xbf16, #tpu.memory_space<vmem>>
        %dma_start3A_142 = tpu.memref_squeeze %dma_start3A_141 : memref<1x500x128xbf16, #tpu.memory_space<vmem>> -> memref<500x128xbf16, #tpu.memory_space<vmem>>
        %dma_start3A_143 = arith.constant 0 : i32
        %dma_start3A_144 = tpu.memref_slice %arg6[%add3A_137, %dma_start3A_143] : memref<20x500xi32, #tpu.memory_space<vmem>> -> memref<1x500xi32, #tpu.memory_space<vmem>>
        %dma_start3A_145 = tpu.memref_squeeze %dma_start3A_144 : memref<1x500xi32, #tpu.memory_space<vmem>> -> memref<500xi32, #tpu.memory_space<vmem>>
        %dma_start3A_146 = arith.constant 0 : i32
        %dma_start3A_147 = arith.constant 0 : i32
        %dma_start3A_148 = tpu.memref_slice %arg2[%dma_start3A_146, %dma_start3A_147] : memref<10240x128xbf16, #tpu.memory_space<hbm>> -> memref<10240x128xbf16, #tpu.memory_space<hbm>>
        tpu.enqueue_indirect_dma source(%dma_start3A_148 : memref<10240x128xbf16, #tpu.memory_space<hbm>>) target(%dma_start3A_142 : memref<500x128xbf16, #tpu.memory_space<vmem>>) offsets(%dma_start3A_145 : memref<500xi32, #tpu.memory_space<vmem>>) semaphore(%arg10 : memref<!tpu.dma_semaphore, #tpu.memory_space<semaphore_mem>>)
      } else {
      }
      %dma_start3A_124 = arith.constant 1 : i32
      %dma_start3A_125 = arith.constant 0 : i32
      %dma_start3A_126 = arith.constant 0 : i32
      %dma_start3A_127 = tpu.memref_slice %arg8[%dma_start3A_124, %dma_start3A_125, %dma_start3A_126] : memref<2x500x128xbf16, #tpu.memory_space<vmem>> -> memref<1x500x128xbf16, #tpu.memory_space<vmem>>
      %dma_start3A_128 = tpu.memref_squeeze %dma_start3A_127 : memref<1x500x128xbf16, #tpu.memory_space<vmem>> -> memref<500x128xbf16, #tpu.memory_space<vmem>>
      %dma_start3A_129 = arith.constant 0 : i32
      %dma_start3A_130 = tpu.memref_slice %arg7[%add3A_58, %dma_start3A_129] : memref<20x500xi32, #tpu.memory_space<vmem>> -> memref<1x500xi32, #tpu.memory_space<vmem>>
      %dma_start3A_131 = tpu.memref_squeeze %dma_start3A_130 : memref<1x500xi32, #tpu.memory_space<vmem>> -> memref<500xi32, #tpu.memory_space<vmem>>
      %dma_start3A_132 = arith.constant 0 : i32
      %dma_start3A_133 = arith.constant 0 : i32
      %dma_start3A_134 = tpu.memref_slice %arg9[%dma_start3A_132, %dma_start3A_133] : memref<10240x128xbf16, #tpu.memory_space<vmem_shared>> -> memref<10240x128xbf16, #tpu.memory_space<vmem_shared>>
      tpu.enqueue_indirect_dma source(%dma_start3A_128 : memref<500x128xbf16, #tpu.memory_space<vmem>>) target(%dma_start3A_134 : memref<10240x128xbf16, #tpu.memory_space<vmem_shared>>) offsets(%dma_start3A_131 : memref<500xi32, #tpu.memory_space<vmem>>) semaphore(%arg11 : memref<!tpu.dma_semaphore, #tpu.memory_space<semaphore_mem>>) {add = true}
      %scan3A_135 = arith.constant 0 : i32
      scf.yield %scan3A_135 : i32
    }
    %scan3A_36 = arith.constant 10 : i32
    %dma_wait3A = arith.constant 1 : i32
    %dma_wait3A_37 = arith.constant 19 : i32
    %dma_wait3A_38 = arith.constant 0 : i32
    %dma_wait3A_39 = arith.constant 0 : i32
    %dma_wait3A_40 = tpu.memref_slice %arg8[%dma_wait3A, %dma_wait3A_38, %dma_wait3A_39] : memref<2x500x128xbf16, #tpu.memory_space<vmem>> -> memref<1x500x128xbf16, #tpu.memory_space<vmem>>
    %dma_wait3A_41 = tpu.memref_squeeze %dma_wait3A_40 : memref<1x500x128xbf16, #tpu.memory_space<vmem>> -> memref<500x128xbf16, #tpu.memory_space<vmem>>
    %dma_wait3A_42 = arith.constant 0 : i32
    %dma_wait3A_43 = tpu.memref_slice %arg7[%dma_wait3A_37, %dma_wait3A_42] : memref<20x500xi32, #tpu.memory_space<vmem>> -> memref<1x500xi32, #tpu.memory_space<vmem>>
    %dma_wait3A_44 = tpu.memref_squeeze %dma_wait3A_43 : memref<1x500xi32, #tpu.memory_space<vmem>> -> memref<500xi32, #tpu.memory_space<vmem>>
    %dma_wait3A_45 = arith.constant 0 : i32
    %dma_wait3A_46 = arith.constant 0 : i32
    %dma_wait3A_47 = tpu.memref_slice %arg9[%dma_wait3A_45, %dma_wait3A_46] : memref<10240x128xbf16, #tpu.memory_space<vmem_shared>> -> memref<10240x128xbf16, #tpu.memory_space<vmem_shared>>
    tpu.wait_indirect_dma semaphore(%arg11 : memref<!tpu.dma_semaphore, #tpu.memory_space<semaphore_mem>>) src(%dma_wait3A_41 : memref<500x128xbf16, #tpu.memory_space<vmem>>) dst(%dma_wait3A_47 : memref<10240x128xbf16, #tpu.memory_space<vmem_shared>>)
    %barrier3A_48 = arith.constant 0 : index
    tpu.barrier barrier_id(%barrier3A_48)
    %mul3A_49 = arith.constant 640 : i32
    %mul3A_50 = arith.muli %arg1, %mul3A_49 : i32
    %mul3A_51 = arith.constant 640 : i32
    %mul3A_52 = arith.muli %arg1, %mul3A_51 : i32
    "tpu.region"() ({
      %run_scoped3A = tpu.sem_alloc : memref<!tpu.dma_semaphore, #tpu.memory_space<semaphore_mem>>
      %dma_start3A_53 = arith.constant 0 : i32
      %dma_start3A_54 = tpu.memref_slice %arg5[%arg0, %mul3A_52, %dma_start3A_53] : memref<2x10240x128xbf16, #tpu.memory_space<hbm>> -> memref<1x640x128xbf16, #tpu.memory_space<hbm>>
      %dma_start3A_55 = tpu.memref_squeeze %dma_start3A_54 : memref<1x640x128xbf16, #tpu.memory_space<hbm>> -> memref<640x128xbf16, #tpu.memory_space<hbm>>
      %dma_start3A_56 = arith.constant 0 : i32
      %dma_start3A_57 = tpu.memref_slice %arg9[%mul3A_50, %dma_start3A_56] : memref<10240x128xbf16, #tpu.memory_space<vmem_shared>> -> memref<640x128xbf16, #tpu.memory_space<vmem_shared>>
      tpu.enqueue_dma source(%dma_start3A_57 : memref<640x128xbf16, #tpu.memory_space<vmem_shared>>) target(%dma_start3A_55 : memref<640x128xbf16, #tpu.memory_space<hbm>>) target_semaphore(%run_scoped3A : memref<!tpu.dma_semaphore, #tpu.memory_space<semaphore_mem>>)
      %dma_wait3A_58 = arith.constant 0 : i32
      %dma_wait3A_59 = tpu.memref_slice %arg5[%arg0, %mul3A_52, %dma_wait3A_58] : memref<2x10240x128xbf16, #tpu.memory_space<hbm>> -> memref<1x640x128xbf16, #tpu.memory_space<hbm>>
      %dma_wait3A_60 = tpu.memref_squeeze %dma_wait3A_59 : memref<1x640x128xbf16, #tpu.memory_space<hbm>> -> memref<640x128xbf16, #tpu.memory_space<hbm>>
      %dma_wait3A_61 = arith.constant 0 : i32
      %dma_wait3A_62 = tpu.memref_slice %arg9[%mul3A_50, %dma_wait3A_61] : memref<10240x128xbf16, #tpu.memory_space<vmem_shared>> -> memref<640x128xbf16, #tpu.memory_space<vmem_shared>>
      tpu.wait_dma2 semaphore(%run_scoped3A : memref<!tpu.dma_semaphore, #tpu.memory_space<semaphore_mem>>) src(%dma_wait3A_62 : memref<640x128xbf16, #tpu.memory_space<vmem_shared>>) dst(%dma_wait3A_60 : memref<640x128xbf16, #tpu.memory_space<hbm>>)
      tpu.yield
    }) : () -> ()
    return
  }
}

#map = affine_map<(d0, d1) -> (0, 0)>
#map1 = affine_map<(d0, d1) -> (0, 0, 0)>
module attributes {stable_mosaic.version = 14 : i64} {
  func.func @agg(%arg0: i32, %arg1: i32, %arg2: memref<10240x64xbf16, #tpu.memory_space<hbm>>, %arg3: memref<320x1000xi32, #tpu.memory_space<hbm>>, %arg4: memref<320x1000xi32, #tpu.memory_space<hbm>>, %arg5: memref<2x10240x64xbf16, #tpu.memory_space<hbm>>, %arg6: memref<10x1000xi32, #tpu.memory_space<vmem>>, %arg7: memref<10x1000xi32, #tpu.memory_space<vmem>>, %arg8: memref<2x1000x64xbf16, #tpu.memory_space<vmem>>, %arg9: memref<10240x64xbf16, #tpu.memory_space<vmem_shared>>, %arg10: memref<!tpu.dma_semaphore, #tpu.memory_space<semaphore_mem>>, %arg11: memref<!tpu.dma_semaphore, #tpu.memory_space<semaphore_mem>>) attributes {dimension_semantics = [#tpu.dimension_semantics<core_parallel>, #tpu.dimension_semantics<subcore_parallel>], iteration_bounds = array<i64: 2, 16>, scalar_prefetch = 0 : i64, scratch_operands = 6 : i64, tpu.core_type = #tpu.core_type<sc_vector_subcore>, window_params = [{transform_indices = #map}, {transform_indices = #map}, {transform_indices = #map}, {transform_indices = #map1}]} {
    %mul3A = arith.constant 2 : i32
    %mul3A_0 = arith.muli %arg1, %mul3A : i32
    %add3A = arith.addi %mul3A_0, %arg0 : i32
    %eq3A = arith.constant 0 : i32
    %eq3A_1 = arith.cmpi eq, %arg0, %eq3A : i32
    %convert_element_type3A = arith.extui %eq3A_1 : i1 to i32
    %cond3A = arith.constant 0 : i32
    %cond3A_2 = arith.cmpi ne, %convert_element_type3A, %cond3A : i32
    scf.if %cond3A_2 {
      %mul3A_53 = arith.constant 640 : i32
      %mul3A_54 = arith.muli %arg1, %mul3A_53 : i32
      %mul3A_55 = arith.constant 640 : i32
      %mul3A_56 = arith.muli %arg1, %mul3A_55 : i32
      "tpu.region"() ({
        %run_scoped3A = tpu.sem_alloc : memref<!tpu.dma_semaphore, #tpu.memory_space<semaphore_mem>>
        %dma_start3A_57 = arith.constant 0 : i32
        %dma_start3A_58 = tpu.memref_slice %arg9[%mul3A_56, %dma_start3A_57] : memref<10240x64xbf16, #tpu.memory_space<vmem_shared>> -> memref<640x64xbf16, #tpu.memory_space<vmem_shared>>
        %dma_start3A_59 = arith.constant 0 : i32
        %dma_start3A_60 = tpu.memref_slice %arg2[%mul3A_54, %dma_start3A_59] : memref<10240x64xbf16, #tpu.memory_space<hbm>> -> memref<640x64xbf16, #tpu.memory_space<hbm>>
        tpu.enqueue_dma source(%dma_start3A_60 : memref<640x64xbf16, #tpu.memory_space<hbm>>) target(%dma_start3A_58 : memref<640x64xbf16, #tpu.memory_space<vmem_shared>>) target_semaphore(%run_scoped3A : memref<!tpu.dma_semaphore, #tpu.memory_space<semaphore_mem>>)
        %dma_wait3A_61 = arith.constant 0 : i32
        %dma_wait3A_62 = tpu.memref_slice %arg9[%mul3A_56, %dma_wait3A_61] : memref<10240x64xbf16, #tpu.memory_space<vmem_shared>> -> memref<640x64xbf16, #tpu.memory_space<vmem_shared>>
        %dma_wait3A_63 = arith.constant 0 : i32
        %dma_wait3A_64 = tpu.memref_slice %arg2[%mul3A_54, %dma_wait3A_63] : memref<10240x64xbf16, #tpu.memory_space<hbm>> -> memref<640x64xbf16, #tpu.memory_space<hbm>>
        tpu.wait_dma2 semaphore(%run_scoped3A : memref<!tpu.dma_semaphore, #tpu.memory_space<semaphore_mem>>) src(%dma_wait3A_64 : memref<640x64xbf16, #tpu.memory_space<hbm>>) dst(%dma_wait3A_62 : memref<640x64xbf16, #tpu.memory_space<vmem_shared>>)
        tpu.yield
      }) : () -> ()
    } else {
    }
    %eq3A_3 = arith.constant 1 : i32
    %eq3A_4 = arith.cmpi eq, %arg0, %eq3A_3 : i32
    %convert_element_type3A_5 = arith.extui %eq3A_4 : i1 to i32
    %cond3A_6 = arith.constant 0 : i32
    %cond3A_7 = arith.cmpi ne, %convert_element_type3A_5, %cond3A_6 : i32
    scf.if %cond3A_7 {
      %broadcast_in_dim3A = arith.constant 0.000000e+00 : bf16
      %broadcast_in_dim3A_53 = vector.broadcast %broadcast_in_dim3A : bf16 to vector<32xbf16>
      %scan3A_54 = arith.constant 0 : i32
      %scan3A_55 = arith.constant 0 : i32
      %scan3A_56 = arith.constant 125 : i32
      %scan3A_57 = arith.addi %scan3A_55, %scan3A_56 : i32
      %scan3A_58 = arith.constant 1 : i32
      %scan3A_59 = scf.for %scan3A_90 = %scan3A_55 to %scan3A_57 step %scan3A_58 iter_args(%scan3A_91 = %scan3A_54) -> (i32)  : i32 {
        %swap3A = arith.constant 0 : i32
        %swap3A_92 = arith.index_cast %swap3A : i32 to index
        %swap3A_93 = arith.index_cast %scan3A_90 : i32 to index
        %swap3A_94 = arith.constant 0 : index
        %swap3A_95 = tpu.vector_load %arg8[%swap3A_92, %swap3A_93, %swap3A_94] {strides = array<i32>} : memref<2x1000x64xbf16, #tpu.memory_space<vmem>>, vector<1x1x32xbf16>,
        %swap3A_96 = vector.shape_cast %swap3A_95 : vector<1x1x32xbf16> to vector<32xbf16>
        %swap3A_97 = vector.shape_cast %broadcast_in_dim3A_53 : vector<32xbf16> to vector<1x1x32xbf16>
        tpu.vector_store %arg8[%swap3A_92, %swap3A_93, %swap3A_94], %swap3A_97 {strides = array<i32>} : memref<2x1000x64xbf16, #tpu.memory_space<vmem>>, vector<1x1x32xbf16>,
        %swap3A_98 = arith.constant 0 : i32
        %swap3A_99 = arith.index_cast %swap3A_98 : i32 to index
        %swap3A_100 = arith.index_cast %scan3A_90 : i32 to index
        %swap3A_101 = arith.constant 32 : index
        %swap3A_102 = tpu.vector_load %arg8[%swap3A_99, %swap3A_100, %swap3A_101] {strides = array<i32>} : memref<2x1000x64xbf16, #tpu.memory_space<vmem>>, vector<1x1x32xbf16>,
        %swap3A_103 = vector.shape_cast %swap3A_102 : vector<1x1x32xbf16> to vector<32xbf16>
        %swap3A_104 = vector.shape_cast %broadcast_in_dim3A_53 : vector<32xbf16> to vector<1x1x32xbf16>
        tpu.vector_store %arg8[%swap3A_99, %swap3A_100, %swap3A_101], %swap3A_104 {strides = array<i32>} : memref<2x1000x64xbf16, #tpu.memory_space<vmem>>, vector<1x1x32xbf16>,
        %scan3A_105 = arith.constant 0 : i32
        scf.yield %scan3A_105 : i32
      }
      %scan3A_60 = arith.constant 125 : i32
      %mul3A_61 = arith.constant 640 : i32
      %mul3A_62 = arith.muli %arg1, %mul3A_61 : i32
      %add3A_63 = arith.constant 0 : i32
      %add3A_64 = arith.addi %mul3A_62, %add3A_63 : i32
      %run_scoped3A = arith.constant 0 : i32
      "tpu.region"() ({
        %run_scoped3A_90 = tpu.sem_alloc : memref<!tpu.dma_semaphore, #tpu.memory_space<semaphore_mem>>
        %dma_start3A_91 = arith.constant 0 : i32
        %dma_start3A_92 = arith.constant 0 : i32
        %dma_start3A_93 = tpu.memref_slice %arg8[%run_scoped3A, %dma_start3A_91, %dma_start3A_92] : memref<2x1000x64xbf16, #tpu.memory_space<vmem>> -> memref<1x120x64xbf16, #tpu.memory_space<vmem>>
        %dma_start3A_94 = tpu.memref_squeeze %dma_start3A_93 : memref<1x120x64xbf16, #tpu.memory_space<vmem>> -> memref<120x64xbf16, #tpu.memory_space<vmem>>
        %dma_start3A_95 = arith.constant 0 : i32
        %dma_start3A_96 = tpu.memref_slice %arg9[%add3A_64, %dma_start3A_95] : memref<10240x64xbf16, #tpu.memory_space<vmem_shared>> -> memref<120x64xbf16, #tpu.memory_space<vmem_shared>>
        %dma_start3A_97 = arith.constant 0 : i32
        %dma_start3A_98 = tpu.memref_slice %arg9[%add3A_64, %dma_start3A_97] : memref<10240x64xbf16, #tpu.memory_space<vmem_shared>> -> memref<120x64xbf16, #tpu.memory_space<vmem_shared>>
        %dma_start3A_99 = arith.constant 0 : i32
        %dma_start3A_100 = arith.constant 0 : i32
        %dma_start3A_101 = tpu.memref_slice %arg8[%run_scoped3A, %dma_start3A_99, %dma_start3A_100] : memref<2x1000x64xbf16, #tpu.memory_space<vmem>> -> memref<1x120x64xbf16, #tpu.memory_space<vmem>>
        %dma_start3A_102 = tpu.memref_squeeze %dma_start3A_101 : memref<1x120x64xbf16, #tpu.memory_space<vmem>> -> memref<120x64xbf16, #tpu.memory_space<vmem>>
        tpu.enqueue_dma source(%dma_start3A_102 : memref<120x64xbf16, #tpu.memory_space<vmem>>) target(%dma_start3A_98 : memref<120x64xbf16, #tpu.memory_space<vmem_shared>>) target_semaphore(%run_scoped3A_90 : memref<!tpu.dma_semaphore, #tpu.memory_space<semaphore_mem>>)
        %dma_wait3A_103 = arith.constant 0 : i32
        %dma_wait3A_104 = arith.constant 0 : i32
        %dma_wait3A_105 = tpu.memref_slice %arg8[%run_scoped3A, %dma_wait3A_103, %dma_wait3A_104] : memref<2x1000x64xbf16, #tpu.memory_space<vmem>> -> memref<1x120x64xbf16, #tpu.memory_space<vmem>>
        %dma_wait3A_106 = tpu.memref_squeeze %dma_wait3A_105 : memref<1x120x64xbf16, #tpu.memory_space<vmem>> -> memref<120x64xbf16, #tpu.memory_space<vmem>>
        %dma_wait3A_107 = arith.constant 0 : i32
        %dma_wait3A_108 = tpu.memref_slice %arg9[%add3A_64, %dma_wait3A_107] : memref<10240x64xbf16, #tpu.memory_space<vmem_shared>> -> memref<120x64xbf16, #tpu.memory_space<vmem_shared>>
        %dma_wait3A_109 = arith.constant 0 : i32
        %dma_wait3A_110 = tpu.memref_slice %arg9[%add3A_64, %dma_wait3A_109] : memref<10240x64xbf16, #tpu.memory_space<vmem_shared>> -> memref<120x64xbf16, #tpu.memory_space<vmem_shared>>
        %dma_wait3A_111 = arith.constant 0 : i32
        %dma_wait3A_112 = arith.constant 0 : i32
        %dma_wait3A_113 = tpu.memref_slice %arg8[%run_scoped3A, %dma_wait3A_111, %dma_wait3A_112] : memref<2x1000x64xbf16, #tpu.memory_space<vmem>> -> memref<1x120x64xbf16, #tpu.memory_space<vmem>>
        %dma_wait3A_114 = tpu.memref_squeeze %dma_wait3A_113 : memref<1x120x64xbf16, #tpu.memory_space<vmem>> -> memref<120x64xbf16, #tpu.memory_space<vmem>>
        tpu.wait_dma2 semaphore(%run_scoped3A_90 : memref<!tpu.dma_semaphore, #tpu.memory_space<semaphore_mem>>) src(%dma_wait3A_114 : memref<120x64xbf16, #tpu.memory_space<vmem>>) dst(%dma_wait3A_110 : memref<120x64xbf16, #tpu.memory_space<vmem_shared>>)
        tpu.yield
      }) : () -> ()
      %mul3A_65 = arith.constant 640 : i32
      %mul3A_66 = arith.muli %arg1, %mul3A_65 : i32
      %add3A_67 = arith.constant 120 : i32
      %add3A_68 = arith.addi %mul3A_66, %add3A_67 : i32
      %run_scoped3A_69 = arith.constant 0 : i32
      "tpu.region"() ({
        %run_scoped3A_90 = tpu.sem_alloc : memref<!tpu.dma_semaphore, #tpu.memory_space<semaphore_mem>>
        %dma_start3A_91 = arith.constant 0 : i32
        %dma_start3A_92 = arith.constant 0 : i32
        %dma_start3A_93 = tpu.memref_slice %arg8[%run_scoped3A_69, %dma_start3A_91, %dma_start3A_92] : memref<2x1000x64xbf16, #tpu.memory_space<vmem>> -> memref<1x120x64xbf16, #tpu.memory_space<vmem>>
        %dma_start3A_94 = tpu.memref_squeeze %dma_start3A_93 : memref<1x120x64xbf16, #tpu.memory_space<vmem>> -> memref<120x64xbf16, #tpu.memory_space<vmem>>
        %dma_start3A_95 = arith.constant 0 : i32
        %dma_start3A_96 = tpu.memref_slice %arg9[%add3A_68, %dma_start3A_95] : memref<10240x64xbf16, #tpu.memory_space<vmem_shared>> -> memref<120x64xbf16, #tpu.memory_space<vmem_shared>>
        %dma_start3A_97 = arith.constant 0 : i32
        %dma_start3A_98 = tpu.memref_slice %arg9[%add3A_68, %dma_start3A_97] : memref<10240x64xbf16, #tpu.memory_space<vmem_shared>> -> memref<120x64xbf16, #tpu.memory_space<vmem_shared>>
        %dma_start3A_99 = arith.constant 0 : i32
        %dma_start3A_100 = arith.constant 0 : i32
        %dma_start3A_101 = tpu.memref_slice %arg8[%run_scoped3A_69, %dma_start3A_99, %dma_start3A_100] : memref<2x1000x64xbf16, #tpu.memory_space<vmem>> -> memref<1x120x64xbf16, #tpu.memory_space<vmem>>
        %dma_start3A_102 = tpu.memref_squeeze %dma_start3A_101 : memref<1x120x64xbf16, #tpu.memory_space<vmem>> -> memref<120x64xbf16, #tpu.memory_space<vmem>>
        tpu.enqueue_dma source(%dma_start3A_102 : memref<120x64xbf16, #tpu.memory_space<vmem>>) target(%dma_start3A_98 : memref<120x64xbf16, #tpu.memory_space<vmem_shared>>) target_semaphore(%run_scoped3A_90 : memref<!tpu.dma_semaphore, #tpu.memory_space<semaphore_mem>>)
        %dma_wait3A_103 = arith.constant 0 : i32
        %dma_wait3A_104 = arith.constant 0 : i32
        %dma_wait3A_105 = tpu.memref_slice %arg8[%run_scoped3A_69, %dma_wait3A_103, %dma_wait3A_104] : memref<2x1000x64xbf16, #tpu.memory_space<vmem>> -> memref<1x120x64xbf16, #tpu.memory_space<vmem>>
        %dma_wait3A_106 = tpu.memref_squeeze %dma_wait3A_105 : memref<1x120x64xbf16, #tpu.memory_space<vmem>> -> memref<120x64xbf16, #tpu.memory_space<vmem>>
        %dma_wait3A_107 = arith.constant 0 : i32
        %dma_wait3A_108 = tpu.memref_slice %arg9[%add3A_68, %dma_wait3A_107] : memref<10240x64xbf16, #tpu.memory_space<vmem_shared>> -> memref<120x64xbf16, #tpu.memory_space<vmem_shared>>
        %dma_wait3A_109 = arith.constant 0 : i32
        %dma_wait3A_110 = tpu.memref_slice %arg9[%add3A_68, %dma_wait3A_109] : memref<10240x64xbf16, #tpu.memory_space<vmem_shared>> -> memref<120x64xbf16, #tpu.memory_space<vmem_shared>>
        %dma_wait3A_111 = arith.constant 0 : i32
        %dma_wait3A_112 = arith.constant 0 : i32
        %dma_wait3A_113 = tpu.memref_slice %arg8[%run_scoped3A_69, %dma_wait3A_111, %dma_wait3A_112] : memref<2x1000x64xbf16, #tpu.memory_space<vmem>> -> memref<1x120x64xbf16, #tpu.memory_space<vmem>>
        %dma_wait3A_114 = tpu.memref_squeeze %dma_wait3A_113 : memref<1x120x64xbf16, #tpu.memory_space<vmem>> -> memref<120x64xbf16, #tpu.memory_space<vmem>>
        tpu.wait_dma2 semaphore(%run_scoped3A_90 : memref<!tpu.dma_semaphore, #tpu.memory_space<semaphore_mem>>) src(%dma_wait3A_114 : memref<120x64xbf16, #tpu.memory_space<vmem>>) dst(%dma_wait3A_110 : memref<120x64xbf16, #tpu.memory_space<vmem_shared>>)
        tpu.yield
      }) : () -> ()
      %mul3A_70 = arith.constant 640 : i32
      %mul3A_71 = arith.muli %arg1, %mul3A_70 : i32
      %add3A_72 = arith.constant 240 : i32
      %add3A_73 = arith.addi %mul3A_71, %add3A_72 : i32
      %run_scoped3A_74 = arith.constant 0 : i32
      "tpu.region"() ({
        %run_scoped3A_90 = tpu.sem_alloc : memref<!tpu.dma_semaphore, #tpu.memory_space<semaphore_mem>>
        %dma_start3A_91 = arith.constant 0 : i32
        %dma_start3A_92 = arith.constant 0 : i32
        %dma_start3A_93 = tpu.memref_slice %arg8[%run_scoped3A_74, %dma_start3A_91, %dma_start3A_92] : memref<2x1000x64xbf16, #tpu.memory_space<vmem>> -> memref<1x120x64xbf16, #tpu.memory_space<vmem>>
        %dma_start3A_94 = tpu.memref_squeeze %dma_start3A_93 : memref<1x120x64xbf16, #tpu.memory_space<vmem>> -> memref<120x64xbf16, #tpu.memory_space<vmem>>
        %dma_start3A_95 = arith.constant 0 : i32
        %dma_start3A_96 = tpu.memref_slice %arg9[%add3A_73, %dma_start3A_95] : memref<10240x64xbf16, #tpu.memory_space<vmem_shared>> -> memref<120x64xbf16, #tpu.memory_space<vmem_shared>>
        %dma_start3A_97 = arith.constant 0 : i32
        %dma_start3A_98 = tpu.memref_slice %arg9[%add3A_73, %dma_start3A_97] : memref<10240x64xbf16, #tpu.memory_space<vmem_shared>> -> memref<120x64xbf16, #tpu.memory_space<vmem_shared>>
        %dma_start3A_99 = arith.constant 0 : i32
        %dma_start3A_100 = arith.constant 0 : i32
        %dma_start3A_101 = tpu.memref_slice %arg8[%run_scoped3A_74, %dma_start3A_99, %dma_start3A_100] : memref<2x1000x64xbf16, #tpu.memory_space<vmem>> -> memref<1x120x64xbf16, #tpu.memory_space<vmem>>
        %dma_start3A_102 = tpu.memref_squeeze %dma_start3A_101 : memref<1x120x64xbf16, #tpu.memory_space<vmem>> -> memref<120x64xbf16, #tpu.memory_space<vmem>>
        tpu.enqueue_dma source(%dma_start3A_102 : memref<120x64xbf16, #tpu.memory_space<vmem>>) target(%dma_start3A_98 : memref<120x64xbf16, #tpu.memory_space<vmem_shared>>) target_semaphore(%run_scoped3A_90 : memref<!tpu.dma_semaphore, #tpu.memory_space<semaphore_mem>>)
        %dma_wait3A_103 = arith.constant 0 : i32
        %dma_wait3A_104 = arith.constant 0 : i32
        %dma_wait3A_105 = tpu.memref_slice %arg8[%run_scoped3A_74, %dma_wait3A_103, %dma_wait3A_104] : memref<2x1000x64xbf16, #tpu.memory_space<vmem>> -> memref<1x120x64xbf16, #tpu.memory_space<vmem>>
        %dma_wait3A_106 = tpu.memref_squeeze %dma_wait3A_105 : memref<1x120x64xbf16, #tpu.memory_space<vmem>> -> memref<120x64xbf16, #tpu.memory_space<vmem>>
        %dma_wait3A_107 = arith.constant 0 : i32
        %dma_wait3A_108 = tpu.memref_slice %arg9[%add3A_73, %dma_wait3A_107] : memref<10240x64xbf16, #tpu.memory_space<vmem_shared>> -> memref<120x64xbf16, #tpu.memory_space<vmem_shared>>
        %dma_wait3A_109 = arith.constant 0 : i32
        %dma_wait3A_110 = tpu.memref_slice %arg9[%add3A_73, %dma_wait3A_109] : memref<10240x64xbf16, #tpu.memory_space<vmem_shared>> -> memref<120x64xbf16, #tpu.memory_space<vmem_shared>>
        %dma_wait3A_111 = arith.constant 0 : i32
        %dma_wait3A_112 = arith.constant 0 : i32
        %dma_wait3A_113 = tpu.memref_slice %arg8[%run_scoped3A_74, %dma_wait3A_111, %dma_wait3A_112] : memref<2x1000x64xbf16, #tpu.memory_space<vmem>> -> memref<1x120x64xbf16, #tpu.memory_space<vmem>>
        %dma_wait3A_114 = tpu.memref_squeeze %dma_wait3A_113 : memref<1x120x64xbf16, #tpu.memory_space<vmem>> -> memref<120x64xbf16, #tpu.memory_space<vmem>>
        tpu.wait_dma2 semaphore(%run_scoped3A_90 : memref<!tpu.dma_semaphore, #tpu.memory_space<semaphore_mem>>) src(%dma_wait3A_114 : memref<120x64xbf16, #tpu.memory_space<vmem>>) dst(%dma_wait3A_110 : memref<120x64xbf16, #tpu.memory_space<vmem_shared>>)
        tpu.yield
      }) : () -> ()
      %mul3A_75 = arith.constant 640 : i32
      %mul3A_76 = arith.muli %arg1, %mul3A_75 : i32
      %add3A_77 = arith.constant 360 : i32
      %add3A_78 = arith.addi %mul3A_76, %add3A_77 : i32
      %run_scoped3A_79 = arith.constant 0 : i32
      "tpu.region"() ({
        %run_scoped3A_90 = tpu.sem_alloc : memref<!tpu.dma_semaphore, #tpu.memory_space<semaphore_mem>>
        %dma_start3A_91 = arith.constant 0 : i32
        %dma_start3A_92 = arith.constant 0 : i32
        %dma_start3A_93 = tpu.memref_slice %arg8[%run_scoped3A_79, %dma_start3A_91, %dma_start3A_92] : memref<2x1000x64xbf16, #tpu.memory_space<vmem>> -> memref<1x120x64xbf16, #tpu.memory_space<vmem>>
        %dma_start3A_94 = tpu.memref_squeeze %dma_start3A_93 : memref<1x120x64xbf16, #tpu.memory_space<vmem>> -> memref<120x64xbf16, #tpu.memory_space<vmem>>
        %dma_start3A_95 = arith.constant 0 : i32
        %dma_start3A_96 = tpu.memref_slice %arg9[%add3A_78, %dma_start3A_95] : memref<10240x64xbf16, #tpu.memory_space<vmem_shared>> -> memref<120x64xbf16, #tpu.memory_space<vmem_shared>>
        %dma_start3A_97 = arith.constant 0 : i32
        %dma_start3A_98 = tpu.memref_slice %arg9[%add3A_78, %dma_start3A_97] : memref<10240x64xbf16, #tpu.memory_space<vmem_shared>> -> memref<120x64xbf16, #tpu.memory_space<vmem_shared>>
        %dma_start3A_99 = arith.constant 0 : i32
        %dma_start3A_100 = arith.constant 0 : i32
        %dma_start3A_101 = tpu.memref_slice %arg8[%run_scoped3A_79, %dma_start3A_99, %dma_start3A_100] : memref<2x1000x64xbf16, #tpu.memory_space<vmem>> -> memref<1x120x64xbf16, #tpu.memory_space<vmem>>
        %dma_start3A_102 = tpu.memref_squeeze %dma_start3A_101 : memref<1x120x64xbf16, #tpu.memory_space<vmem>> -> memref<120x64xbf16, #tpu.memory_space<vmem>>
        tpu.enqueue_dma source(%dma_start3A_102 : memref<120x64xbf16, #tpu.memory_space<vmem>>) target(%dma_start3A_98 : memref<120x64xbf16, #tpu.memory_space<vmem_shared>>) target_semaphore(%run_scoped3A_90 : memref<!tpu.dma_semaphore, #tpu.memory_space<semaphore_mem>>)
        %dma_wait3A_103 = arith.constant 0 : i32
        %dma_wait3A_104 = arith.constant 0 : i32
        %dma_wait3A_105 = tpu.memref_slice %arg8[%run_scoped3A_79, %dma_wait3A_103, %dma_wait3A_104] : memref<2x1000x64xbf16, #tpu.memory_space<vmem>> -> memref<1x120x64xbf16, #tpu.memory_space<vmem>>
        %dma_wait3A_106 = tpu.memref_squeeze %dma_wait3A_105 : memref<1x120x64xbf16, #tpu.memory_space<vmem>> -> memref<120x64xbf16, #tpu.memory_space<vmem>>
        %dma_wait3A_107 = arith.constant 0 : i32
        %dma_wait3A_108 = tpu.memref_slice %arg9[%add3A_78, %dma_wait3A_107] : memref<10240x64xbf16, #tpu.memory_space<vmem_shared>> -> memref<120x64xbf16, #tpu.memory_space<vmem_shared>>
        %dma_wait3A_109 = arith.constant 0 : i32
        %dma_wait3A_110 = tpu.memref_slice %arg9[%add3A_78, %dma_wait3A_109] : memref<10240x64xbf16, #tpu.memory_space<vmem_shared>> -> memref<120x64xbf16, #tpu.memory_space<vmem_shared>>
        %dma_wait3A_111 = arith.constant 0 : i32
        %dma_wait3A_112 = arith.constant 0 : i32
        %dma_wait3A_113 = tpu.memref_slice %arg8[%run_scoped3A_79, %dma_wait3A_111, %dma_wait3A_112] : memref<2x1000x64xbf16, #tpu.memory_space<vmem>> -> memref<1x120x64xbf16, #tpu.memory_space<vmem>>
        %dma_wait3A_114 = tpu.memref_squeeze %dma_wait3A_113 : memref<1x120x64xbf16, #tpu.memory_space<vmem>> -> memref<120x64xbf16, #tpu.memory_space<vmem>>
        tpu.wait_dma2 semaphore(%run_scoped3A_90 : memref<!tpu.dma_semaphore, #tpu.memory_space<semaphore_mem>>) src(%dma_wait3A_114 : memref<120x64xbf16, #tpu.memory_space<vmem>>) dst(%dma_wait3A_110 : memref<120x64xbf16, #tpu.memory_space<vmem_shared>>)
        tpu.yield
      }) : () -> ()
      %mul3A_80 = arith.constant 640 : i32
      %mul3A_81 = arith.muli %arg1, %mul3A_80 : i32
      %add3A_82 = arith.constant 480 : i32
      %add3A_83 = arith.addi %mul3A_81, %add3A_82 : i32
      %run_scoped3A_84 = arith.constant 0 : i32
      "tpu.region"() ({
        %run_scoped3A_90 = tpu.sem_alloc : memref<!tpu.dma_semaphore, #tpu.memory_space<semaphore_mem>>
        %dma_start3A_91 = arith.constant 0 : i32
        %dma_start3A_92 = arith.constant 0 : i32
        %dma_start3A_93 = tpu.memref_slice %arg8[%run_scoped3A_84, %dma_start3A_91, %dma_start3A_92] : memref<2x1000x64xbf16, #tpu.memory_space<vmem>> -> memref<1x120x64xbf16, #tpu.memory_space<vmem>>
        %dma_start3A_94 = tpu.memref_squeeze %dma_start3A_93 : memref<1x120x64xbf16, #tpu.memory_space<vmem>> -> memref<120x64xbf16, #tpu.memory_space<vmem>>
        %dma_start3A_95 = arith.constant 0 : i32
        %dma_start3A_96 = tpu.memref_slice %arg9[%add3A_83, %dma_start3A_95] : memref<10240x64xbf16, #tpu.memory_space<vmem_shared>> -> memref<120x64xbf16, #tpu.memory_space<vmem_shared>>
        %dma_start3A_97 = arith.constant 0 : i32
        %dma_start3A_98 = tpu.memref_slice %arg9[%add3A_83, %dma_start3A_97] : memref<10240x64xbf16, #tpu.memory_space<vmem_shared>> -> memref<120x64xbf16, #tpu.memory_space<vmem_shared>>
        %dma_start3A_99 = arith.constant 0 : i32
        %dma_start3A_100 = arith.constant 0 : i32
        %dma_start3A_101 = tpu.memref_slice %arg8[%run_scoped3A_84, %dma_start3A_99, %dma_start3A_100] : memref<2x1000x64xbf16, #tpu.memory_space<vmem>> -> memref<1x120x64xbf16, #tpu.memory_space<vmem>>
        %dma_start3A_102 = tpu.memref_squeeze %dma_start3A_101 : memref<1x120x64xbf16, #tpu.memory_space<vmem>> -> memref<120x64xbf16, #tpu.memory_space<vmem>>
        tpu.enqueue_dma source(%dma_start3A_102 : memref<120x64xbf16, #tpu.memory_space<vmem>>) target(%dma_start3A_98 : memref<120x64xbf16, #tpu.memory_space<vmem_shared>>) target_semaphore(%run_scoped3A_90 : memref<!tpu.dma_semaphore, #tpu.memory_space<semaphore_mem>>)
        %dma_wait3A_103 = arith.constant 0 : i32
        %dma_wait3A_104 = arith.constant 0 : i32
        %dma_wait3A_105 = tpu.memref_slice %arg8[%run_scoped3A_84, %dma_wait3A_103, %dma_wait3A_104] : memref<2x1000x64xbf16, #tpu.memory_space<vmem>> -> memref<1x120x64xbf16, #tpu.memory_space<vmem>>
        %dma_wait3A_106 = tpu.memref_squeeze %dma_wait3A_105 : memref<1x120x64xbf16, #tpu.memory_space<vmem>> -> memref<120x64xbf16, #tpu.memory_space<vmem>>
        %dma_wait3A_107 = arith.constant 0 : i32
        %dma_wait3A_108 = tpu.memref_slice %arg9[%add3A_83, %dma_wait3A_107] : memref<10240x64xbf16, #tpu.memory_space<vmem_shared>> -> memref<120x64xbf16, #tpu.memory_space<vmem_shared>>
        %dma_wait3A_109 = arith.constant 0 : i32
        %dma_wait3A_110 = tpu.memref_slice %arg9[%add3A_83, %dma_wait3A_109] : memref<10240x64xbf16, #tpu.memory_space<vmem_shared>> -> memref<120x64xbf16, #tpu.memory_space<vmem_shared>>
        %dma_wait3A_111 = arith.constant 0 : i32
        %dma_wait3A_112 = arith.constant 0 : i32
        %dma_wait3A_113 = tpu.memref_slice %arg8[%run_scoped3A_84, %dma_wait3A_111, %dma_wait3A_112] : memref<2x1000x64xbf16, #tpu.memory_space<vmem>> -> memref<1x120x64xbf16, #tpu.memory_space<vmem>>
        %dma_wait3A_114 = tpu.memref_squeeze %dma_wait3A_113 : memref<1x120x64xbf16, #tpu.memory_space<vmem>> -> memref<120x64xbf16, #tpu.memory_space<vmem>>
        tpu.wait_dma2 semaphore(%run_scoped3A_90 : memref<!tpu.dma_semaphore, #tpu.memory_space<semaphore_mem>>) src(%dma_wait3A_114 : memref<120x64xbf16, #tpu.memory_space<vmem>>) dst(%dma_wait3A_110 : memref<120x64xbf16, #tpu.memory_space<vmem_shared>>)
        tpu.yield
      }) : () -> ()
      %mul3A_85 = arith.constant 640 : i32
      %mul3A_86 = arith.muli %arg1, %mul3A_85 : i32
      %add3A_87 = arith.constant 600 : i32
      %add3A_88 = arith.addi %mul3A_86, %add3A_87 : i32
      %run_scoped3A_89 = arith.constant 0 : i32
      "tpu.region"() ({
        %run_scoped3A_90 = tpu.sem_alloc : memref<!tpu.dma_semaphore, #tpu.memory_space<semaphore_mem>>
        %dma_start3A_91 = arith.constant 0 : i32
        %dma_start3A_92 = arith.constant 0 : i32
        %dma_start3A_93 = tpu.memref_slice %arg8[%run_scoped3A_89, %dma_start3A_91, %dma_start3A_92] : memref<2x1000x64xbf16, #tpu.memory_space<vmem>> -> memref<1x40x64xbf16, #tpu.memory_space<vmem>>
        %dma_start3A_94 = tpu.memref_squeeze %dma_start3A_93 : memref<1x40x64xbf16, #tpu.memory_space<vmem>> -> memref<40x64xbf16, #tpu.memory_space<vmem>>
        %dma_start3A_95 = arith.constant 0 : i32
        %dma_start3A_96 = tpu.memref_slice %arg9[%add3A_88, %dma_start3A_95] : memref<10240x64xbf16, #tpu.memory_space<vmem_shared>> -> memref<40x64xbf16, #tpu.memory_space<vmem_shared>>
        %dma_start3A_97 = arith.constant 0 : i32
        %dma_start3A_98 = tpu.memref_slice %arg9[%add3A_88, %dma_start3A_97] : memref<10240x64xbf16, #tpu.memory_space<vmem_shared>> -> memref<40x64xbf16, #tpu.memory_space<vmem_shared>>
        %dma_start3A_99 = arith.constant 0 : i32
        %dma_start3A_100 = arith.constant 0 : i32
        %dma_start3A_101 = tpu.memref_slice %arg8[%run_scoped3A_89, %dma_start3A_99, %dma_start3A_100] : memref<2x1000x64xbf16, #tpu.memory_space<vmem>> -> memref<1x40x64xbf16, #tpu.memory_space<vmem>>
        %dma_start3A_102 = tpu.memref_squeeze %dma_start3A_101 : memref<1x40x64xbf16, #tpu.memory_space<vmem>> -> memref<40x64xbf16, #tpu.memory_space<vmem>>
        tpu.enqueue_dma source(%dma_start3A_102 : memref<40x64xbf16, #tpu.memory_space<vmem>>) target(%dma_start3A_98 : memref<40x64xbf16, #tpu.memory_space<vmem_shared>>) target_semaphore(%run_scoped3A_90 : memref<!tpu.dma_semaphore, #tpu.memory_space<semaphore_mem>>)
        %dma_wait3A_103 = arith.constant 0 : i32
        %dma_wait3A_104 = arith.constant 0 : i32
        %dma_wait3A_105 = tpu.memref_slice %arg8[%run_scoped3A_89, %dma_wait3A_103, %dma_wait3A_104] : memref<2x1000x64xbf16, #tpu.memory_space<vmem>> -> memref<1x40x64xbf16, #tpu.memory_space<vmem>>
        %dma_wait3A_106 = tpu.memref_squeeze %dma_wait3A_105 : memref<1x40x64xbf16, #tpu.memory_space<vmem>> -> memref<40x64xbf16, #tpu.memory_space<vmem>>
        %dma_wait3A_107 = arith.constant 0 : i32
        %dma_wait3A_108 = tpu.memref_slice %arg9[%add3A_88, %dma_wait3A_107] : memref<10240x64xbf16, #tpu.memory_space<vmem_shared>> -> memref<40x64xbf16, #tpu.memory_space<vmem_shared>>
        %dma_wait3A_109 = arith.constant 0 : i32
        %dma_wait3A_110 = tpu.memref_slice %arg9[%add3A_88, %dma_wait3A_109] : memref<10240x64xbf16, #tpu.memory_space<vmem_shared>> -> memref<40x64xbf16, #tpu.memory_space<vmem_shared>>
        %dma_wait3A_111 = arith.constant 0 : i32
        %dma_wait3A_112 = arith.constant 0 : i32
        %dma_wait3A_113 = tpu.memref_slice %arg8[%run_scoped3A_89, %dma_wait3A_111, %dma_wait3A_112] : memref<2x1000x64xbf16, #tpu.memory_space<vmem>> -> memref<1x40x64xbf16, #tpu.memory_space<vmem>>
        %dma_wait3A_114 = tpu.memref_squeeze %dma_wait3A_113 : memref<1x40x64xbf16, #tpu.memory_space<vmem>> -> memref<40x64xbf16, #tpu.memory_space<vmem>>
        tpu.wait_dma2 semaphore(%run_scoped3A_90 : memref<!tpu.dma_semaphore, #tpu.memory_space<semaphore_mem>>) src(%dma_wait3A_114 : memref<40x64xbf16, #tpu.memory_space<vmem>>) dst(%dma_wait3A_110 : memref<40x64xbf16, #tpu.memory_space<vmem_shared>>)
        tpu.yield
      }) : () -> ()
    } else {
    }
    %barrier3A = arith.constant 0 : index
    tpu.barrier barrier_id(%barrier3A)
    %mul3A_8 = arith.constant 1 : i32
    %mul3A_9 = arith.muli %add3A, %mul3A_8 : i32
    %add3A_10 = arith.constant 0 : i32
    %add3A_11 = arith.addi %mul3A_9, %add3A_10 : i32
    %mul3A_12 = arith.constant 10 : i32
    %mul3A_13 = arith.muli %add3A_11, %mul3A_12 : i32
    "tpu.region"() ({
      %run_scoped3A = tpu.sem_alloc : memref<!tpu.dma_semaphore, #tpu.memory_space<semaphore_mem>>
      %dma_start3A_53 = arith.constant 0 : i32
      %dma_start3A_54 = tpu.memref_slice %arg3[%mul3A_13, %dma_start3A_53] : memref<320x1000xi32, #tpu.memory_space<hbm>> -> memref<10x1000xi32, #tpu.memory_space<hbm>>
      %dma_start3A_55 = arith.constant 0 : i32
      %dma_start3A_56 = tpu.memref_slice %arg3[%mul3A_13, %dma_start3A_55] : memref<320x1000xi32, #tpu.memory_space<hbm>> -> memref<10x1000xi32, #tpu.memory_space<hbm>>
      tpu.enqueue_dma source(%dma_start3A_56 : memref<10x1000xi32, #tpu.memory_space<hbm>>) target(%arg6 : memref<10x1000xi32, #tpu.memory_space<vmem>>) target_semaphore(%run_scoped3A : memref<!tpu.dma_semaphore, #tpu.memory_space<semaphore_mem>>)
      %dma_wait3A_57 = arith.constant 0 : i32
      %dma_wait3A_58 = tpu.memref_slice %arg3[%mul3A_13, %dma_wait3A_57] : memref<320x1000xi32, #tpu.memory_space<hbm>> -> memref<10x1000xi32, #tpu.memory_space<hbm>>
      %dma_wait3A_59 = arith.constant 0 : i32
      %dma_wait3A_60 = tpu.memref_slice %arg3[%mul3A_13, %dma_wait3A_59] : memref<320x1000xi32, #tpu.memory_space<hbm>> -> memref<10x1000xi32, #tpu.memory_space<hbm>>
      tpu.wait_dma2 semaphore(%run_scoped3A : memref<!tpu.dma_semaphore, #tpu.memory_space<semaphore_mem>>) src(%dma_wait3A_60 : memref<10x1000xi32, #tpu.memory_space<hbm>>) dst(%arg6 : memref<10x1000xi32, #tpu.memory_space<vmem>>)
      tpu.yield
    }) : () -> ()
    %mul3A_14 = arith.constant 1 : i32
    %mul3A_15 = arith.muli %add3A, %mul3A_14 : i32
    %add3A_16 = arith.constant 0 : i32
    %add3A_17 = arith.addi %mul3A_15, %add3A_16 : i32
    %mul3A_18 = arith.constant 10 : i32
    %mul3A_19 = arith.muli %add3A_17, %mul3A_18 : i32
    "tpu.region"() ({
      %run_scoped3A = tpu.sem_alloc : memref<!tpu.dma_semaphore, #tpu.memory_space<semaphore_mem>>
      %dma_start3A_53 = arith.constant 0 : i32
      %dma_start3A_54 = tpu.memref_slice %arg4[%mul3A_19, %dma_start3A_53] : memref<320x1000xi32, #tpu.memory_space<hbm>> -> memref<10x1000xi32, #tpu.memory_space<hbm>>
      %dma_start3A_55 = arith.constant 0 : i32
      %dma_start3A_56 = tpu.memref_slice %arg4[%mul3A_19, %dma_start3A_55] : memref<320x1000xi32, #tpu.memory_space<hbm>> -> memref<10x1000xi32, #tpu.memory_space<hbm>>
      tpu.enqueue_dma source(%dma_start3A_56 : memref<10x1000xi32, #tpu.memory_space<hbm>>) target(%arg7 : memref<10x1000xi32, #tpu.memory_space<vmem>>) target_semaphore(%run_scoped3A : memref<!tpu.dma_semaphore, #tpu.memory_space<semaphore_mem>>)
      %dma_wait3A_57 = arith.constant 0 : i32
      %dma_wait3A_58 = tpu.memref_slice %arg4[%mul3A_19, %dma_wait3A_57] : memref<320x1000xi32, #tpu.memory_space<hbm>> -> memref<10x1000xi32, #tpu.memory_space<hbm>>
      %dma_wait3A_59 = arith.constant 0 : i32
      %dma_wait3A_60 = tpu.memref_slice %arg4[%mul3A_19, %dma_wait3A_59] : memref<320x1000xi32, #tpu.memory_space<hbm>> -> memref<10x1000xi32, #tpu.memory_space<hbm>>
      tpu.wait_dma2 semaphore(%run_scoped3A : memref<!tpu.dma_semaphore, #tpu.memory_space<semaphore_mem>>) src(%dma_wait3A_60 : memref<10x1000xi32, #tpu.memory_space<hbm>>) dst(%arg7 : memref<10x1000xi32, #tpu.memory_space<vmem>>)
      tpu.yield
    }) : () -> ()
    %dma_start3A = arith.constant 0 : i32
    %dma_start3A_20 = arith.constant 0 : i32
    %dma_start3A_21 = arith.constant 0 : i32
    %dma_start3A_22 = arith.constant 0 : i32
    %dma_start3A_23 = tpu.memref_slice %arg8[%dma_start3A_20, %dma_start3A_21, %dma_start3A_22] : memref<2x1000x64xbf16, #tpu.memory_space<vmem>> -> memref<1x1000x64xbf16, #tpu.memory_space<vmem>>
    %dma_start3A_24 = tpu.memref_squeeze %dma_start3A_23 : memref<1x1000x64xbf16, #tpu.memory_space<vmem>> -> memref<1000x64xbf16, #tpu.memory_space<vmem>>
    %dma_start3A_25 = arith.constant 0 : i32
    %dma_start3A_26 = tpu.memref_slice %arg6[%dma_start3A, %dma_start3A_25] : memref<10x1000xi32, #tpu.memory_space<vmem>> -> memref<1x1000xi32, #tpu.memory_space<vmem>>
    %dma_start3A_27 = tpu.memref_squeeze %dma_start3A_26 : memref<1x1000xi32, #tpu.memory_space<vmem>> -> memref<1000xi32, #tpu.memory_space<vmem>>
    %dma_start3A_28 = arith.constant 0 : i32
    %dma_start3A_29 = arith.constant 0 : i32
    %dma_start3A_30 = tpu.memref_slice %arg2[%dma_start3A_28, %dma_start3A_29] : memref<10240x64xbf16, #tpu.memory_space<hbm>> -> memref<10240x64xbf16, #tpu.memory_space<hbm>>
    tpu.enqueue_indirect_dma source(%dma_start3A_30 : memref<10240x64xbf16, #tpu.memory_space<hbm>>) target(%dma_start3A_24 : memref<1000x64xbf16, #tpu.memory_space<vmem>>) offsets(%dma_start3A_27 : memref<1000xi32, #tpu.memory_space<vmem>>) semaphore(%arg10 : memref<!tpu.dma_semaphore, #tpu.memory_space<semaphore_mem>>)
    %scan3A = arith.constant 0 : i32
    %scan3A_31 = arith.constant 0 : i32
    %scan3A_32 = arith.constant 5 : i32
    %scan3A_33 = arith.addi %scan3A_31, %scan3A_32 : i32
    %scan3A_34 = arith.constant 1 : i32
    %scan3A_35 = scf.for %scan3A_53 = %scan3A_31 to %scan3A_33 step %scan3A_34 iter_args(%scan3A_54 = %scan3A) -> (i32)  : i32 {
      %mul3A_55 = arith.constant 2 : i32
      %mul3A_56 = arith.muli %mul3A_55, %scan3A_53 : i32
      %add3A_57 = arith.constant 1 : i32
      %add3A_58 = arith.addi %mul3A_56, %add3A_57 : i32
      %dma_wait3A_59 = arith.constant 0 : i32
      %dma_wait3A_60 = arith.constant 0 : i32
      %dma_wait3A_61 = arith.constant 0 : i32
      %dma_wait3A_62 = tpu.memref_slice %arg8[%dma_wait3A_59, %dma_wait3A_60, %dma_wait3A_61] : memref<2x1000x64xbf16, #tpu.memory_space<vmem>> -> memref<1x1000x64xbf16, #tpu.memory_space<vmem>>
      %dma_wait3A_63 = tpu.memref_squeeze %dma_wait3A_62 : memref<1x1000x64xbf16, #tpu.memory_space<vmem>> -> memref<1000x64xbf16, #tpu.memory_space<vmem>>
      %dma_wait3A_64 = arith.constant 0 : i32
      %dma_wait3A_65 = tpu.memref_slice %arg6[%mul3A_56, %dma_wait3A_64] : memref<10x1000xi32, #tpu.memory_space<vmem>> -> memref<1x1000xi32, #tpu.memory_space<vmem>>
      %dma_wait3A_66 = tpu.memref_squeeze %dma_wait3A_65 : memref<1x1000xi32, #tpu.memory_space<vmem>> -> memref<1000xi32, #tpu.memory_space<vmem>>
      %dma_wait3A_67 = arith.constant 0 : i32
      %dma_wait3A_68 = arith.constant 0 : i32
      %dma_wait3A_69 = tpu.memref_slice %arg2[%dma_wait3A_67, %dma_wait3A_68] : memref<10240x64xbf16, #tpu.memory_space<hbm>> -> memref<10240x64xbf16, #tpu.memory_space<hbm>>
      tpu.wait_indirect_dma semaphore(%arg10 : memref<!tpu.dma_semaphore, #tpu.memory_space<semaphore_mem>>) src(%dma_wait3A_69 : memref<10240x64xbf16, #tpu.memory_space<hbm>>) dst(%dma_wait3A_63 : memref<1000x64xbf16, #tpu.memory_space<vmem>>)
      %ge3A = arith.constant 1 : i32
      %ge3A_70 = arith.cmpi sge, %scan3A_53, %ge3A : i32
      %convert_element_type3A_71 = arith.extui %ge3A_70 : i1 to i32
      %cond3A_72 = arith.constant 0 : i32
      %cond3A_73 = arith.cmpi ne, %convert_element_type3A_71, %cond3A_72 : i32
      scf.if %cond3A_73 {
        %sub3A = arith.constant 1 : i32
        %sub3A_136 = arith.subi %mul3A_56, %sub3A : i32
        %dma_wait3A_137 = arith.constant 1 : i32
        %dma_wait3A_138 = arith.constant 0 : i32
        %dma_wait3A_139 = arith.constant 0 : i32
        %dma_wait3A_140 = tpu.memref_slice %arg8[%dma_wait3A_137, %dma_wait3A_138, %dma_wait3A_139] : memref<2x1000x64xbf16, #tpu.memory_space<vmem>> -> memref<1x1000x64xbf16, #tpu.memory_space<vmem>>
        %dma_wait3A_141 = tpu.memref_squeeze %dma_wait3A_140 : memref<1x1000x64xbf16, #tpu.memory_space<vmem>> -> memref<1000x64xbf16, #tpu.memory_space<vmem>>
        %dma_wait3A_142 = arith.constant 0 : i32
        %dma_wait3A_143 = tpu.memref_slice %arg7[%sub3A_136, %dma_wait3A_142] : memref<10x1000xi32, #tpu.memory_space<vmem>> -> memref<1x1000xi32, #tpu.memory_space<vmem>>
        %dma_wait3A_144 = tpu.memref_squeeze %dma_wait3A_143 : memref<1x1000xi32, #tpu.memory_space<vmem>> -> memref<1000xi32, #tpu.memory_space<vmem>>
        %dma_wait3A_145 = arith.constant 0 : i32
        %dma_wait3A_146 = arith.constant 0 : i32
        %dma_wait3A_147 = tpu.memref_slice %arg9[%dma_wait3A_145, %dma_wait3A_146] : memref<10240x64xbf16, #tpu.memory_space<vmem_shared>> -> memref<10240x64xbf16, #tpu.memory_space<vmem_shared>>
        tpu.wait_indirect_dma semaphore(%arg11 : memref<!tpu.dma_semaphore, #tpu.memory_space<semaphore_mem>>) src(%dma_wait3A_141 : memref<1000x64xbf16, #tpu.memory_space<vmem>>) dst(%dma_wait3A_147 : memref<10240x64xbf16, #tpu.memory_space<vmem_shared>>)
      } else {
      }
      %dma_start3A_74 = arith.constant 1 : i32
      %dma_start3A_75 = arith.constant 0 : i32
      %dma_start3A_76 = arith.constant 0 : i32
      %dma_start3A_77 = tpu.memref_slice %arg8[%dma_start3A_74, %dma_start3A_75, %dma_start3A_76] : memref<2x1000x64xbf16, #tpu.memory_space<vmem>> -> memref<1x1000x64xbf16, #tpu.memory_space<vmem>>
      %dma_start3A_78 = tpu.memref_squeeze %dma_start3A_77 : memref<1x1000x64xbf16, #tpu.memory_space<vmem>> -> memref<1000x64xbf16, #tpu.memory_space<vmem>>
      %dma_start3A_79 = arith.constant 0 : i32
      %dma_start3A_80 = tpu.memref_slice %arg6[%add3A_58, %dma_start3A_79] : memref<10x1000xi32, #tpu.memory_space<vmem>> -> memref<1x1000xi32, #tpu.memory_space<vmem>>
      %dma_start3A_81 = tpu.memref_squeeze %dma_start3A_80 : memref<1x1000xi32, #tpu.memory_space<vmem>> -> memref<1000xi32, #tpu.memory_space<vmem>>
      %dma_start3A_82 = arith.constant 0 : i32
      %dma_start3A_83 = arith.constant 0 : i32
      %dma_start3A_84 = tpu.memref_slice %arg2[%dma_start3A_82, %dma_start3A_83] : memref<10240x64xbf16, #tpu.memory_space<hbm>> -> memref<10240x64xbf16, #tpu.memory_space<hbm>>
      tpu.enqueue_indirect_dma source(%dma_start3A_84 : memref<10240x64xbf16, #tpu.memory_space<hbm>>) target(%dma_start3A_78 : memref<1000x64xbf16, #tpu.memory_space<vmem>>) offsets(%dma_start3A_81 : memref<1000xi32, #tpu.memory_space<vmem>>) semaphore(%arg10 : memref<!tpu.dma_semaphore, #tpu.memory_space<semaphore_mem>>)
      %dma_start3A_85 = arith.constant 0 : i32
      %dma_start3A_86 = arith.constant 0 : i32
      %dma_start3A_87 = arith.constant 0 : i32
      %dma_start3A_88 = tpu.memref_slice %arg8[%dma_start3A_85, %dma_start3A_86, %dma_start3A_87] : memref<2x1000x64xbf16, #tpu.memory_space<vmem>> -> memref<1x1000x64xbf16, #tpu.memory_space<vmem>>
      %dma_start3A_89 = tpu.memref_squeeze %dma_start3A_88 : memref<1x1000x64xbf16, #tpu.memory_space<vmem>> -> memref<1000x64xbf16, #tpu.memory_space<vmem>>
      %dma_start3A_90 = arith.constant 0 : i32
      %dma_start3A_91 = tpu.memref_slice %arg7[%mul3A_56, %dma_start3A_90] : memref<10x1000xi32, #tpu.memory_space<vmem>> -> memref<1x1000xi32, #tpu.memory_space<vmem>>
      %dma_start3A_92 = tpu.memref_squeeze %dma_start3A_91 : memref<1x1000xi32, #tpu.memory_space<vmem>> -> memref<1000xi32, #tpu.memory_space<vmem>>
      %dma_start3A_93 = arith.constant 0 : i32
      %dma_start3A_94 = arith.constant 0 : i32
      %dma_start3A_95 = tpu.memref_slice %arg9[%dma_start3A_93, %dma_start3A_94] : memref<10240x64xbf16, #tpu.memory_space<vmem_shared>> -> memref<10240x64xbf16, #tpu.memory_space<vmem_shared>>
      tpu.enqueue_indirect_dma source(%dma_start3A_89 : memref<1000x64xbf16, #tpu.memory_space<vmem>>) target(%dma_start3A_95 : memref<10240x64xbf16, #tpu.memory_space<vmem_shared>>) offsets(%dma_start3A_92 : memref<1000xi32, #tpu.memory_space<vmem>>) semaphore(%arg11 : memref<!tpu.dma_semaphore, #tpu.memory_space<semaphore_mem>>) {add = true}
      %dma_wait3A_96 = arith.constant 1 : i32
      %dma_wait3A_97 = arith.constant 0 : i32
      %dma_wait3A_98 = arith.constant 0 : i32
      %dma_wait3A_99 = tpu.memref_slice %arg8[%dma_wait3A_96, %dma_wait3A_97, %dma_wait3A_98] : memref<2x1000x64xbf16, #tpu.memory_space<vmem>> -> memref<1x1000x64xbf16, #tpu.memory_space<vmem>>
      %dma_wait3A_100 = tpu.memref_squeeze %dma_wait3A_99 : memref<1x1000x64xbf16, #tpu.memory_space<vmem>> -> memref<1000x64xbf16, #tpu.memory_space<vmem>>
      %dma_wait3A_101 = arith.constant 0 : i32
      %dma_wait3A_102 = tpu.memref_slice %arg6[%add3A_58, %dma_wait3A_101] : memref<10x1000xi32, #tpu.memory_space<vmem>> -> memref<1x1000xi32, #tpu.memory_space<vmem>>
      %dma_wait3A_103 = tpu.memref_squeeze %dma_wait3A_102 : memref<1x1000xi32, #tpu.memory_space<vmem>> -> memref<1000xi32, #tpu.memory_space<vmem>>
      %dma_wait3A_104 = arith.constant 0 : i32
      %dma_wait3A_105 = arith.constant 0 : i32
      %dma_wait3A_106 = tpu.memref_slice %arg2[%dma_wait3A_104, %dma_wait3A_105] : memref<10240x64xbf16, #tpu.memory_space<hbm>> -> memref<10240x64xbf16, #tpu.memory_space<hbm>>
      tpu.wait_indirect_dma semaphore(%arg10 : memref<!tpu.dma_semaphore, #tpu.memory_space<semaphore_mem>>) src(%dma_wait3A_106 : memref<10240x64xbf16, #tpu.memory_space<hbm>>) dst(%dma_wait3A_100 : memref<1000x64xbf16, #tpu.memory_space<vmem>>)
      %dma_wait3A_107 = arith.constant 0 : i32
      %dma_wait3A_108 = arith.constant 0 : i32
      %dma_wait3A_109 = arith.constant 0 : i32
      %dma_wait3A_110 = tpu.memref_slice %arg8[%dma_wait3A_107, %dma_wait3A_108, %dma_wait3A_109] : memref<2x1000x64xbf16, #tpu.memory_space<vmem>> -> memref<1x1000x64xbf16, #tpu.memory_space<vmem>>
      %dma_wait3A_111 = tpu.memref_squeeze %dma_wait3A_110 : memref<1x1000x64xbf16, #tpu.memory_space<vmem>> -> memref<1000x64xbf16, #tpu.memory_space<vmem>>
      %dma_wait3A_112 = arith.constant 0 : i32
      %dma_wait3A_113 = tpu.memref_slice %arg7[%mul3A_56, %dma_wait3A_112] : memref<10x1000xi32, #tpu.memory_space<vmem>> -> memref<1x1000xi32, #tpu.memory_space<vmem>>
      %dma_wait3A_114 = tpu.memref_squeeze %dma_wait3A_113 : memref<1x1000xi32, #tpu.memory_space<vmem>> -> memref<1000xi32, #tpu.memory_space<vmem>>
      %dma_wait3A_115 = arith.constant 0 : i32
      %dma_wait3A_116 = arith.constant 0 : i32
      %dma_wait3A_117 = tpu.memref_slice %arg9[%dma_wait3A_115, %dma_wait3A_116] : memref<10240x64xbf16, #tpu.memory_space<vmem_shared>> -> memref<10240x64xbf16, #tpu.memory_space<vmem_shared>>
      tpu.wait_indirect_dma semaphore(%arg11 : memref<!tpu.dma_semaphore, #tpu.memory_space<semaphore_mem>>) src(%dma_wait3A_111 : memref<1000x64xbf16, #tpu.memory_space<vmem>>) dst(%dma_wait3A_117 : memref<10240x64xbf16, #tpu.memory_space<vmem_shared>>)
      %add3A_118 = arith.constant 1 : i32
      %add3A_119 = arith.addi %add3A_58, %add3A_118 : i32
      %lt3A = arith.constant 10 : i32
      %lt3A_120 = arith.cmpi slt, %add3A_119, %lt3A : i32
      %convert_element_type3A_121 = arith.extui %lt3A_120 : i1 to i32
      %cond3A_122 = arith.constant 0 : i32
      %cond3A_123 = arith.cmpi ne, %convert_element_type3A_121, %cond3A_122 : i32
      scf.if %cond3A_123 {
        %add3A_136 = arith.constant 1 : i32
        %add3A_137 = arith.addi %add3A_58, %add3A_136 : i32
        %dma_start3A_138 = arith.constant 0 : i32
        %dma_start3A_139 = arith.constant 0 : i32
        %dma_start3A_140 = arith.constant 0 : i32
        %dma_start3A_141 = tpu.memref_slice %arg8[%dma_start3A_138, %dma_start3A_139, %dma_start3A_140] : memref<2x1000x64xbf16, #tpu.memory_space<vmem>> -> memref<1x1000x64xbf16, #tpu.memory_space<vmem>>
        %dma_start3A_142 = tpu.memref_squeeze %dma_start3A_141 : memref<1x1000x64xbf16, #tpu.memory_space<vmem>> -> memref<1000x64xbf16, #tpu.memory_space<vmem>>
        %dma_start3A_143 = arith.constant 0 : i32
        %dma_start3A_144 = tpu.memref_slice %arg6[%add3A_137, %dma_start3A_143] : memref<10x1000xi32, #tpu.memory_space<vmem>> -> memref<1x1000xi32, #tpu.memory_space<vmem>>
        %dma_start3A_145 = tpu.memref_squeeze %dma_start3A_144 : memref<1x1000xi32, #tpu.memory_space<vmem>> -> memref<1000xi32, #tpu.memory_space<vmem>>
        %dma_start3A_146 = arith.constant 0 : i32
        %dma_start3A_147 = arith.constant 0 : i32
        %dma_start3A_148 = tpu.memref_slice %arg2[%dma_start3A_146, %dma_start3A_147] : memref<10240x64xbf16, #tpu.memory_space<hbm>> -> memref<10240x64xbf16, #tpu.memory_space<hbm>>
        tpu.enqueue_indirect_dma source(%dma_start3A_148 : memref<10240x64xbf16, #tpu.memory_space<hbm>>) target(%dma_start3A_142 : memref<1000x64xbf16, #tpu.memory_space<vmem>>) offsets(%dma_start3A_145 : memref<1000xi32, #tpu.memory_space<vmem>>) semaphore(%arg10 : memref<!tpu.dma_semaphore, #tpu.memory_space<semaphore_mem>>)
      } else {
      }
      %dma_start3A_124 = arith.constant 1 : i32
      %dma_start3A_125 = arith.constant 0 : i32
      %dma_start3A_126 = arith.constant 0 : i32
      %dma_start3A_127 = tpu.memref_slice %arg8[%dma_start3A_124, %dma_start3A_125, %dma_start3A_126] : memref<2x1000x64xbf16, #tpu.memory_space<vmem>> -> memref<1x1000x64xbf16, #tpu.memory_space<vmem>>
      %dma_start3A_128 = tpu.memref_squeeze %dma_start3A_127 : memref<1x1000x64xbf16, #tpu.memory_space<vmem>> -> memref<1000x64xbf16, #tpu.memory_space<vmem>>
      %dma_start3A_129 = arith.constant 0 : i32
      %dma_start3A_130 = tpu.memref_slice %arg7[%add3A_58, %dma_start3A_129] : memref<10x1000xi32, #tpu.memory_space<vmem>> -> memref<1x1000xi32, #tpu.memory_space<vmem>>
      %dma_start3A_131 = tpu.memref_squeeze %dma_start3A_130 : memref<1x1000xi32, #tpu.memory_space<vmem>> -> memref<1000xi32, #tpu.memory_space<vmem>>
      %dma_start3A_132 = arith.constant 0 : i32
      %dma_start3A_133 = arith.constant 0 : i32
      %dma_start3A_134 = tpu.memref_slice %arg9[%dma_start3A_132, %dma_start3A_133] : memref<10240x64xbf16, #tpu.memory_space<vmem_shared>> -> memref<10240x64xbf16, #tpu.memory_space<vmem_shared>>
      tpu.enqueue_indirect_dma source(%dma_start3A_128 : memref<1000x64xbf16, #tpu.memory_space<vmem>>) target(%dma_start3A_134 : memref<10240x64xbf16, #tpu.memory_space<vmem_shared>>) offsets(%dma_start3A_131 : memref<1000xi32, #tpu.memory_space<vmem>>) semaphore(%arg11 : memref<!tpu.dma_semaphore, #tpu.memory_space<semaphore_mem>>) {add = true}
      %scan3A_135 = arith.constant 0 : i32
      scf.yield %scan3A_135 : i32
    }
    %scan3A_36 = arith.constant 5 : i32
    %dma_wait3A = arith.constant 1 : i32
    %dma_wait3A_37 = arith.constant 9 : i32
    %dma_wait3A_38 = arith.constant 0 : i32
    %dma_wait3A_39 = arith.constant 0 : i32
    %dma_wait3A_40 = tpu.memref_slice %arg8[%dma_wait3A, %dma_wait3A_38, %dma_wait3A_39] : memref<2x1000x64xbf16, #tpu.memory_space<vmem>> -> memref<1x1000x64xbf16, #tpu.memory_space<vmem>>
    %dma_wait3A_41 = tpu.memref_squeeze %dma_wait3A_40 : memref<1x1000x64xbf16, #tpu.memory_space<vmem>> -> memref<1000x64xbf16, #tpu.memory_space<vmem>>
    %dma_wait3A_42 = arith.constant 0 : i32
    %dma_wait3A_43 = tpu.memref_slice %arg7[%dma_wait3A_37, %dma_wait3A_42] : memref<10x1000xi32, #tpu.memory_space<vmem>> -> memref<1x1000xi32, #tpu.memory_space<vmem>>
    %dma_wait3A_44 = tpu.memref_squeeze %dma_wait3A_43 : memref<1x1000xi32, #tpu.memory_space<vmem>> -> memref<1000xi32, #tpu.memory_space<vmem>>
    %dma_wait3A_45 = arith.constant 0 : i32
    %dma_wait3A_46 = arith.constant 0 : i32
    %dma_wait3A_47 = tpu.memref_slice %arg9[%dma_wait3A_45, %dma_wait3A_46] : memref<10240x64xbf16, #tpu.memory_space<vmem_shared>> -> memref<10240x64xbf16, #tpu.memory_space<vmem_shared>>
    tpu.wait_indirect_dma semaphore(%arg11 : memref<!tpu.dma_semaphore, #tpu.memory_space<semaphore_mem>>) src(%dma_wait3A_41 : memref<1000x64xbf16, #tpu.memory_space<vmem>>) dst(%dma_wait3A_47 : memref<10240x64xbf16, #tpu.memory_space<vmem_shared>>)
    %barrier3A_48 = arith.constant 0 : index
    tpu.barrier barrier_id(%barrier3A_48)
    %mul3A_49 = arith.constant 640 : i32
    %mul3A_50 = arith.muli %arg1, %mul3A_49 : i32
    %mul3A_51 = arith.constant 640 : i32
    %mul3A_52 = arith.muli %arg1, %mul3A_51 : i32
    "tpu.region"() ({
      %run_scoped3A = tpu.sem_alloc : memref<!tpu.dma_semaphore, #tpu.memory_space<semaphore_mem>>
      %dma_start3A_53 = arith.constant 0 : i32
      %dma_start3A_54 = tpu.memref_slice %arg5[%arg0, %mul3A_52, %dma_start3A_53] : memref<2x10240x64xbf16, #tpu.memory_space<hbm>> -> memref<1x640x64xbf16, #tpu.memory_space<hbm>>
      %dma_start3A_55 = tpu.memref_squeeze %dma_start3A_54 : memref<1x640x64xbf16, #tpu.memory_space<hbm>> -> memref<640x64xbf16, #tpu.memory_space<hbm>>
      %dma_start3A_56 = arith.constant 0 : i32
      %dma_start3A_57 = tpu.memref_slice %arg9[%mul3A_50, %dma_start3A_56] : memref<10240x64xbf16, #tpu.memory_space<vmem_shared>> -> memref<640x64xbf16, #tpu.memory_space<vmem_shared>>
      tpu.enqueue_dma source(%dma_start3A_57 : memref<640x64xbf16, #tpu.memory_space<vmem_shared>>) target(%dma_start3A_55 : memref<640x64xbf16, #tpu.memory_space<hbm>>) target_semaphore(%run_scoped3A : memref<!tpu.dma_semaphore, #tpu.memory_space<semaphore_mem>>)
      %dma_wait3A_58 = arith.constant 0 : i32
      %dma_wait3A_59 = tpu.memref_slice %arg5[%arg0, %mul3A_52, %dma_wait3A_58] : memref<2x10240x64xbf16, #tpu.memory_space<hbm>> -> memref<1x640x64xbf16, #tpu.memory_space<hbm>>
      %dma_wait3A_60 = tpu.memref_squeeze %dma_wait3A_59 : memref<1x640x64xbf16, #tpu.memory_space<hbm>> -> memref<640x64xbf16, #tpu.memory_space<hbm>>
      %dma_wait3A_61 = arith.constant 0 : i32
      %dma_wait3A_62 = tpu.memref_slice %arg9[%mul3A_50, %dma_wait3A_61] : memref<10240x64xbf16, #tpu.memory_space<vmem_shared>> -> memref<640x64xbf16, #tpu.memory_space<vmem_shared>>
      tpu.wait_dma2 semaphore(%run_scoped3A : memref<!tpu.dma_semaphore, #tpu.memory_space<semaphore_mem>>) src(%dma_wait3A_62 : memref<640x64xbf16, #tpu.memory_space<vmem_shared>>) dst(%dma_wait3A_60 : memref<640x64xbf16, #tpu.memory_space<hbm>>)
      tpu.yield
    }) : () -> ()
    return
  }
}

module attributes {stable_mosaic.version = 14 : i64} {
  func.func @_mm1_body(%arg0: i32, %arg1: memref<2x1024xf32, #tpu.memory_space<vmem>>, %arg2: memref<1024x128xf32, #tpu.memory_space<vmem>>, %arg3: memref<128x128xf32, #tpu.memory_space<vmem>>, %arg4: memref<1024x128xbf16, #tpu.memory_space<vmem>>, %arg5: memref<1024x1xf32, #tpu.memory_space<vmem>>) attributes {dimension_semantics = [#tpu.dimension_semantics<arbitrary>], iteration_bounds = array<i64: 10>, scalar_prefetch = 0 : i64, scratch_operands = 0 : i64, tpu.core_type = #tpu.core_type<tc>, window_params = [{transform_indices = @transform_0, window_bounds = array<i64: 2, 1024>}, {transform_indices = @transform_1, window_bounds = array<i64: 1024, 128>}, {pipeline_mode = #tpu.pipeline_mode<synchronous>, transform_indices = @transform_2, window_bounds = array<i64: 128, 128>}, {transform_indices = @transform_3, window_bounds = array<i64: 1024, 128>}, {transform_indices = @transform_4, window_bounds = array<i64: 1024, 1>}]} {
    %get3A = arith.constant 0 : index
    %get3A_0 = arith.constant 0 : index
    %get3A_1 = vector.load %arg1[%get3A, %get3A_0] : memref<2x1024xf32, #tpu.memory_space<vmem>>, vector<1x1024xf32>
    %get3A_2 = vector.shape_cast %get3A_1 : vector<1x1024xf32> to vector<1024xf32>
    %get3A_3 = arith.constant 1 : index
    %get3A_4 = arith.constant 0 : index
    %get3A_5 = vector.load %arg1[%get3A_3, %get3A_4] : memref<2x1024xf32, #tpu.memory_space<vmem>>, vector<1x1024xf32>
    %get3A_6 = vector.shape_cast %get3A_5 : vector<1x1024xf32> to vector<1024xf32>
    %add3A = arith.addf %get3A_2, %get3A_6 : vector<1024xf32>
    %add3A_7 = arith.constant 1.000000e+00 : f32
    %add3A_8 = vector.broadcast %add3A_7 : f32 to vector<1024xf32>
    %add3A_9 = arith.addf %add3A, %add3A_8 : vector<1024xf32>
    %rsqrt3A = math.rsqrt %add3A_9 : vector<1024xf32>
    %get3A_10 = arith.constant 0 : index
    %get3A_11 = arith.constant 0 : index
    %get3A_12 = vector.load %arg2[%get3A_10, %get3A_11] : memref<1024x128xf32, #tpu.memory_space<vmem>>, vector<1024x128xf32>
    %get3A_13 = arith.constant 0 : index
    %get3A_14 = arith.constant 0 : index
    %get3A_15 = vector.load %arg3[%get3A_13, %get3A_14] : memref<128x128xf32, #tpu.memory_space<vmem>>, vector<128x128xf32>
    %dot_general3A = arith.constant dense<0.000000e+00> : vector<1024x128xf32>
    %dot_general3A_16 = tpu.matmul %get3A_12, %get3A_15, %dot_general3A {dimension_numbers = #tpu.dot_dimension_numbers<[1], [0], [0], [1], [0, 0, 1, 1], [], []>, transpose_lhs_hint = false} : vector<1024x128xf32>, vector<128x128xf32>, vector<1024x128xf32> -> vector<1024x128xf32>
    %broadcast_in_dim3A = vector.shape_cast %rsqrt3A : vector<1024xf32> to vector<1024x1xf32>
    %mul3A = vector.broadcast %broadcast_in_dim3A : vector<1024x1xf32> to vector<1024x128xf32>
    %mul3A_17 = arith.mulf %dot_general3A_16, %mul3A : vector<1024x128xf32>
    %convert_element_type3A = arith.truncf %mul3A_17 : vector<1024x128xf32> to vector<1024x128xbf16>
    %swap3A = arith.constant 0 : index
    %swap3A_18 = arith.constant 0 : index
    %swap3A_19 = vector.load %arg4[%swap3A, %swap3A_18] : memref<1024x128xbf16, #tpu.memory_space<vmem>>, vector<1024x128xbf16>
    tpu.vector_store %arg4[%swap3A, %swap3A_18], %convert_element_type3A {strides = array<i32>} : memref<1024x128xbf16, #tpu.memory_space<vmem>>, vector<1024x128xbf16>,
    %broadcast_in_dim3A_20 = vector.shape_cast %rsqrt3A : vector<1024xf32> to vector<1024x1xf32>
    %swap3A_21 = arith.constant 0 : index
    %swap3A_22 = arith.constant 0 : index
    %swap3A_23 = vector.load %arg5[%swap3A_21, %swap3A_22] : memref<1024x1xf32, #tpu.memory_space<vmem>>, vector<1024x1xf32>
    tpu.vector_store %arg5[%swap3A_21, %swap3A_22], %broadcast_in_dim3A_20 {strides = array<i32>} : memref<1024x1xf32, #tpu.memory_space<vmem>>, vector<1024x1xf32>,
    return
  }
  func.func @transform_0(%arg0: i32) -> (i32, i32) {
    %c0_i32 = arith.constant 0 : i32
    %c0_i32_0 = arith.constant 0 : i32
    return %c0_i32, %arg0 : i32, i32
  }
  func.func @transform_1(%arg0: i32) -> (i32, i32) {
    %c0_i32 = arith.constant 0 : i32
    %c0_i32_0 = arith.constant 0 : i32
    return %arg0, %c0_i32 : i32, i32
  }
  func.func @transform_2(%arg0: i32) -> (i32, i32) {
    %c0_i32 = arith.constant 0 : i32
    %c0_i32_0 = arith.constant 0 : i32
    %c0_i32_1 = arith.constant 0 : i32
    return %c0_i32, %c0_i32_0 : i32, i32
  }
  func.func @transform_3(%arg0: i32) -> (i32, i32) {
    %c0_i32 = arith.constant 0 : i32
    %c0_i32_0 = arith.constant 0 : i32
    return %arg0, %c0_i32 : i32, i32
  }
  func.func @transform_4(%arg0: i32) -> (i32, i32) {
    %c0_i32 = arith.constant 0 : i32
    %c0_i32_0 = arith.constant 0 : i32
    return %arg0, %c0_i32 : i32, i32
  }
}

module attributes {stable_mosaic.version = 14 : i64} {
  func.func @_mm2_body(%arg0: i32, %arg1: memref<2x1024x128xbf16, #tpu.memory_space<vmem>>, %arg2: memref<1024x1xf32, #tpu.memory_space<vmem>>, %arg3: memref<1x128xf32, #tpu.memory_space<vmem>>, %arg4: memref<128x64xf32, #tpu.memory_space<vmem>>, %arg5: memref<1024x64xbf16, #tpu.memory_space<vmem>>) attributes {dimension_semantics = [#tpu.dimension_semantics<arbitrary>], iteration_bounds = array<i64: 10>, scalar_prefetch = 0 : i64, scratch_operands = 0 : i64, tpu.core_type = #tpu.core_type<tc>, window_params = [{transform_indices = @transform_0, window_bounds = array<i64: 2, 1024, 128>}, {transform_indices = @transform_1, window_bounds = array<i64: 1024, 1>}, {pipeline_mode = #tpu.pipeline_mode<synchronous>, transform_indices = @transform_2, window_bounds = array<i64: 1, 128>}, {pipeline_mode = #tpu.pipeline_mode<synchronous>, transform_indices = @transform_3, window_bounds = array<i64: 128, 64>}, {transform_indices = @transform_4, window_bounds = array<i64: 1024, 64>}]} {
    %get3A = arith.constant 0 : index
    %get3A_0 = arith.constant 0 : index
    %get3A_1 = vector.load %arg2[%get3A, %get3A_0] : memref<1024x1xf32, #tpu.memory_space<vmem>>, vector<1024x1xf32>
    %get3A_2 = arith.constant 0 : index
    %get3A_3 = arith.constant 0 : index
    %get3A_4 = arith.constant 0 : index
    %get3A_5 = vector.load %arg1[%get3A_2, %get3A_3, %get3A_4] : memref<2x1024x128xbf16, #tpu.memory_space<vmem>>, vector<1x1024x128xbf16>
    %get3A_6 = vector.shape_cast %get3A_5 : vector<1x1024x128xbf16> to vector<1024x128xbf16>
    %convert_element_type3A = arith.extf %get3A_6 : vector<1024x128xbf16> to vector<1024x128xf32>
    %get3A_7 = arith.constant 1 : index
    %get3A_8 = arith.constant 0 : index
    %get3A_9 = arith.constant 0 : index
    %get3A_10 = vector.load %arg1[%get3A_7, %get3A_8, %get3A_9] : memref<2x1024x128xbf16, #tpu.memory_space<vmem>>, vector<1x1024x128xbf16>
    %get3A_11 = vector.shape_cast %get3A_10 : vector<1x1024x128xbf16> to vector<1024x128xbf16>
    %convert_element_type3A_12 = arith.extf %get3A_11 : vector<1024x128xbf16> to vector<1024x128xf32>
    %add3A = arith.addf %convert_element_type3A, %convert_element_type3A_12 : vector<1024x128xf32>
    %mul3A = vector.broadcast %get3A_1 : vector<1024x1xf32> to vector<1024x128xf32>
    %mul3A_13 = arith.mulf %add3A, %mul3A : vector<1024x128xf32>
    %get3A_14 = arith.constant 0 : index
    %get3A_15 = arith.constant 0 : index
    %get3A_16 = vector.load %arg3[%get3A_14, %get3A_15] : memref<1x128xf32, #tpu.memory_space<vmem>>, vector<1x128xf32>
    %add3A_17 = vector.broadcast %get3A_16 : vector<1x128xf32> to vector<1024x128xf32>
    %add3A_18 = arith.addf %mul3A_13, %add3A_17 : vector<1024x128xf32>
    %max3A = arith.constant 0.000000e+00 : f32
    %max3A_19 = vector.broadcast %max3A : f32 to vector<1024x128xf32>
    %max3A_20 = arith.maximumf %add3A_18, %max3A_19 : vector<1024x128xf32>
    %get3A_21 = arith.constant 0 : index
    %get3A_22 = arith.constant 0 : index
    %get3A_23 = vector.load %arg4[%get3A_21, %get3A_22] : memref<128x64xf32, #tpu.memory_space<vmem>>, vector<128x64xf32>
    %dot_general3A = arith.constant dense<0.000000e+00> : vector<1024x64xf32>
    %dot_general3A_24 = tpu.matmul %max3A_20, %get3A_23, %dot_general3A {dimension_numbers = #tpu.dot_dimension_numbers<[1], [0], [0], [1], [0, 0, 1, 1], [], []>, transpose_lhs_hint = false} : vector<1024x128xf32>, vector<128x64xf32>, vector<1024x64xf32> -> vector<1024x64xf32>
    %mul3A_25 = vector.broadcast %get3A_1 : vector<1024x1xf32> to vector<1024x64xf32>
    %mul3A_26 = arith.mulf %dot_general3A_24, %mul3A_25 : vector<1024x64xf32>
    %convert_element_type3A_27 = arith.truncf %mul3A_26 : vector<1024x64xf32> to vector<1024x64xbf16>
    %swap3A = arith.constant 0 : index
    %swap3A_28 = arith.constant 0 : index
    %swap3A_29 = vector.load %arg5[%swap3A, %swap3A_28] : memref<1024x64xbf16, #tpu.memory_space<vmem>>, vector<1024x64xbf16>
    tpu.vector_store %arg5[%swap3A, %swap3A_28], %convert_element_type3A_27 {strides = array<i32>} : memref<1024x64xbf16, #tpu.memory_space<vmem>>, vector<1024x64xbf16>,
    return
  }
  func.func @transform_0(%arg0: i32) -> (i32, i32, i32) {
    %c0_i32 = arith.constant 0 : i32
    %c0_i32_0 = arith.constant 0 : i32
    %c0_i32_1 = arith.constant 0 : i32
    return %c0_i32, %arg0, %c0_i32_0 : i32, i32, i32
  }
  func.func @transform_1(%arg0: i32) -> (i32, i32) {
    %c0_i32 = arith.constant 0 : i32
    %c0_i32_0 = arith.constant 0 : i32
    return %arg0, %c0_i32 : i32, i32
  }
  func.func @transform_2(%arg0: i32) -> (i32, i32) {
    %c0_i32 = arith.constant 0 : i32
    %c0_i32_0 = arith.constant 0 : i32
    %c0_i32_1 = arith.constant 0 : i32
    return %c0_i32, %c0_i32_0 : i32, i32
  }
  func.func @transform_3(%arg0: i32) -> (i32, i32) {
    %c0_i32 = arith.constant 0 : i32
    %c0_i32_0 = arith.constant 0 : i32
    %c0_i32_1 = arith.constant 0 : i32
    return %c0_i32, %c0_i32_0 : i32, i32
  }
  func.func @transform_4(%arg0: i32) -> (i32, i32) {
    %c0_i32 = arith.constant 0 : i32
    %c0_i32_0 = arith.constant 0 : i32
    return %arg0, %c0_i32 : i32, i32
  }
}

module attributes {stable_mosaic.version = 14 : i64} {
  func.func @_fin_body(%arg0: i32, %arg1: memref<2x1024x64xbf16, #tpu.memory_space<vmem>>, %arg2: memref<1024x1xf32, #tpu.memory_space<vmem>>, %arg3: memref<1x64xf32, #tpu.memory_space<vmem>>, %arg4: memref<1024x40xf32, #tpu.memory_space<vmem>>) attributes {dimension_semantics = [#tpu.dimension_semantics<arbitrary>], iteration_bounds = array<i64: 10>, scalar_prefetch = 0 : i64, scratch_operands = 0 : i64, tpu.core_type = #tpu.core_type<tc>, window_params = [{transform_indices = @transform_0, window_bounds = array<i64: 2, 1024, 64>}, {transform_indices = @transform_1, window_bounds = array<i64: 1024, 1>}, {pipeline_mode = #tpu.pipeline_mode<synchronous>, transform_indices = @transform_2, window_bounds = array<i64: 1, 64>}, {transform_indices = @transform_3, window_bounds = array<i64: 1024, 40>}]} {
    %get3A = arith.constant 0 : index
    %get3A_0 = arith.constant 0 : index
    %get3A_1 = arith.constant 0 : index
    %get3A_2 = vector.load %arg1[%get3A, %get3A_0, %get3A_1] : memref<2x1024x64xbf16, #tpu.memory_space<vmem>>, vector<1x1024x64xbf16>
    %get3A_3 = vector.shape_cast %get3A_2 : vector<1x1024x64xbf16> to vector<1024x64xbf16>
    %convert_element_type3A = arith.extf %get3A_3 : vector<1024x64xbf16> to vector<1024x64xf32>
    %get3A_4 = arith.constant 1 : index
    %get3A_5 = arith.constant 0 : index
    %get3A_6 = arith.constant 0 : index
    %get3A_7 = vector.load %arg1[%get3A_4, %get3A_5, %get3A_6] : memref<2x1024x64xbf16, #tpu.memory_space<vmem>>, vector<1x1024x64xbf16>
    %get3A_8 = vector.shape_cast %get3A_7 : vector<1x1024x64xbf16> to vector<1024x64xbf16>
    %convert_element_type3A_9 = arith.extf %get3A_8 : vector<1024x64xbf16> to vector<1024x64xf32>
    %add3A = arith.addf %convert_element_type3A, %convert_element_type3A_9 : vector<1024x64xf32>
    %get3A_10 = arith.constant 0 : index
    %get3A_11 = arith.constant 0 : index
    %get3A_12 = vector.load %arg2[%get3A_10, %get3A_11] : memref<1024x1xf32, #tpu.memory_space<vmem>>, vector<1024x1xf32>
    %mul3A = vector.broadcast %get3A_12 : vector<1024x1xf32> to vector<1024x64xf32>
    %mul3A_13 = arith.mulf %add3A, %mul3A : vector<1024x64xf32>
    %get3A_14 = arith.constant 0 : index
    %get3A_15 = arith.constant 0 : index
    %get3A_16 = vector.load %arg3[%get3A_14, %get3A_15] : memref<1x64xf32, #tpu.memory_space<vmem>>, vector<1x64xf32>
    %add3A_17 = vector.broadcast %get3A_16 : vector<1x64xf32> to vector<1024x64xf32>
    %add3A_18 = arith.addf %mul3A_13, %add3A_17 : vector<1024x64xf32>
    %slice3A = vector.extract_strided_slice %add3A_18 {offsets = [0, 0], sizes = [1024, 40], strides = [1, 1]} : vector<1024x64xf32> to vector<1024x40xf32>
    %swap3A = arith.constant 0 : index
    %swap3A_19 = arith.constant 0 : index
    %swap3A_20 = vector.load %arg4[%swap3A, %swap3A_19] : memref<1024x40xf32, #tpu.memory_space<vmem>>, vector<1024x40xf32>
    tpu.vector_store %arg4[%swap3A, %swap3A_19], %slice3A {strides = array<i32>} : memref<1024x40xf32, #tpu.memory_space<vmem>>, vector<1024x40xf32>,
    return
  }
  func.func @transform_0(%arg0: i32) -> (i32, i32, i32) {
    %c0_i32 = arith.constant 0 : i32
    %c0_i32_0 = arith.constant 0 : i32
    %c0_i32_1 = arith.constant 0 : i32
    return %c0_i32, %arg0, %c0_i32_0 : i32, i32, i32
  }
  func.func @transform_1(%arg0: i32) -> (i32, i32) {
    %c0_i32 = arith.constant 0 : i32
    %c0_i32_0 = arith.constant 0 : i32
    return %arg0, %c0_i32 : i32, i32
  }
  func.func @transform_2(%arg0: i32) -> (i32, i32) {
    %c0_i32 = arith.constant 0 : i32
    %c0_i32_0 = arith.constant 0 : i32
    %c0_i32_1 = arith.constant 0 : i32
    return %c0_i32, %c0_i32_0 : i32, i32
  }
  func.func @transform_3(%arg0: i32) -> (i32, i32) {
    %c0_i32 = arith.constant 0 : i32
    %c0_i32_0 = arith.constant 0 : i32
    return %arg0, %c0_i32 : i32, i32
  }
}

</mosaic_0001>

<sc_bundles>
// kernel: kernel.11.cloned.1.call-start
scs
__scs_entry_jumppad:
0x0: {  	(pc) =	sbr.rel $0x88, $3  }
0x1: {  	(tag) =	ssettag $0x0;
	lr =	simm.s32 $0x1  }
0x2: {  	[smem:$0x3F9B] =	sst lr;
	_ =	strace $0xD0000000  }
0x3: {  	_ = 	snop  }
0x4: {  	_ = 	snop  }
0x5: {  	_ = 	snop  }
0x6: {  	_ = 	snop  }
0x7: {  	_ = 	snop  }
__scs_overlays_trampoline_lowered:
0x8: {  	[smem:$0x3FAA] =	sst s0  }
0x9: {  	[smem:$0x3FAB] =	sst s1  }
0xa: {  	[smem:$0x3FAC] =	sst s2  }
0xb: {  	[smem:$0x3FAD] =	sst s3  }
0xc: {  	[smem:$0x3FAE] =	sst s4  }
0xd: {  	[smem:$0x3FAF] =	sst s5  }
0xe: {  	[smem:$0x3FB0] =	sst s6  }
0xf: {  	[smem:$0x3FB1] =	sst s7  }
0x10: {  	[smem:$0x3FB2] =	sst s8  }
0x11: {  	[smem:$0x3FB3] =	sst s9;
	s0 =	simm.s32 @!p0 $0x0  }
0x12: {  	s1 =	sld [smem:$0x3F99];
	s0 =	simm.s32 @p0 $0x1  }
0x13: {  	[smem:$0x3FB4] =	sst s0;
	s0 =	simm.s32 @!p1 $0x0  }
0x14: {  	s2 =	sld [smem:$0x3F98];
	s0 =	simm.s32 @p1 $0x1  }
0x15: {  	[smem:$0x3FB5] =	sst s0;
	s0 =	simm.s32 @!p2 $0x0  }
0x16: {  	s3 =	sld [smem:$0x3FDB];
	s0 =	simm.s32 @p2 $0x1  }
0x17: {  	s4 =	simm.s32 $0x1BF5;
	[smem:$0x3FB7] =	sst s0  }
0x18: {  	s0 =	sld [smem:$0x3F9A];
	_ =	swait.ge [sflag:s4], $0x0  }
0x19: {  	s7 =	sld [smem:$0x3F9B]  }
0x1a: {  	s8 =	sadd.s32 $0xFFFFE003, lr  }
0x1b: {  	s9 =	sadd.s32 $0xFFFFFEF7, lr;
	s5 =	simm.s32 $0xFFFFFFFF;
	p2 =	slt.u32 s8, $0xFFFFF086  }
0x1c: {  	p1 =	slt.u32 s9, $0xF7A;
	s5 =	simm.s32 @!p2 $0x0  }
0x1d: {  	s5 =	simm.s32 @p1 $0x1;
	p0 =	seq.s32 s7, s2  }
0x1e: {  	s7 =	smul.u32 @!p0 $0xF7A, s2;
	p2 =	seq.s32 @!p0 s5, $0x0  }
0x1f: {  	s9 =	smul.u32 $0xF7A, s1;
	s8 =	simm.s32 @!p0 $0x1BF5;
	p2 =	por !p2, p0  }
0x20: {  	[sflag:s8] =	ssyncset.s32 @!p0 $0xFFFFF086;
	s6 =	sadd.s32 @!p0 s3, s7;
	s7 =	simm.s32 @!p0 $0x108  }
0x21: {  	s3 =	sadd.s32 s3, s9;
	s6 =	sadd.s32 @!p0 $0x88, s6;
	s7 =	simm.s32 @p2 $0x1082  }
0x22: {  	[simem:s7], [sflag:s8] =	dma.local @!p0 [hbm:s6], $0xF7A  }
0x23: {  	s9 =	sor.u32 $0xD0000000, s2;
	s6 =	simm.s32 $0x108;
	_ =	swait.ge @!p0 [sflag:s8], $0x0  }
0x24: {  	s3 =	sadd.s32 $0x88, s3;
	s6 =	simm.s32 @!p1 $0x1082;
	[sflag:s4] =	ssyncset.s32 $0xFFFFF086  }
0x25: {  	[simem:s6], [sflag:s4] =	dma.local [hbm:s3], $0xF7A  }
0x26: {  	[smem:$0x3F9B] =	sst s1;
	(tag) =	ssettag s2;
	_ =	strace s9  }
0x27: {  	s1 =	sld [smem:$0x3FAB]  }
0x28: {  	s2 =	sld [smem:$0x3FAC]  }
0x29: {  	s4 =	sld [smem:$0x3FAE]  }
0x2a: {  	p0 =	seq.s32 s5, $0x0;
	s5 =	sld [smem:$0x3FAF]  }
0x2b: {  	s6 =	sld [smem:$0x3FB0]  }
0x2c: {  	s7 =	sld [smem:$0x3FB1]  }
0x2d: {  	s3 =	simm.s32 $0x108;
	s8 =	sld [smem:$0x3FB2]  }
0x2e: {  	s3 =	simm.s32 @!p0 $0x1082;
	s9 =	sld [smem:$0x3FB3]  }
0x2f: {  	lr =	sadd.s32 s0, s3;
	s0 =	sld [smem:$0x3FAA]  }
0x30: {  	s3 =	sld [smem:$0x3FAD]  }
0x31: {  	[smem:$0x3FB6] =	sst s10  }
0x32: {  	s10 =	sld [smem:$0x3FB4];
	_ =	sdelay $0x3  }
0x33: {  	p0 =	seq.s32 s10, $0x1;
	s10 =	sld [smem:$0x3FB6];
	_ =	sdelay $0x3  }
0x34: {  	[smem:$0x3FB6] =	sst s10  }
0x35: {  	s10 =	sld [smem:$0x3FB5];
	_ =	sdelay $0x3  }
0x36: {  	p1 =	seq.s32 s10, $0x1;
	s10 =	sld [smem:$0x3FB6];
	_ =	sdelay $0x3  }
0x37: {  	[smem:$0x3FB6] =	sst s10  }
0x38: {  	s10 =	sld [smem:$0x3FB7]  }
0x39: {  	_ = 	snop;
	(pc) =	sbr.ind lr, $3  }
0x3a: {  	_ = 	snop  }
0x3b: {  	_ = 	snop  }
0x3c: {  	p2 =	seq.s32 s10, $0x1;
	s10 =	sld [smem:$0x3FB6]  }
0x3d: {  	_ =	shalt  }
0x3e: {  	_ =	shalt  }
0x3f: {  	_ =	shalt  }
0x40: {  	_ =	shalt  }
0x41: {  	_ =	shalt  }
0x42: {  	_ =	shalt  }
0x43: {  	_ =	shalt  }
0x44: {  	_ =	shalt  }
0x45: {  	_ =	shalt  }
0x46: {  	_ =	shalt  }
0x47: {  	_ =	shalt  }
0x48: {  	_ =	shalt  }
0x49: {  	_ =	shalt  }
0x4a: {  	_ =	shalt  }
0x4b: {  	_ =	shalt  }
0x4c: {  	_ =	shalt  }
0x4d: {  	_ =	shalt  }
0x4e: {  	_ =	shalt  }
0x4f: {  	_ =	shalt  }
0x50: {  	_ =	shalt  }
0x51: {  	_ =	shalt  }
0x52: {  	_ =	shalt  }
0x53: {  	_ =	shalt  }
0x54: {  	_ =	shalt  }
0x55: {  	_ =	shalt  }
0x56: {  	_ =	shalt  }
0x57: {  	_ =	shalt  }
0x58: {  	_ =	shalt  }
0x59: {  	_ =	shalt  }
0x5a: {  	_ =	shalt  }
0x5b: {  	_ =	shalt  }
0x5c: {  	_ =	shalt  }
0x5d: {  	_ =	shalt  }
0x5e: {  	_ =	shalt  }
0x5f: {  	_ =	shalt  }
0x60: {  	_ =	shalt  }
0x61: {  	_ =	shalt  }
0x62: {  	_ =	shalt  }
0x63: {  	_ =	shalt  }
0x64: {  	_ =	shalt  }
0x65: {  	_ =	shalt  }
0x66: {  	_ =	shalt  }
0x67: {  	_ =	shalt  }
0x68: {  	_ =	shalt  }
0x69: {  	_ =	shalt  }
0x6a: {  	_ =	shalt  }
0x6b: {  	_ =	shalt  }
0x6c: {  	_ =	shalt  }
0x6d: {  	_ =	shalt  }
0x6e: {  	_ =	shalt  }
0x6f: {  	_ =	shalt  }
0x70: {  	_ =	shalt  }
0x71: {  	_ =	shalt  }
0x72: {  	_ =	shalt  }
0x73: {  	_ =	shalt  }
0x74: {  	_ =	shalt  }
0x75: {  	_ =	shalt  }
0x76: {  	_ =	shalt  }
0x77: {  	_ =	shalt  }
0x78: {  	_ =	shalt  }
0x79: {  	_ =	shalt  }
0x7a: {  	_ =	shalt  }
0x7b: {  	_ =	shalt  }
0x7c: {  	_ =	shalt  }
0x7d: {  	_ =	shalt  }
0x7e: {  	_ =	shalt  }
0x7f: {  	_ =	shalt  }
0x80: {  	_ =	shalt  }
0x81: {  	_ =	shalt  }
0x82: {  	_ =	shalt  }
0x83: {  	_ =	shalt  }
0x84: {  	_ =	shalt  }
0x85: {  	_ =	shalt  }
0x86: {  	_ =	shalt  }
0x87: {  	_ =	shalt  }
.Lfunc_end0:
.L_simem_size_0:
called_computation.1_lowered:
.L_overlay_start_0:
0x88: {  	s2 =	sld [smem:$0x3FD9]  }
0x89: {  	s3 =	sld [smem:$0x3FFE];
	_ =	sdelay $0x1  }
0x8a: {  	s1 =	srdreg.scid  }
0x8b: {  	s0 =	sand.u32 $0x1, s1  }
0x8c: {  	s17 =	sshll.u32 s0, $0xA;
	s2 =	sadd.s32 s3, s2  }
0x8d: {  	s2 =	sadd.s32 s2, s17  }
0x8e: {  	[smem:$0x3FC2] =	sst s2  }
0x8f: {  	_ = 	snop  }
0x90: {  	s2 =	sld [smem:$0x3FD0];
	(tm) =	ssettm $0x1  }
0x91: {  	s18 =	sld [smem:$0x3FFB];
	_ =	sdelay $0x3  }
0x92: {  	_ =	strace s18  }
0x93: {  	s3 =	sld [smem:$0x3FFC];
	_ =	sdelay $0x3  }
0x94: {  	_ =	strace s3  }
0x95: {  	s3 =	sld [smem:$0x3FFD];
	_ =	sdelay $0x3  }
0x96: {  	_ =	strace s3  }
0x97: {  	_ =	strace $0x8FFFFFFF  }
0x98: {  	s19 =	sld [smem:$0x3FDB];
	_ =	sdelay $0x1  }
0x99: {  	s4 =	simm.s32 $_scs_section_size  }
0x9a: {  	s5 =	simm.s32 $_size__tile_overlayer_lowered;
	s6 =	simm.s32 $_tile_overlayer_lowered  }
0x9b: {  	s22 =	simm.s32 $0x1BFF;
	s21 =	sshll.u32 s6, $0x1;
	s3 =	sadd.s32 s4, s19  }
0x9c: {  	s7 =	simm.s32 $0x0;
	s20 =	sshll.u32 s5, $0x1;
	s5 =	sadd.s32 s21, s3  }
0x9d: {  	[timem:s7], [sflag:s22] =	dma.local [hbm:s5], s20  }
0x9e: {  	_ =	swait.ge [sflag:s22], s20  }
0x9f: {  	s4 =	ssub.s32 $0x0, s20;
	[sflag:s22] =	ssyncset.done $0x0  }
0xa0: {  	[sflag:s22] =	ssyncadd.s32 s4;
	_ =	sdelay $0x1  }
0xa1: {  	s23 =	simm.s32 $0x1B8B  }
0xa2: {  	_ =	swait.ge [sflag:s23], $0x1  }
0xa3: {  	[sflag:s23] =	ssyncset.done $0x0  }
0xa4: {  	s25 =	simm.s32 $0x1B8E;
	s24 =	sld [smem:$0x3FFE];
	[sflag:s23] =	ssyncadd.s32 $0xFFFFFFFF  }
0xa5: {  	s26 =	simm.s32 $execute0_lowered;
	[smem:$0x3FD2] =	sst s25  }
0xa6: {  	s5 =	sshll.u32 s26, $0x1;
	_ =	strace $0x80000049;
	[dreg:$0x1] =	wrdreg $0xFFFFFFFF  }
0xa7: {  	s28 =	simm.s32 $_size_execute0_lowered;
	s3 =	sadd.s32 s3, s5;
	[dreg:$0x0] =	wrdreg $0x0  }
0xa8: {  	s5 =	sshll.u32 s28, $0x1;
	[dreg:$0x2] =	wrdreg s3  }
0xa9: {  	[dreg:$0x3] =	wrdreg s5  }
0xaa: {  	[dreg:$0x4] =	wrdreg $0xC0  }
0xab: {  	_ =	task [dreg:s7], $0x5FFFF  }
0xac: {  	[dreg:$0x1] =	wrdreg $0xFFFFFFFF  }
0xad: {  	[dreg:$0x0] =	wrdreg $0x60  }
0xae: {  	[dreg:$0x2] =	wrdreg s24  }
0xaf: {  	[dreg:$0x3] =	wrdreg s2  }
0xb0: {  	[dreg:$0x4] =	wrdreg $0x148C00  }
0xb1: {  	[dreg:$0x5] =	wrdreg $0x9  }
0xb2: {  	_ =	task.clear_ibuf [dreg:s7], $0x6FFFF;
	_ =	strace $0x90000049  }
0xb3: {  	s29 =	simm.s32 $0x9;
	_ =	strace $0x8000004B  }
0xb4: {  	_ =	swait.ge [sflag:s29], $0x1  }
0xb5: {  	[sflag:s29] =	ssyncadd.s32 $0xFFFFFFFF  }
0xb6: {  	_ =	strace $0x9000004B  }
0xb7: {  	_ =	sfence  }
0xb8: {  	s30 =	sld [smem:$0x0];
	_ =	sdelay $0x2  }
0xb9: {  	s31 =	sshll.u32 s1, $0xD;
	s1 =	sshrl.u32 s1, $0x2  }
0xba: {  	s3 =	sand.u32 $0x4000, s31;
	s1 =	sadd.s32 s1, s30  }
0xbb: {  	s0 =	sor.u32 s3, s0;
	s1 =	sshll.u32 s1, $0x11  }
0xbc: {  	s0 =	sor.u32 s1, s0  }
0xbd: {  	s0 =	sadd.s32 $0x8F2B, s0  }
0xbe: {  	[sflag:s0] =	ssyncadd.remote.s32 $0x1  }
0xbf: {  	_ =	sfence.sel $0xFFFF  }
0xc0: {  	[dreg:$0x0] =	wrdreg $0xFFFFFFFF;
	(pc) =	sbr.abs _section_cstart, $3  }
0xc1: {  	[dreg:$0x1] =	wrdreg $0xFFFFFFFF  }
0xc2: {  	_ =	task.clear_ibuf [dreg:s7], $0x2FFFF;
	_ =	strace $0x9FFFFFFF  }
0xc3: {  	(tm) =	ssettm $0x7FFFFFFF  }
tec
execute0_lowered:
.L_overlay_start_1:
0x0: {  	(tag) =	ssettag $0x1  }
0x1: {  	s0 =	rddreg [dreg:$0x0]  }
0x2: {  	s7 =	rddreg [dreg:$0x1]  }
0x3: {  	s2 =	rddreg [dreg:$0x2];
	s4 =	srdreg.scid  }
0x4: {  	s1 =	stileid.u32;
	s3 =	simm.s32 $0x0;
	s28 =	simm.s32 $0x2178  }
0x5: {  	s29 =	simm.s32 $0x46E0;
	s30 =	simm.s32 $0x2370;
	s31 =	simm.s32 $0x48D8  }
0x6: {  	s5 =	sand.u32 $0x1, s4;
	s6 =	smul.u32 $0x14000, s1;
	[smem:$0x7FF] =	sst s3  }
0x7: {  	s16 =	sshll.u32 s1, $0x1;
	s4 =	sadd.s32 $0x1F800, s0;
	s11 =	smul.u32 $0x28000, s1  }
0x8: {  	s8 =	smul.u32 $0x140000, s5;
	_ =	strace $0x8000004A;
	s9 =	sor.u32 s5, s16  }
0x9: {  	s10 =	ssub.s32 $0x2, s5;
	p0 =	seq.s32 s5, $0x1;
	s9 =	smul.u32 $0x4EC, s9  }
0xa: {  	s17 =	sshrl.u32 s10, $0x1;
	s18 =	sshrl.u32 s11, $0x2;
	s19 =	sshrl.u32 s6, $0x1  }
0xb: {  	s20 =	sshrl.u32 s6, $0x4;
	s8 =	sadd.s32 s6, s8;
	s5 =	sadd.s32 s18, s2  }
0xc: {  	s6 =	sadd.s32 s19, s2;
	s21 =	sadd.s32 s4, s20;
	s18 =	simm.s32 $0x3  }
0xd: {  	s19 =	simm.s32 $0x2760;
	s20 =	simm.s32 $0x1F4;
	s8 =	sshrl.u32 s8, $0x4  }
0xe: {  	s12 =	sadd.s32 s9, s0;
	[dreg:$0x4] =	wrdreg s21;
	s22 =	sadd.s32 $0x1E00, s5  }
0xf: {  	s23 =	sadd.s32 $0x3C00, s5;
	s24 =	sadd.s32 $0x5A00, s5;
	s25 =	sadd.s32 $0x7800, s5  }
0x10: {  	s26 =	sadd.s32 $0x9600, s5;
	s13 =	sadd.s32 s7, s9;
	[dreg:$0x5] =	wrdreg s22  }
0x11: {  	s21 =	simm.s32 $0x1;
	s7 =	simm.s32 $0x4AD0;
	[dreg:$0x6] =	wrdreg s23  }
0x12: {  	s9 =	simm.s32 $0x0;
	s0 =	sadd.s32 s8, s0;
	[dreg:$0x7] =	wrdreg s24  }
.Ltmp0:
0x13: {  	s8 =	ssub.s32 s10, s17;
	[dreg:$0x8] =	wrdreg s25;
	(pc) =	sbr.rel .LBB2_1-.Ltmp0, $4  }
0x14: {  	[dreg:$0x9] =	wrdreg s26;
	s14 =	sadd.s32 $0x15A00, s12;
	s17 =	simm.s32 $0x4EC0  }
0x15: {  	s23 =	simm.s32 $0xCBC0;
	s24 =	simm.s32 $0x2;
	s22 =	simm.s32 $0x42F0  }
0x16: {  	s25 =	simm.s32 $0x1F80;
	s26 =	simm.s32 $0x44E8;
	s15 =	sadd.s32 $0x33800, s0  }
0x17: {  	v0 =	vimm.bf16 $0.0e+00;
	s16 =	smax.u32 s8, $0x1;
	s0 =	simm.s32 $0x2568;
	s8 =	simm.s32 $0x4CC8  }
.LBB2_2:
0x18: {  	s10 =	sshll.u32 s1, $0x6  }
0x19: {  	s11 =	sshrl.u32 s6, $0x3;
	s12 =	rddreg [dreg:$0x4];
	s10 =	sor.u32 $0x1C03, s10  }
0x1a: {  	[spmem:s11], [sflag:s10] =	dma.local [hbm:s12], $0x1400  }
0x1b: {  	_ =	swait.ge [sflag:s18], $0x1400  }
0x1c: {  	[sflag:s18] =	ssyncset.done $0x0  }
0x1d: {  	[sflag:s18] =	ssyncadd.s32 $0xFFFFEC00  }
.LBB2_6:
0x1e: {  	[bflag:$0x0] =	sbarrier.arrive $0xFFFF  }
0x1f: {  	[tilespmem:s3], [sflag:$0x3] =	stream.linear.gather [hbm4b:s13+s3], $0x2760, $0x38;
	[tilespmem:$0x1E8C0] =	vst v63  }
0x20: {  	_ =	swait.ge [sflag:s18], $0x2760  }
0x21: {  	[sflag:s18] =	ssyncset.done $0x0  }
0x22: {  	[sflag:s18] =	ssyncadd.s32 $0xFFFFD8A0  }
0x23: {  	[tilespmem:s19], [sflag:$0x3] =	stream.linear.gather [hbm4b:s14+s3], $0x2760, $0x38;
	[tilespmem:$0x1E8C0] =	vst v63  }
0x24: {  	_ =	swait.ge [sflag:s18], $0x2760  }
0x25: {  	[sflag:s18] =	ssyncset.done $0x0  }
0x26: {  	[sflag:s18] =	ssyncadd.s32 $0xFFFFD8A0  }
0x27: {  	[tilespmem:s17], [sflag:$0x1] =	stream.indirect.gather [hbm4b:s4+s20], $0x40, s3, s20, $0xb8;
	[tilespmem:$0x1E8C0] =	vst v63  }
0x28: {  	_ =	swait.ge [sflag:s21], $0x7D00  }
0x29: {  	[sflag:s21] =	ssyncset.done $0x0  }
0x2a: {  	s10 =	simm.s32 $0x1F8;
	[sflag:s21] =	ssyncadd.s32 $0xFFFF8300  }
0x2b: {  	[tilespmem:s23], [sflag:$0x1] =	stream.indirect.gather [hbm4b:s4+s20], $0x40, s10, s20, $0xb8;
	[tilespmem:$0x1E8C0] =	vst v63  }
0x2c: {  	_ = 	snop  }
0x2d: {  	[spmem:s2] =	stream.indirect.scatter.add.bf16 [tilespmem:s17], [sflag:$0x2], $0x40, s19, s20, $0xb8;
	[tilespmem:$0x1E8C0] =	vst v63  }
0x2e: {  	_ =	swait.ge [sflag:s21], $0x7D00  }
0x2f: {  	[sflag:s21] =	ssyncset.done $0x0  }
0x30: {  	[sflag:s21] =	ssyncadd.s32 $0xFFFF8300  }
0x31: {  	_ =	swait.ge [sflag:s24], $0x7D00  }
0x32: {  	[sflag:s24] =	ssyncset.done $0x0  }
0x33: {  	s11 =	simm.s32 $0x3F0;
	[sflag:s24] =	ssyncadd.s32 $0xFFFF8300  }
0x34: {  	[tilespmem:s17], [sflag:$0x1] =	stream.indirect.gather [hbm4b:s4+s20], $0x40, s11, s20, $0xb8;
	[tilespmem:$0x1E8C0] =	vst v63  }
0x35: {  	s12 =	simm.s32 $0x2958  }
0x36: {  	[spmem:s2] =	stream.indirect.scatter.add.bf16 [tilespmem:s23], [sflag:$0x2], $0x40, s12, s20, $0xb8;
	[tilespmem:$0x1E8C0] =	vst v63  }
0x37: {  	_ =	swait.ge [sflag:s21], $0x7D00  }
0x38: {  	[sflag:s21] =	ssyncset.done $0x0  }
0x39: {  	[sflag:s21] =	ssyncadd.s32 $0xFFFF8300  }
0x3a: {  	_ =	swait.ge [sflag:s24], $0x7D00  }
0x3b: {  	[sflag:s24] =	ssyncset.done $0x0  }
0x3c: {  	s11 =	simm.s32 $0x5E8;
	[sflag:s24] =	ssyncadd.s32 $0xFFFF8300  }
0x3d: {  	[tilespmem:s23], [sflag:$0x1] =	stream.indirect.gather [hbm4b:s4+s20], $0x40, s11, s20, $0xb8;
	[tilespmem:$0x1E8C0] =	vst v63  }
0x3e: {  	s12 =	simm.s32 $0x2B50  }
0x3f: {  	[spmem:s2] =	stream.indirect.scatter.add.bf16 [tilespmem:s17], [sflag:$0x2], $0x40, s12, s20, $0xb8;
	[tilespmem:$0x1E8C0] =	vst v63  }
0x40: {  	_ =	swait.ge [sflag:s21], $0x7D00  }
0x41: {  	[sflag:s21] =	ssyncset.done $0x0  }
0x42: {  	[sflag:s21] =	ssyncadd.s32 $0xFFFF8300  }
0x43: {  	_ =	swait.ge [sflag:s24], $0x7D00  }
0x44: {  	[sflag:s24] =	ssyncset.done $0x0  }
0x45: {  	s11 =	simm.s32 $0x7E0;
	[sflag:s24] =	ssyncadd.s32 $0xFFFF8300  }
0x46: {  	[tilespmem:s17], [sflag:$0x1] =	stream.indirect.gather [hbm4b:s4+s20], $0x40, s11, s20, $0xb8;
	[tilespmem:$0x1E8C0] =	vst v63  }
0x47: {  	s12 =	simm.s32 $0x2D48  }
0x48: {  	[spmem:s2] =	stream.indirect.scatter.add.bf16 [tilespmem:s23], [sflag:$0x2], $0x40, s12, s20, $0xb8;
	[tilespmem:$0x1E8C0] =	vst v63  }
0x49: {  	_ =	swait.ge [sflag:s21], $0x7D00  }
0x4a: {  	[sflag:s21] =	ssyncset.done $0x0  }
0x4b: {  	[sflag:s21] =	ssyncadd.s32 $0xFFFF8300  }
0x4c: {  	_ =	swait.ge [sflag:s24], $0x7D00  }
0x4d: {  	[sflag:s24] =	ssyncset.done $0x0  }
0x4e: {  	s11 =	simm.s32 $0x9D8;
	[sflag:s24] =	ssyncadd.s32 $0xFFFF8300  }
0x4f: {  	[tilespmem:s23], [sflag:$0x1] =	stream.indirect.gather [hbm4b:s4+s20], $0x40, s11, s20, $0xb8;
	[tilespmem:$0x1E8C0] =	vst v63  }
0x50: {  	s12 =	simm.s32 $0x2F40  }
0x51: {  	[spmem:s2] =	stream.indirect.scatter.add.bf16 [tilespmem:s17], [sflag:$0x2], $0x40, s12, s20, $0xb8;
	[tilespmem:$0x1E8C0] =	vst v63  }
0x52: {  	_ =	swait.ge [sflag:s21], $0x7D00  }
0x53: {  	[sflag:s21] =	ssyncset.done $0x0  }
0x54: {  	[sflag:s21] =	ssyncadd.s32 $0xFFFF8300  }
0x55: {  	_ =	swait.ge [sflag:s24], $0x7D00  }
0x56: {  	[sflag:s24] =	ssyncset.done $0x0  }
0x57: {  	s11 =	simm.s32 $0xBD0;
	[sflag:s24] =	ssyncadd.s32 $0xFFFF8300  }
0x58: {  	[tilespmem:s17], [sflag:$0x1] =	stream.indirect.gather [hbm4b:s4+s20], $0x40, s11, s20, $0xb8;
	[tilespmem:$0x1E8C0] =	vst v63  }
0x59: {  	s12 =	simm.s32 $0x3138  }
0x5a: {  	[spmem:s2] =	stream.indirect.scatter.add.bf16 [tilespmem:s23], [sflag:$0x2], $0x40, s12, s20, $0xb8;
	[tilespmem:$0x1E8C0] =	vst v63  }
0x5b: {  	_ =	swait.ge [sflag:s21], $0x7D00  }
0x5c: {  	[sflag:s21] =	ssyncset.done $0x0  }
0x5d: {  	[sflag:s21] =	ssyncadd.s32 $0xFFFF8300  }
0x5e: {  	_ =	swait.ge [sflag:s24], $0x7D00  }
0x5f: {  	[sflag:s24] =	ssyncset.done $0x0  }
0x60: {  	s11 =	simm.s32 $0xDC8;
	[sflag:s24] =	ssyncadd.s32 $0xFFFF8300  }
0x61: {  	[tilespmem:s23], [sflag:$0x1] =	stream.indirect.gather [hbm4b:s4+s20], $0x40, s11, s20, $0xb8;
	[tilespmem:$0x1E8C0] =	vst v63  }
0x62: {  	s12 =	simm.s32 $0x3330  }
0x63: {  	[spmem:s2] =	stream.indirect.scatter.add.bf16 [tilespmem:s17], [sflag:$0x2], $0x40, s12, s20, $0xb8;
	[tilespmem:$0x1E8C0] =	vst v63  }
0x64: {  	_ =	swait.ge [sflag:s21], $0x7D00  }
0x65: {  	[sflag:s21] =	ssyncset.done $0x0  }
0x66: {  	[sflag:s21] =	ssyncadd.s32 $0xFFFF8300  }
0x67: {  	_ =	swait.ge [sflag:s24], $0x7D00  }
0x68: {  	[sflag:s24] =	ssyncset.done $0x0  }
0x69: {  	s11 =	simm.s32 $0xFC0;
	[sflag:s24] =	ssyncadd.s32 $0xFFFF8300  }
0x6a: {  	[tilespmem:s17], [sflag:$0x1] =	stream.indirect.gather [hbm4b:s4+s20], $0x40, s11, s20, $0xb8;
	[tilespmem:$0x1E8C0] =	vst v63  }
0x6b: {  	s12 =	simm.s32 $0x3528  }
0x6c: {  	[spmem:s2] =	stream.indirect.scatter.add.bf16 [tilespmem:s23], [sflag:$0x2], $0x40, s12, s20, $0xb8;
	[tilespmem:$0x1E8C0] =	vst v63  }
0x6d: {  	_ =	swait.ge [sflag:s21], $0x7D00  }
0x6e: {  	[sflag:s21] =	ssyncset.done $0x0  }
0x6f: {  	[sflag:s21] =	ssyncadd.s32 $0xFFFF8300  }
0x70: {  	_ =	swait.ge [sflag:s24], $0x7D00  }
0x71: {  	[sflag:s24] =	ssyncset.done $0x0  }
0x72: {  	s11 =	simm.s32 $0x11B8;
	[sflag:s24] =	ssyncadd.s32 $0xFFFF8300  }
0x73: {  	[tilespmem:s23], [sflag:$0x1] =	stream.indirect.gather [hbm4b:s4+s20], $0x40, s11, s20, $0xb8;
	[tilespmem:$0x1E8C0] =	vst v63  }
0x74: {  	s12 =	simm.s32 $0x3720  }
0x75: {  	[spmem:s2] =	stream.indirect.scatter.add.bf16 [tilespmem:s17], [sflag:$0x2], $0x40, s12, s20, $0xb8;
	[tilespmem:$0x1E8C0] =	vst v63  }
0x76: {  	_ =	swait.ge [sflag:s21], $0x7D00  }
0x77: {  	[sflag:s21] =	ssyncset.done $0x0  }
0x78: {  	[sflag:s21] =	ssyncadd.s32 $0xFFFF8300  }
0x79: {  	_ =	swait.ge [sflag:s24], $0x7D00  }
0x7a: {  	[sflag:s24] =	ssyncset.done $0x0  }
0x7b: {  	s11 =	simm.s32 $0x13B0;
	[sflag:s24] =	ssyncadd.s32 $0xFFFF8300  }
0x7c: {  	[tilespmem:s17], [sflag:$0x1] =	stream.indirect.gather [hbm4b:s4+s20], $0x40, s11, s20, $0xb8;
	[tilespmem:$0x1E8C0] =	vst v63  }
0x7d: {  	s12 =	simm.s32 $0x3918  }
0x7e: {  	[spmem:s2] =	stream.indirect.scatter.add.bf16 [tilespmem:s23], [sflag:$0x2], $0x40, s12, s20, $0xb8;
	[tilespmem:$0x1E8C0] =	vst v63  }
0x7f: {  	_ =	swait.ge [sflag:s21], $0x7D00  }
0x80: {  	[sflag:s21] =	ssyncset.done $0x0  }
0x81: {  	[sflag:s21] =	ssyncadd.s32 $0xFFFF8300  }
0x82: {  	_ =	swait.ge [sflag:s24], $0x7D00  }
0x83: {  	[sflag:s24] =	ssyncset.done $0x0  }
0x84: {  	s11 =	simm.s32 $0x15A8;
	[sflag:s24] =	ssyncadd.s32 $0xFFFF8300  }
0x85: {  	[tilespmem:s23], [sflag:$0x1] =	stream.indirect.gather [hbm4b:s4+s20], $0x40, s11, s20, $0xb8;
	[tilespmem:$0x1E8C0] =	vst v63  }
0x86: {  	s12 =	simm.s32 $0x3B10  }
0x87: {  	[spmem:s2] =	stream.indirect.scatter.add.bf16 [tilespmem:s17], [sflag:$0x2], $0x40, s12, s20, $0xb8;
	[tilespmem:$0x1E8C0] =	vst v63  }
0x88: {  	_ =	swait.ge [sflag:s21], $0x7D00  }
0x89: {  	[sflag:s21] =	ssyncset.done $0x0  }
0x8a: {  	[sflag:s21] =	ssyncadd.s32 $0xFFFF8300  }
0x8b: {  	_ =	swait.ge [sflag:s24], $0x7D00  }
0x8c: {  	[sflag:s24] =	ssyncset.done $0x0  }
0x8d: {  	s11 =	simm.s32 $0x17A0;
	[sflag:s24] =	ssyncadd.s32 $0xFFFF8300  }
0x8e: {  	[tilespmem:s17], [sflag:$0x1] =	stream.indirect.gather [hbm4b:s4+s20], $0x40, s11, s20, $0xb8;
	[tilespmem:$0x1E8C0] =	vst v63  }
0x8f: {  	s12 =	simm.s32 $0x3D08  }
0x90: {  	[spmem:s2] =	stream.indirect.scatter.add.bf16 [tilespmem:s23], [sflag:$0x2], $0x40, s12, s20, $0xb8;
	[tilespmem:$0x1E8C0] =	vst v63  }
0x91: {  	_ =	swait.ge [sflag:s21], $0x7D00  }
0x92: {  	[sflag:s21] =	ssyncset.done $0x0  }
0x93: {  	[sflag:s21] =	ssyncadd.s32 $0xFFFF8300  }
0x94: {  	_ =	swait.ge [sflag:s24], $0x7D00  }
0x95: {  	[sflag:s24] =	ssyncset.done $0x0  }
0x96: {  	s11 =	simm.s32 $0x1998;
	[sflag:s24] =	ssyncadd.s32 $0xFFFF8300  }
0x97: {  	[tilespmem:s23], [sflag:$0x1] =	stream.indirect.gather [hbm4b:s4+s20], $0x40, s11, s20, $0xb8;
	[tilespmem:$0x1E8C0] =	vst v63  }
0x98: {  	s12 =	simm.s32 $0x3F00  }
0x99: {  	[spmem:s2] =	stream.indirect.scatter.add.bf16 [tilespmem:s17], [sflag:$0x2], $0x40, s12, s20, $0xb8;
	[tilespmem:$0x1E8C0] =	vst v63  }
0x9a: {  	_ =	swait.ge [sflag:s21], $0x7D00  }
0x9b: {  	[sflag:s21] =	ssyncset.done $0x0  }
0x9c: {  	[sflag:s21] =	ssyncadd.s32 $0xFFFF8300  }
0x9d: {  	_ =	swait.ge [sflag:s24], $0x7D00  }
0x9e: {  	[sflag:s24] =	ssyncset.done $0x0  }
0x9f: {  	s11 =	simm.s32 $0x1B90;
	[sflag:s24] =	ssyncadd.s32 $0xFFFF8300  }
0xa0: {  	[tilespmem:s17], [sflag:$0x1] =	stream.indirect.gather [hbm4b:s4+s20], $0x40, s11, s20, $0xb8;
	[tilespmem:$0x1E8C0] =	vst v63  }
0xa1: {  	s12 =	simm.s32 $0x40F8  }
0xa2: {  	[spmem:s2] =	stream.indirect.scatter.add.bf16 [tilespmem:s23], [sflag:$0x2], $0x40, s12, s20, $0xb8;
	[tilespmem:$0x1E8C0] =	vst v63  }
0xa3: {  	_ =	swait.ge [sflag:s21], $0x7D00  }
0xa4: {  	[sflag:s21] =	ssyncset.done $0x0  }
0xa5: {  	[sflag:s21] =	ssyncadd.s32 $0xFFFF8300  }
0xa6: {  	_ =	swait.ge [sflag:s24], $0x7D00  }
0xa7: {  	[sflag:s24] =	ssyncset.done $0x0  }
0xa8: {  	s11 =	simm.s32 $0x1D88;
	[sflag:s24] =	ssyncadd.s32 $0xFFFF8300  }
0xa9: {  	[tilespmem:s23], [sflag:$0x1] =	stream.indirect.gather [hbm4b:s4+s20], $0x40, s11, s20, $0xb8;
	[tilespmem:$0x1E8C0] =	vst v63  }
0xaa: {  	_ = 	snop  }
0xab: {  	[spmem:s2] =	stream.indirect.scatter.add.bf16 [tilespmem:s17], [sflag:$0x2], $0x40, s22, s20, $0xb8;
	[tilespmem:$0x1E8C0] =	vst v63  }
0xac: {  	_ =	swait.ge [sflag:s21], $0x7D00  }
0xad: {  	[sflag:s21] =	ssyncset.done $0x0  }
0xae: {  	[sflag:s21] =	ssyncadd.s32 $0xFFFF8300  }
0xaf: {  	_ =	swait.ge [sflag:s24], $0x7D00  }
0xb0: {  	[sflag:s24] =	ssyncset.done $0x0  }
0xb1: {  	[sflag:s24] =	ssyncadd.s32 $0xFFFF8300  }
0xb2: {  	[tilespmem:s17], [sflag:$0x1] =	stream.indirect.gather [hbm4b:s4+s20], $0x40, s25, s20, $0xb8;
	[tilespmem:$0x1E8C0] =	vst v63  }
0xb3: {  	_ = 	snop  }
0xb4: {  	[spmem:s2] =	stream.indirect.scatter.add.bf16 [tilespmem:s23], [sflag:$0x2], $0x40, s26, s20, $0xb8;
	[tilespmem:$0x1E8C0] =	vst v63  }
0xb5: {  	_ =	swait.ge [sflag:s21], $0x7D00  }
0xb6: {  	[sflag:s21] =	ssyncset.done $0x0  }
0xb7: {  	[sflag:s21] =	ssyncadd.s32 $0xFFFF8300  }
0xb8: {  	_ =	swait.ge [sflag:s24], $0x7D00  }
0xb9: {  	[sflag:s24] =	ssyncset.done $0x0  }
0xba: {  	[sflag:s24] =	ssyncadd.s32 $0xFFFF8300  }
0xbb: {  	[tilespmem:s23], [sflag:$0x1] =	stream.indirect.gather [hbm4b:s4+s20], $0x40, s28, s20, $0xb8;
	[tilespmem:$0x1E8C0] =	vst v63  }
0xbc: {  	_ = 	snop  }
0xbd: {  	[spmem:s2] =	stream.indirect.scatter.add.bf16 [tilespmem:s17], [sflag:$0x2], $0x40, s29, s20, $0xb8;
	[tilespmem:$0x1E8C0] =	vst v63  }
0xbe: {  	_ =	swait.ge [sflag:s21], $0x7D00  }
0xbf: {  	[sflag:s21] =	ssyncset.done $0x0  }
0xc0: {  	[sflag:s21] =	ssyncadd.s32 $0xFFFF8300  }
0xc1: {  	_ =	swait.ge [sflag:s24], $0x7D00  }
0xc2: {  	[sflag:s24] =	ssyncset.done $0x0  }
0xc3: {  	[sflag:s24] =	ssyncadd.s32 $0xFFFF8300  }
0xc4: {  	[tilespmem:s17], [sflag:$0x1] =	stream.indirect.gather [hbm4b:s4+s20], $0x40, s30, s20, $0xb8;
	[tilespmem:$0x1E8C0] =	vst v63  }
0xc5: {  	_ = 	snop  }
0xc6: {  	[spmem:s2] =	stream.indirect.scatter.add.bf16 [tilespmem:s23], [sflag:$0x2], $0x40, s31, s20, $0xb8;
	[tilespmem:$0x1E8C0] =	vst v63  }
0xc7: {  	_ =	swait.ge [sflag:s21], $0x7D00  }
0xc8: {  	[sflag:s21] =	ssyncset.done $0x0  }
0xc9: {  	[sflag:s21] =	ssyncadd.s32 $0xFFFF8300  }
0xca: {  	_ =	swait.ge [sflag:s24], $0x7D00  }
0xcb: {  	[sflag:s24] =	ssyncset.done $0x0  }
0xcc: {  	[sflag:s24] =	ssyncadd.s32 $0xFFFF8300  }
0xcd: {  	[tilespmem:s23], [sflag:$0x1] =	stream.indirect.gather [hbm4b:s4+s20], $0x40, s0, s20, $0xb8;
	[tilespmem:$0x1E8C0] =	vst v63  }
0xce: {  	_ = 	snop  }
0xcf: {  	[spmem:s2] =	stream.indirect.scatter.add.bf16 [tilespmem:s17], [sflag:$0x2], $0x40, s7, s20, $0xb8;
	[tilespmem:$0x1E8C0] =	vst v63  }
0xd0: {  	_ =	swait.ge [sflag:s21], $0x7D00  }
0xd1: {  	[sflag:s21] =	ssyncset.done $0x0  }
0xd2: {  	[sflag:s21] =	ssyncadd.s32 $0xFFFF8300  }
0xd3: {  	_ =	swait.ge [sflag:s24], $0x7D00  }
0xd4: {  	[sflag:s24] =	ssyncset.done $0x0  }
0xd5: {  	[sflag:s24] =	ssyncadd.s32 $0xFFFF8300  }
0xd6: {  	[spmem:s2] =	stream.indirect.scatter.add.bf16 [tilespmem:s23], [sflag:$0x2], $0x40, s8, s20, $0xb8;
	[tilespmem:$0x1E8C0] =	vst v63  }
0xd7: {  	_ =	swait.ge [sflag:s24], $0x7D00  }
0xd8: {  	s9 =	sadd.s32 $0x1, s9;
	s12 =	sshll.u32 s1, $0x6;
	[sflag:s24] =	ssyncset.done $0x0  }
0xd9: {  	p1 =	sne.s32 s9, s16;
	s10 =	sor.u32 $0x1C03, s12;
	[sflag:s24] =	ssyncadd.s32 $0xFFFF8300  }
.Ltmp1:
0xda: {  	s11 =	sshrl.u32 s6, $0x3;
	[bflag:$0x0] =	sbarrier.arrive $0xFFFF;
	(pc) =	sbr.rel @!p1 .LBB2_7-.Ltmp1, $4  }
0xdb: {  	[hbm:s15], [sflag:s10] =	dma.local [spmem:s11], $0x1400  }
0xdc: {  	_ =	swait.ge [sflag:s18], $0x1400  }
0xdd: {  	[sflag:s18] =	ssyncset.done $0x0  }
0xde: {  	[sflag:s18] =	ssyncadd.s32 $0xFFFFEC00  }
.LBB2_1:
.Ltmp2:
0xdf: {  	(pc) =	sbr.rel @!p0 .LBB2_2-.Ltmp2, $1  }
0xe0: {  	_ =	sdelay $0x3  }
0xe1: {  	s11 =	simm.s32 $0x100;
	s10 =	simm.s32 $0x0  }
.LBB2_4:
0xe2: {  	p1 =	sne.s32 s11, $0x7C00;
	[tilespmem:s10+$0x4EF0] =	vst v0;
	s12 =	smov.u32 s11;
	s11 =	sadd.s32 $0x100, s11  }
.Ltmp3:
0xe3: {  	[tilespmem:s10+$0x4EE0] =	vst v0;
	(pc) =	sbr.rel @p1 .LBB2_4-.Ltmp3, $3  }
0xe4: {  	[tilespmem:s10+$0x4EC0] =	vst v0  }
0xe5: {  	[tilespmem:s10+$0x4ED0] =	vst v0;
	_ =	sdelay $0x1  }
0xe6: {  	s10 =	sshra.s32 s12, $0x2  }
0xe7: {  	[tilespmem:s10+$0x4EF0] =	vst v0  }
0xe8: {  	[tilespmem:s10+$0x4EE0] =	vst v0  }
0xe9: {  	[tilespmem:s10+$0x4EC0] =	vst v0  }
0xea: {  	[tilespmem:s10+$0x4ED0] =	vst v0  }
0xeb: {  	[spmem:s5] =	stream.linear.scatter [tilespmem:s17], [sflag:$0x3], $0x1E00, $0x38;
	[tilespmem:$0x1E8C0] =	vst v63  }
0xec: {  	_ =	swait.ge [sflag:s18], $0x1E00  }
0xed: {  	[sflag:s18] =	ssyncset.done $0x0  }
0xee: {  	s12 =	rddreg [dreg:$0x5];
	[sflag:s18] =	ssyncadd.s32 $0xFFFFE200  }
0xef: {  	[spmem:s12] =	stream.linear.scatter [tilespmem:s17], [sflag:$0x3], $0x1E00, $0x38;
	[tilespmem:$0x1E8C0] =	vst v63  }
0xf0: {  	_ =	swait.ge [sflag:s18], $0x1E00  }
0xf1: {  	[sflag:s18] =	ssyncset.done $0x0  }
0xf2: {  	s11 =	rddreg [dreg:$0x6];
	[sflag:s18] =	ssyncadd.s32 $0xFFFFE200  }
0xf3: {  	[spmem:s11] =	stream.linear.scatter [tilespmem:s17], [sflag:$0x3], $0x1E00, $0x38;
	[tilespmem:$0x1E8C0] =	vst v63  }
0xf4: {  	_ =	swait.ge [sflag:s18], $0x1E00  }
0xf5: {  	[sflag:s18] =	ssyncset.done $0x0  }
0xf6: {  	s12 =	rddreg [dreg:$0x7];
	[sflag:s18] =	ssyncadd.s32 $0xFFFFE200  }
0xf7: {  	[spmem:s12] =	stream.linear.scatter [tilespmem:s17], [sflag:$0x3], $0x1E00, $0x38;
	[tilespmem:$0x1E8C0] =	vst v63  }
0xf8: {  	_ =	swait.ge [sflag:s18], $0x1E00  }
0xf9: {  	[sflag:s18] =	ssyncset.done $0x0  }
0xfa: {  	s11 =	rddreg [dreg:$0x8];
	[sflag:s18] =	ssyncadd.s32 $0xFFFFE200  }
0xfb: {  	[spmem:s11] =	stream.linear.scatter [tilespmem:s17], [sflag:$0x3], $0x1E00, $0x38;
	[tilespmem:$0x1E8C0] =	vst v63  }
0xfc: {  	_ =	swait.ge [sflag:s18], $0x1E00  }
0xfd: {  	[sflag:s18] =	ssyncset.done $0x0  }
.Ltmp4:
0xfe: {  	s12 =	rddreg [dreg:$0x9];
	[sflag:s18] =	ssyncadd.s32 $0xFFFFE200;
	(pc) =	sbr.rel .LBB2_6-.Ltmp4, $4  }
0xff: {  	[spmem:s12] =	stream.linear.scatter [tilespmem:s17], [sflag:$0x3], $0xA00, $0x38;
	[tilespmem:$0x1E8C0] =	vst v63  }
0x100: {  	_ =	swait.ge [sflag:s18], $0xA00  }
0x101: {  	[sflag:s18] =	ssyncset.done $0x0  }
0x102: {  	[sflag:s18] =	ssyncadd.s32 $0xFFFFF600  }
.LBB2_7:
0x103: {  	_ =	sfence.sel $0x180000  }
0x104: {  	[bflag:$0x0] =	sbarrier.arrive $0xFFFF  }
0x105: {  	_ =	strace $0x9000004A  }
0x106: {  	[bflag:$0x2] =	sbarrier.arrive $0xFFFF  }
0x107: {  	p0 =	sne.s32 s1, $0x0;
	s0 =	rddreg [dreg:$0x3]  }
0x108: {  	s0 =	sadd.s32 @!p0 $0x100000, s0  }
0x109: {  	[sflag:s0] =	ssyncadd.tile.s32 @!p0 $0x1;
	_ =	shalt  }
.Lfunc_end2:
_tile_overlayer_lowered:
.L_overlay_start_2:
0x10a: {  	(tag) =	ssettag $0x2  }
0x10b: {  	s0 =	rddreg [dreg:$0x0];
	s2 =	stileid.u32  }
0x10c: {  	s1 =	rddreg [dreg:$0x1];
	p0 =	sne.s32 s2, $0x0  }
0x10d: {  	s3 =	rddreg [dreg:$0x2];
	[bflag:$0x3] =	sbarrier.arrive $0xFFFF;
	s2 =	simm.s32 @!p0 $0x1C03  }
0x10e: {  	[timem:s3], [sflag:s2] =	dma.local @!p0 [hbm:s0], s1  }
0x10f: {  	s0 =	simm.s32 @!p0 $0x3  }
0x110: {  	_ =	swait.ge @!p0 [sflag:s0], s1  }
0x111: {  	s1 =	ssub.s32 @!p0 $0x0, s1;
	[sflag:s0] =	ssyncset.done @!p0 $0x0  }
0x112: {  	[sflag:s0] =	ssyncadd.s32 @!p0 s1  }
0x113: {  	[bflag:$0x3] =	sbarrier.arrive $0xFFFF  }
0x114: {  	_ =	shalt  }

// kernel: kernel.14.cloned.1.call-start
scs
__scs_entry_jumppad:
0x0: {  	(pc) =	sbr.rel $0x88, $3  }
0x1: {  	(tag) =	ssettag $0x0;
	lr =	simm.s32 $0x1  }
0x2: {  	[smem:$0x3F9B] =	sst lr;
	_ =	strace $0xD0000000  }
0x3: {  	_ = 	snop  }
0x4: {  	_ = 	snop  }
0x5: {  	_ = 	snop  }
0x6: {  	_ = 	snop  }
0x7: {  	_ = 	snop  }
__scs_overlays_trampoline_lowered:
0x8: {  	[smem:$0x3FAA] =	sst s0  }
0x9: {  	[smem:$0x3FAB] =	sst s1  }
0xa: {  	[smem:$0x3FAC] =	sst s2  }
0xb: {  	[smem:$0x3FAD] =	sst s3  }
0xc: {  	[smem:$0x3FAE] =	sst s4  }
0xd: {  	[smem:$0x3FAF] =	sst s5  }
0xe: {  	[smem:$0x3FB0] =	sst s6  }
0xf: {  	[smem:$0x3FB1] =	sst s7  }
0x10: {  	[smem:$0x3FB2] =	sst s8  }
0x11: {  	[smem:$0x3FB3] =	sst s9;
	s0 =	simm.s32 @!p0 $0x0  }
0x12: {  	s1 =	sld [smem:$0x3F99];
	s0 =	simm.s32 @p0 $0x1  }
0x13: {  	[smem:$0x3FB4] =	sst s0;
	s0 =	simm.s32 @!p1 $0x0  }
0x14: {  	s2 =	sld [smem:$0x3F98];
	s0 =	simm.s32 @p1 $0x1  }
0x15: {  	[smem:$0x3FB5] =	sst s0;
	s0 =	simm.s32 @!p2 $0x0  }
0x16: {  	s3 =	sld [smem:$0x3FDB];
	s0 =	simm.s32 @p2 $0x1  }
0x17: {  	s4 =	simm.s32 $0x1BF5;
	[smem:$0x3FB7] =	sst s0  }
0x18: {  	s0 =	sld [smem:$0x3F9A];
	_ =	swait.ge [sflag:s4], $0x0  }
0x19: {  	s7 =	sld [smem:$0x3F9B]  }
0x1a: {  	s8 =	sadd.s32 $0xFFFFE003, lr  }
0x1b: {  	s9 =	sadd.s32 $0xFFFFFEF7, lr;
	s5 =	simm.s32 $0xFFFFFFFF;
	p2 =	slt.u32 s8, $0xFFFFF086  }
0x1c: {  	p1 =	slt.u32 s9, $0xF7A;
	s5 =	simm.s32 @!p2 $0x0  }
0x1d: {  	s5 =	simm.s32 @p1 $0x1;
	p0 =	seq.s32 s7, s2  }
0x1e: {  	s7 =	smul.u32 @!p0 $0xF7A, s2;
	p2 =	seq.s32 @!p0 s5, $0x0  }
0x1f: {  	s9 =	smul.u32 $0xF7A, s1;
	s8 =	simm.s32 @!p0 $0x1BF5;
	p2 =	por !p2, p0  }
0x20: {  	[sflag:s8] =	ssyncset.s32 @!p0 $0xFFFFF086;
	s6 =	sadd.s32 @!p0 s3, s7;
	s7 =	simm.s32 @!p0 $0x108  }
0x21: {  	s3 =	sadd.s32 s3, s9;
	s6 =	sadd.s32 @!p0 $0x88, s6;
	s7 =	simm.s32 @p2 $0x1082  }
0x22: {  	[simem:s7], [sflag:s8] =	dma.local @!p0 [hbm:s6], $0xF7A  }
0x23: {  	s9 =	sor.u32 $0xD0000000, s2;
	s6 =	simm.s32 $0x108;
	_ =	swait.ge @!p0 [sflag:s8], $0x0  }
0x24: {  	s3 =	sadd.s32 $0x88, s3;
	s6 =	simm.s32 @!p1 $0x1082;
	[sflag:s4] =	ssyncset.s32 $0xFFFFF086  }
0x25: {  	[simem:s6], [sflag:s4] =	dma.local [hbm:s3], $0xF7A  }
0x26: {  	[smem:$0x3F9B] =	sst s1;
	(tag) =	ssettag s2;
	_ =	strace s9  }
0x27: {  	s1 =	sld [smem:$0x3FAB]  }
0x28: {  	s2 =	sld [smem:$0x3FAC]  }
0x29: {  	s4 =	sld [smem:$0x3FAE]  }
0x2a: {  	p0 =	seq.s32 s5, $0x0;
	s5 =	sld [smem:$0x3FAF]  }
0x2b: {  	s6 =	sld [smem:$0x3FB0]  }
0x2c: {  	s7 =	sld [smem:$0x3FB1]  }
0x2d: {  	s3 =	simm.s32 $0x108;
	s8 =	sld [smem:$0x3FB2]  }
0x2e: {  	s3 =	simm.s32 @!p0 $0x1082;
	s9 =	sld [smem:$0x3FB3]  }
0x2f: {  	lr =	sadd.s32 s0, s3;
	s0 =	sld [smem:$0x3FAA]  }
0x30: {  	s3 =	sld [smem:$0x3FAD]  }
0x31: {  	[smem:$0x3FB6] =	sst s10  }
0x32: {  	s10 =	sld [smem:$0x3FB4];
	_ =	sdelay $0x3  }
0x33: {  	p0 =	seq.s32 s10, $0x1;
	s10 =	sld [smem:$0x3FB6];
	_ =	sdelay $0x3  }
0x34: {  	[smem:$0x3FB6] =	sst s10  }
0x35: {  	s10 =	sld [smem:$0x3FB5];
	_ =	sdelay $0x3  }
0x36: {  	p1 =	seq.s32 s10, $0x1;
	s10 =	sld [smem:$0x3FB6];
	_ =	sdelay $0x3  }
0x37: {  	[smem:$0x3FB6] =	sst s10  }
0x38: {  	s10 =	sld [smem:$0x3FB7]  }
0x39: {  	_ = 	snop;
	(pc) =	sbr.ind lr, $3  }
0x3a: {  	_ = 	snop  }
0x3b: {  	_ = 	snop  }
0x3c: {  	p2 =	seq.s32 s10, $0x1;
	s10 =	sld [smem:$0x3FB6]  }
0x3d: {  	_ =	shalt  }
0x3e: {  	_ =	shalt  }
0x3f: {  	_ =	shalt  }
0x40: {  	_ =	shalt  }
0x41: {  	_ =	shalt  }
0x42: {  	_ =	shalt  }
0x43: {  	_ =	shalt  }
0x44: {  	_ =	shalt  }
0x45: {  	_ =	shalt  }
0x46: {  	_ =	shalt  }
0x47: {  	_ =	shalt  }
0x48: {  	_ =	shalt  }
0x49: {  	_ =	shalt  }
0x4a: {  	_ =	shalt  }
0x4b: {  	_ =	shalt  }
0x4c: {  	_ =	shalt  }
0x4d: {  	_ =	shalt  }
0x4e: {  	_ =	shalt  }
0x4f: {  	_ =	shalt  }
0x50: {  	_ =	shalt  }
0x51: {  	_ =	shalt  }
0x52: {  	_ =	shalt  }
0x53: {  	_ =	shalt  }
0x54: {  	_ =	shalt  }
0x55: {  	_ =	shalt  }
0x56: {  	_ =	shalt  }
0x57: {  	_ =	shalt  }
0x58: {  	_ =	shalt  }
0x59: {  	_ =	shalt  }
0x5a: {  	_ =	shalt  }
0x5b: {  	_ =	shalt  }
0x5c: {  	_ =	shalt  }
0x5d: {  	_ =	shalt  }
0x5e: {  	_ =	shalt  }
0x5f: {  	_ =	shalt  }
0x60: {  	_ =	shalt  }
0x61: {  	_ =	shalt  }
0x62: {  	_ =	shalt  }
0x63: {  	_ =	shalt  }
0x64: {  	_ =	shalt  }
0x65: {  	_ =	shalt  }
0x66: {  	_ =	shalt  }
0x67: {  	_ =	shalt  }
0x68: {  	_ =	shalt  }
0x69: {  	_ =	shalt  }
0x6a: {  	_ =	shalt  }
0x6b: {  	_ =	shalt  }
0x6c: {  	_ =	shalt  }
0x6d: {  	_ =	shalt  }
0x6e: {  	_ =	shalt  }
0x6f: {  	_ =	shalt  }
0x70: {  	_ =	shalt  }
0x71: {  	_ =	shalt  }
0x72: {  	_ =	shalt  }
0x73: {  	_ =	shalt  }
0x74: {  	_ =	shalt  }
0x75: {  	_ =	shalt  }
0x76: {  	_ =	shalt  }
0x77: {  	_ =	shalt  }
0x78: {  	_ =	shalt  }
0x79: {  	_ =	shalt  }
0x7a: {  	_ =	shalt  }
0x7b: {  	_ =	shalt  }
0x7c: {  	_ =	shalt  }
0x7d: {  	_ =	shalt  }
0x7e: {  	_ =	shalt  }
0x7f: {  	_ =	shalt  }
0x80: {  	_ =	shalt  }
0x81: {  	_ =	shalt  }
0x82: {  	_ =	shalt  }
0x83: {  	_ =	shalt  }
0x84: {  	_ =	shalt  }
0x85: {  	_ =	shalt  }
0x86: {  	_ =	shalt  }
0x87: {  	_ =	shalt  }
.Lfunc_end0:
.L_simem_size_0:
called_computation.2_lowered:
.L_overlay_start_0:
0x88: {  	s2 =	sld [smem:$0x3FD9]  }
0x89: {  	s3 =	sld [smem:$0x3FFE];
	_ =	sdelay $0x1  }
0x8a: {  	s1 =	srdreg.scid  }
0x8b: {  	s0 =	sand.u32 $0x1, s1  }
0x8c: {  	s17 =	sshll.u32 s0, $0xA;
	s2 =	sadd.s32 s3, s2  }
0x8d: {  	s2 =	sadd.s32 s2, s17  }
0x8e: {  	[smem:$0x3FC2] =	sst s2  }
0x8f: {  	_ = 	snop  }
0x90: {  	s2 =	sld [smem:$0x3FD0];
	(tm) =	ssettm $0x1  }
0x91: {  	s18 =	sld [smem:$0x3FFB];
	_ =	sdelay $0x3  }
0x92: {  	_ =	strace s18  }
0x93: {  	s3 =	sld [smem:$0x3FFC];
	_ =	sdelay $0x3  }
0x94: {  	_ =	strace s3  }
0x95: {  	s3 =	sld [smem:$0x3FFD];
	_ =	sdelay $0x3  }
0x96: {  	_ =	strace s3  }
0x97: {  	_ =	strace $0x8FFFFFFF  }
0x98: {  	s19 =	sld [smem:$0x3FDB];
	_ =	sdelay $0x1  }
0x99: {  	s4 =	simm.s32 $_scs_section_size  }
0x9a: {  	s5 =	simm.s32 $_size__tile_overlayer_lowered;
	s6 =	simm.s32 $_tile_overlayer_lowered  }
0x9b: {  	s22 =	simm.s32 $0x1BFF;
	s21 =	sshll.u32 s6, $0x1;
	s3 =	sadd.s32 s4, s19  }
0x9c: {  	s7 =	simm.s32 $0x0;
	s20 =	sshll.u32 s5, $0x1;
	s5 =	sadd.s32 s21, s3  }
0x9d: {  	[timem:s7], [sflag:s22] =	dma.local [hbm:s5], s20  }
0x9e: {  	_ =	swait.ge [sflag:s22], s20  }
0x9f: {  	s4 =	ssub.s32 $0x0, s20;
	[sflag:s22] =	ssyncset.done $0x0  }
0xa0: {  	[sflag:s22] =	ssyncadd.s32 s4;
	_ =	sdelay $0x1  }
0xa1: {  	s23 =	simm.s32 $0x1B8B  }
0xa2: {  	_ =	swait.ge [sflag:s23], $0x1  }
0xa3: {  	[sflag:s23] =	ssyncset.done $0x0  }
0xa4: {  	s25 =	simm.s32 $0x1B8E;
	s24 =	sld [smem:$0x3FFE];
	[sflag:s23] =	ssyncadd.s32 $0xFFFFFFFF  }
0xa5: {  	s26 =	simm.s32 $execute0_lowered;
	[smem:$0x3FD2] =	sst s25  }
0xa6: {  	s5 =	sshll.u32 s26, $0x1;
	_ =	strace $0x8000004C;
	[dreg:$0x1] =	wrdreg $0xFFFFFFFF  }
0xa7: {  	s28 =	simm.s32 $_size_execute0_lowered;
	s3 =	sadd.s32 s3, s5;
	[dreg:$0x0] =	wrdreg $0x0  }
0xa8: {  	s5 =	sshll.u32 s28, $0x1;
	[dreg:$0x2] =	wrdreg s3  }
0xa9: {  	[dreg:$0x3] =	wrdreg s5  }
0xaa: {  	[dreg:$0x4] =	wrdreg $0xC0  }
0xab: {  	_ =	task [dreg:s7], $0x5FFFF  }
0xac: {  	[dreg:$0x1] =	wrdreg $0xFFFFFFFF  }
0xad: {  	[dreg:$0x0] =	wrdreg $0x60  }
0xae: {  	[dreg:$0x2] =	wrdreg s2  }
0xaf: {  	[dreg:$0x3] =	wrdreg s24  }
0xb0: {  	[dreg:$0x4] =	wrdreg $0x148200  }
0xb1: {  	[dreg:$0x5] =	wrdreg $0x9  }
0xb2: {  	_ =	task.clear_ibuf [dreg:s7], $0x6FFFF;
	_ =	strace $0x9000004C  }
0xb3: {  	s29 =	simm.s32 $0x9;
	_ =	strace $0x8000004E  }
0xb4: {  	_ =	swait.ge [sflag:s29], $0x1  }
0xb5: {  	[sflag:s29] =	ssyncadd.s32 $0xFFFFFFFF  }
0xb6: {  	_ =	strace $0x9000004E  }
0xb7: {  	_ =	sfence  }
0xb8: {  	s30 =	sld [smem:$0x0];
	_ =	sdelay $0x2  }
0xb9: {  	s31 =	sshll.u32 s1, $0xD;
	s1 =	sshrl.u32 s1, $0x2  }
0xba: {  	s3 =	sand.u32 $0x4000, s31;
	s1 =	sadd.s32 s1, s30  }
0xbb: {  	s0 =	sor.u32 s3, s0;
	s1 =	sshll.u32 s1, $0x11  }
0xbc: {  	s0 =	sor.u32 s1, s0  }
0xbd: {  	s0 =	sadd.s32 $0x8F2B, s0  }
0xbe: {  	[sflag:s0] =	ssyncadd.remote.s32 $0x1  }
0xbf: {  	_ =	sfence.sel $0xFFFF  }
0xc0: {  	[dreg:$0x0] =	wrdreg $0xFFFFFFFF;
	(pc) =	sbr.abs _section_cstart, $3  }
0xc1: {  	[dreg:$0x1] =	wrdreg $0xFFFFFFFF  }
0xc2: {  	_ =	task.clear_ibuf [dreg:s7], $0x2FFFF;
	_ =	strace $0x9FFFFFFF  }
0xc3: {  	(tm) =	ssettm $0x7FFFFFFF  }
tec
execute0_lowered:
.L_overlay_start_1:
0x0: {  	(tag) =	ssettag $0x1  }
0x1: {  	s2 =	rddreg [dreg:$0x0]  }
0x2: {  	s0 =	rddreg [dreg:$0x1]  }
0x3: {  	s3 =	rddreg [dreg:$0x2]  }
0x4: {  	s4 =	srdreg.scid;
	s1 =	stileid.u32;
	s17 =	simm.s32 $0x4E20  }
0x5: {  	s18 =	simm.s32 $0x3;
	s19 =	simm.s32 $0x2710;
	s11 =	simm.s32 $0x1F40  }
0x6: {  	s12 =	simm.s32 $0x4268;
	s28 =	simm.s32 $0x0;
	s6 =	smul.u32 $0xA000, s1  }
0x7: {  	s5 =	sand.u32 $0x1, s4;
	s4 =	simm.s32 $0x0;
	s10 =	smul.u32 $0x14000, s1  }
0x8: {  	s7 =	sshll.u32 s1, $0x1;
	s8 =	smul.u32 $0xA0000, s5;
	[smem:$0x7FF] =	sst s4  }
0x9: {  	s7 =	sor.u32 s5, s7;
	s9 =	ssub.s32 $0x2, s5;
	p0 =	seq.s32 s5, $0x1  }
0xa: {  	_ =	strace $0x8000004D;
	s7 =	smul.u32 $0x4E2, s7;
	s20 =	sshrl.u32 s9, $0x1  }
0xb: {  	s21 =	sshrl.u32 s10, $0x2;
	s22 =	sshrl.u32 s6, $0x1;
	s23 =	sshrl.u32 s6, $0x4  }
0xc: {  	s10 =	simm.s32 $0x3E80;
	s8 =	sadd.s32 s6, s8;
	s5 =	sadd.s32 s21, s3  }
0xd: {  	s6 =	sadd.s32 s22, s3;
	s24 =	sadd.s32 s2, s23;
	s21 =	simm.s32 $0x1  }
0xe: {  	s22 =	simm.s32 $0xCB20;
	s23 =	simm.s32 $0x2;
	s8 =	sshrl.u32 s8, $0x4  }
0xf: {  	s7 =	sadd.s32 s7, s0;
	[dreg:$0x4] =	wrdreg s24;
	s25 =	sadd.s32 $0xF00, s5  }
0x10: {  	s26 =	sadd.s32 $0x1E00, s5;
	s29 =	sadd.s32 $0x2D00, s5;
	[dreg:$0x5] =	wrdreg s25  }
0x11: {  	s30 =	sadd.s32 $0x3C00, s5;
	s31 =	sadd.s32 $0x4B00, s5;
	[dreg:$0x6] =	wrdreg s26  }
0x12: {  	s24 =	simm.s32 $0x2328;
	s0 =	sadd.s32 s8, s0;
	[dreg:$0x7] =	wrdreg s29  }
.Ltmp0:
0x13: {  	s8 =	ssub.s32 s9, s20;
	[dreg:$0x8] =	wrdreg s30;
	(pc) =	sbr.rel .LBB2_1-.Ltmp0, $4  }
0x14: {  	[dreg:$0x9] =	wrdreg s31;
	s13 =	sadd.s32 $0xB200, s7;
	s14 =	sadd.s32 $0x1400, s7  }
0x15: {  	s20 =	simm.s32 $0x3E8;
	s7 =	simm.s32 $0x1770;
	s9 =	simm.s32 $0x1B58  }
0x16: {  	s25 =	simm.s32 $0x4650;
	s26 =	simm.s32 $0x4A38;
	s15 =	sadd.s32 $0x15200, s0  }
0x17: {  	v0 =	vimm.bf16 $0.0e+00;
	s16 =	smax.u32 s8, $0x1;
	s0 =	simm.s32 $0x36B0;
	s8 =	simm.s32 $0x3A98  }
.LBB2_2:
0x18: {  	s29 =	sshll.u32 s1, $0x6  }
0x19: {  	s30 =	sshrl.u32 s6, $0x3;
	s31 =	rddreg [dreg:$0x4];
	s29 =	sor.u32 $0x1C03, s29  }
0x1a: {  	[spmem:s30], [sflag:s29] =	dma.local [hbm:s31], $0xA00  }
0x1b: {  	_ =	swait.ge [sflag:s18], $0xA00  }
0x1c: {  	[sflag:s18] =	ssyncset.done $0x0  }
0x1d: {  	[sflag:s18] =	ssyncadd.s32 $0xFFFFF600  }
.LBB2_6:
0x1e: {  	[bflag:$0x0] =	sbarrier.arrive $0xFFFF  }
0x1f: {  	[tilespmem:s4], [sflag:$0x3] =	stream.linear.gather [hbm4b:s13+s4], $0x2710, $0x38;
	[tilespmem:$0x19820] =	vst v63  }
0x20: {  	_ =	swait.ge [sflag:s18], $0x2710  }
0x21: {  	[sflag:s18] =	ssyncset.done $0x0  }
0x22: {  	[sflag:s18] =	ssyncadd.s32 $0xFFFFD8F0  }
0x23: {  	[tilespmem:s19], [sflag:$0x3] =	stream.linear.gather [hbm4b:s14+s4], $0x2710, $0x38;
	[tilespmem:$0x19820] =	vst v63  }
0x24: {  	_ =	swait.ge [sflag:s18], $0x2710  }
0x25: {  	[sflag:s18] =	ssyncset.done $0x0  }
0x26: {  	[sflag:s18] =	ssyncadd.s32 $0xFFFFD8F0  }
0x27: {  	[tilespmem:s17], [sflag:$0x1] =	stream.indirect.gather [hbm4b:s2+s20], $0x20, s4, s20, $0xb8;
	[tilespmem:$0x19820] =	vst v63  }
0x28: {  	_ =	swait.ge [sflag:s21], $0x7D00  }
0x29: {  	[sflag:s21] =	ssyncset.done $0x0  }
0x2a: {  	[sflag:s21] =	ssyncadd.s32 $0xFFFF8300  }
0x2b: {  	[tilespmem:s22], [sflag:$0x1] =	stream.indirect.gather [hbm4b:s2+s20], $0x20, s20, s20, $0xb8;
	[tilespmem:$0x19820] =	vst v63  }
0x2c: {  	_ = 	snop  }
0x2d: {  	[spmem:s3] =	stream.indirect.scatter.add.bf16 [tilespmem:s17], [sflag:$0x2], $0x20, s19, s20, $0xb8;
	[tilespmem:$0x19820] =	vst v63  }
0x2e: {  	_ =	swait.ge [sflag:s21], $0x7D00  }
0x2f: {  	[sflag:s21] =	ssyncset.done $0x0  }
0x30: {  	[sflag:s21] =	ssyncadd.s32 $0xFFFF8300  }
0x31: {  	_ =	swait.ge [sflag:s23], $0x7D00  }
0x32: {  	[sflag:s23] =	ssyncset.done $0x0  }
0x33: {  	s29 =	simm.s32 $0x7D0;
	[sflag:s23] =	ssyncadd.s32 $0xFFFF8300  }
0x34: {  	[tilespmem:s17], [sflag:$0x1] =	stream.indirect.gather [hbm4b:s2+s20], $0x20, s29, s20, $0xb8;
	[tilespmem:$0x19820] =	vst v63  }
0x35: {  	s31 =	simm.s32 $0x2AF8  }
0x36: {  	[spmem:s3] =	stream.indirect.scatter.add.bf16 [tilespmem:s22], [sflag:$0x2], $0x20, s31, s20, $0xb8;
	[tilespmem:$0x19820] =	vst v63  }
0x37: {  	_ =	swait.ge [sflag:s21], $0x7D00  }
0x38: {  	[sflag:s21] =	ssyncset.done $0x0  }
0x39: {  	[sflag:s21] =	ssyncadd.s32 $0xFFFF8300  }
0x3a: {  	_ =	swait.ge [sflag:s23], $0x7D00  }
0x3b: {  	[sflag:s23] =	ssyncset.done $0x0  }
0x3c: {  	s30 =	simm.s32 $0xBB8;
	[sflag:s23] =	ssyncadd.s32 $0xFFFF8300  }
0x3d: {  	[tilespmem:s22], [sflag:$0x1] =	stream.indirect.gather [hbm4b:s2+s20], $0x20, s30, s20, $0xb8;
	[tilespmem:$0x19820] =	vst v63  }
0x3e: {  	s31 =	simm.s32 $0x2EE0  }
0x3f: {  	[spmem:s3] =	stream.indirect.scatter.add.bf16 [tilespmem:s17], [sflag:$0x2], $0x20, s31, s20, $0xb8;
	[tilespmem:$0x19820] =	vst v63  }
0x40: {  	_ =	swait.ge [sflag:s21], $0x7D00  }
0x41: {  	[sflag:s21] =	ssyncset.done $0x0  }
0x42: {  	[sflag:s21] =	ssyncadd.s32 $0xFFFF8300  }
0x43: {  	_ =	swait.ge [sflag:s23], $0x7D00  }
0x44: {  	[sflag:s23] =	ssyncset.done $0x0  }
0x45: {  	s30 =	simm.s32 $0xFA0;
	[sflag:s23] =	ssyncadd.s32 $0xFFFF8300  }
0x46: {  	[tilespmem:s17], [sflag:$0x1] =	stream.indirect.gather [hbm4b:s2+s20], $0x20, s30, s20, $0xb8;
	[tilespmem:$0x19820] =	vst v63  }
0x47: {  	s31 =	simm.s32 $0x32C8  }
0x48: {  	[spmem:s3] =	stream.indirect.scatter.add.bf16 [tilespmem:s22], [sflag:$0x2], $0x20, s31, s20, $0xb8;
	[tilespmem:$0x19820] =	vst v63  }
0x49: {  	_ =	swait.ge [sflag:s21], $0x7D00  }
0x4a: {  	[sflag:s21] =	ssyncset.done $0x0  }
0x4b: {  	[sflag:s21] =	ssyncadd.s32 $0xFFFF8300  }
0x4c: {  	_ =	swait.ge [sflag:s23], $0x7D00  }
0x4d: {  	[sflag:s23] =	ssyncset.done $0x0  }
0x4e: {  	s30 =	simm.s32 $0x1388;
	[sflag:s23] =	ssyncadd.s32 $0xFFFF8300  }
0x4f: {  	[tilespmem:s22], [sflag:$0x1] =	stream.indirect.gather [hbm4b:s2+s20], $0x20, s30, s20, $0xb8;
	[tilespmem:$0x19820] =	vst v63  }
0x50: {  	_ = 	snop  }
0x51: {  	[spmem:s3] =	stream.indirect.scatter.add.bf16 [tilespmem:s17], [sflag:$0x2], $0x20, s0, s20, $0xb8;
	[tilespmem:$0x19820] =	vst v63  }
0x52: {  	_ =	swait.ge [sflag:s21], $0x7D00  }
0x53: {  	[sflag:s21] =	ssyncset.done $0x0  }
0x54: {  	[sflag:s21] =	ssyncadd.s32 $0xFFFF8300  }
0x55: {  	_ =	swait.ge [sflag:s23], $0x7D00  }
0x56: {  	[sflag:s23] =	ssyncset.done $0x0  }
0x57: {  	[sflag:s23] =	ssyncadd.s32 $0xFFFF8300  }
0x58: {  	[tilespmem:s17], [sflag:$0x1] =	stream.indirect.gather [hbm4b:s2+s20], $0x20, s7, s20, $0xb8;
	[tilespmem:$0x19820] =	vst v63  }
0x59: {  	_ = 	snop  }
0x5a: {  	[spmem:s3] =	stream.indirect.scatter.add.bf16 [tilespmem:s22], [sflag:$0x2], $0x20, s8, s20, $0xb8;
	[tilespmem:$0x19820] =	vst v63  }
0x5b: {  	_ =	swait.ge [sflag:s21], $0x7D00  }
0x5c: {  	[sflag:s21] =	ssyncset.done $0x0  }
0x5d: {  	[sflag:s21] =	ssyncadd.s32 $0xFFFF8300  }
0x5e: {  	_ =	swait.ge [sflag:s23], $0x7D00  }
0x5f: {  	[sflag:s23] =	ssyncset.done $0x0  }
0x60: {  	[sflag:s23] =	ssyncadd.s32 $0xFFFF8300  }
0x61: {  	[tilespmem:s22], [sflag:$0x1] =	stream.indirect.gather [hbm4b:s2+s20], $0x20, s9, s20, $0xb8;
	[tilespmem:$0x19820] =	vst v63  }
0x62: {  	_ = 	snop  }
0x63: {  	[spmem:s3] =	stream.indirect.scatter.add.bf16 [tilespmem:s17], [sflag:$0x2], $0x20, s10, s20, $0xb8;
	[tilespmem:$0x19820] =	vst v63  }
0x64: {  	_ =	swait.ge [sflag:s21], $0x7D00  }
0x65: {  	[sflag:s21] =	ssyncset.done $0x0  }
0x66: {  	[sflag:s21] =	ssyncadd.s32 $0xFFFF8300  }
0x67: {  	_ =	swait.ge [sflag:s23], $0x7D00  }
0x68: {  	[sflag:s23] =	ssyncset.done $0x0  }
0x69: {  	[sflag:s23] =	ssyncadd.s32 $0xFFFF8300  }
0x6a: {  	[tilespmem:s17], [sflag:$0x1] =	stream.indirect.gather [hbm4b:s2+s20], $0x20, s11, s20, $0xb8;
	[tilespmem:$0x19820] =	vst v63  }
0x6b: {  	_ = 	snop  }
0x6c: {  	[spmem:s3] =	stream.indirect.scatter.add.bf16 [tilespmem:s22], [sflag:$0x2], $0x20, s12, s20, $0xb8;
	[tilespmem:$0x19820] =	vst v63  }
0x6d: {  	_ =	swait.ge [sflag:s21], $0x7D00  }
0x6e: {  	[sflag:s21] =	ssyncset.done $0x0  }
0x6f: {  	[sflag:s21] =	ssyncadd.s32 $0xFFFF8300  }
0x70: {  	_ =	swait.ge [sflag:s23], $0x7D00  }
0x71: {  	[sflag:s23] =	ssyncset.done $0x0  }
0x72: {  	[sflag:s23] =	ssyncadd.s32 $0xFFFF8300  }
0x73: {  	[tilespmem:s22], [sflag:$0x1] =	stream.indirect.gather [hbm4b:s2+s20], $0x20, s24, s20, $0xb8;
	[tilespmem:$0x19820] =	vst v63  }
0x74: {  	_ = 	snop  }
0x75: {  	[spmem:s3] =	stream.indirect.scatter.add.bf16 [tilespmem:s17], [sflag:$0x2], $0x20, s25, s20, $0xb8;
	[tilespmem:$0x19820] =	vst v63  }
0x76: {  	_ =	swait.ge [sflag:s21], $0x7D00  }
0x77: {  	[sflag:s21] =	ssyncset.done $0x0  }
0x78: {  	[sflag:s21] =	ssyncadd.s32 $0xFFFF8300  }
0x79: {  	_ =	swait.ge [sflag:s23], $0x7D00  }
0x7a: {  	[sflag:s23] =	ssyncset.done $0x0  }
0x7b: {  	[sflag:s23] =	ssyncadd.s32 $0xFFFF8300  }
0x7c: {  	[spmem:s3] =	stream.indirect.scatter.add.bf16 [tilespmem:s22], [sflag:$0x2], $0x20, s26, s20, $0xb8;
	[tilespmem:$0x19820] =	vst v63  }
0x7d: {  	_ =	swait.ge [sflag:s23], $0x7D00  }
0x7e: {  	s28 =	sadd.s32 $0x1, s28;
	s31 =	sshll.u32 s1, $0x6;
	[sflag:s23] =	ssyncset.done $0x0  }
0x7f: {  	p1 =	sne.s32 s28, s16;
	s29 =	sor.u32 $0x1C03, s31;
	[sflag:s23] =	ssyncadd.s32 $0xFFFF8300  }
.Ltmp1:
0x80: {  	s30 =	sshrl.u32 s6, $0x3;
	[bflag:$0x0] =	sbarrier.arrive $0xFFFF;
	(pc) =	sbr.rel @!p1 .LBB2_7-.Ltmp1, $4  }
0x81: {  	[hbm:s15], [sflag:s29] =	dma.local [spmem:s30], $0xA00  }
0x82: {  	_ =	swait.ge [sflag:s18], $0xA00  }
0x83: {  	[sflag:s18] =	ssyncset.done $0x0  }
0x84: {  	[sflag:s18] =	ssyncadd.s32 $0xFFFFF600  }
.LBB2_1:
.Ltmp2:
0x85: {  	(pc) =	sbr.rel @!p0 .LBB2_2-.Ltmp2, $1  }
0x86: {  	_ =	sdelay $0x3  }
0x87: {  	s29 =	simm.s32 $0x80;
	s30 =	simm.s32 $0x0  }
.LBB2_4:
0x88: {  	p1 =	sne.s32 s29, $0x3E00;
	[tilespmem:s30+$0x4E20] =	vst v0;
	s31 =	smov.u32 s29;
	s29 =	sadd.s32 $0x80, s29  }
.Ltmp3:
0x89: {  	[tilespmem:s30+$0x4E30] =	vst v0;
	(pc) =	sbr.rel @p1 .LBB2_4-.Ltmp3, $2  }
0x8a: {  	_ =	sdelay $0x2  }
0x8b: {  	s30 =	sshra.s32 s31, $0x2  }
0x8c: {  	[tilespmem:s30+$0x4E20] =	vst v0  }
0x8d: {  	[tilespmem:s30+$0x4E30] =	vst v0  }
0x8e: {  	[spmem:s5] =	stream.linear.scatter [tilespmem:s17], [sflag:$0x3], $0xF00, $0x38;
	[tilespmem:$0x19820] =	vst v63  }
0x8f: {  	_ =	swait.ge [sflag:s18], $0xF00  }
0x90: {  	[sflag:s18] =	ssyncset.done $0x0  }
0x91: {  	s29 =	rddreg [dreg:$0x5];
	[sflag:s18] =	ssyncadd.s32 $0xFFFFF100  }
0x92: {  	[spmem:s29] =	stream.linear.scatter [tilespmem:s17], [sflag:$0x3], $0xF00, $0x38;
	[tilespmem:$0x19820] =	vst v63  }
0x93: {  	_ =	swait.ge [sflag:s18], $0xF00  }
0x94: {  	[sflag:s18] =	ssyncset.done $0x0  }
0x95: {  	s30 =	rddreg [dreg:$0x6];
	[sflag:s18] =	ssyncadd.s32 $0xFFFFF100  }
0x96: {  	[spmem:s30] =	stream.linear.scatter [tilespmem:s17], [sflag:$0x3], $0xF00, $0x38;
	[tilespmem:$0x19820] =	vst v63  }
0x97: {  	_ =	swait.ge [sflag:s18], $0xF00  }
0x98: {  	[sflag:s18] =	ssyncset.done $0x0  }
0x99: {  	s31 =	rddreg [dreg:$0x7];
	[sflag:s18] =	ssyncadd.s32 $0xFFFFF100  }
0x9a: {  	[spmem:s31] =	stream.linear.scatter [tilespmem:s17], [sflag:$0x3], $0xF00, $0x38;
	[tilespmem:$0x19820] =	vst v63  }
0x9b: {  	_ =	swait.ge [sflag:s18], $0xF00  }
0x9c: {  	[sflag:s18] =	ssyncset.done $0x0  }
0x9d: {  	s30 =	rddreg [dreg:$0x8];
	[sflag:s18] =	ssyncadd.s32 $0xFFFFF100  }
0x9e: {  	[spmem:s30] =	stream.linear.scatter [tilespmem:s17], [sflag:$0x3], $0xF00, $0x38;
	[tilespmem:$0x19820] =	vst v63  }
0x9f: {  	_ =	swait.ge [sflag:s18], $0xF00  }
0xa0: {  	[sflag:s18] =	ssyncset.done $0x0  }
.Ltmp4:
0xa1: {  	s31 =	rddreg [dreg:$0x9];
	[sflag:s18] =	ssyncadd.s32 $0xFFFFF100;
	(pc) =	sbr.rel .LBB2_6-.Ltmp4, $4  }
0xa2: {  	[spmem:s31] =	stream.linear.scatter [tilespmem:s17], [sflag:$0x3], $0x500, $0x38;
	[tilespmem:$0x19820] =	vst v63  }
0xa3: {  	_ =	swait.ge [sflag:s18], $0x500  }
0xa4: {  	[sflag:s18] =	ssyncset.done $0x0  }
0xa5: {  	[sflag:s18] =	ssyncadd.s32 $0xFFFFFB00  }
.LBB2_7:
0xa6: {  	_ =	sfence.sel $0x180000  }
0xa7: {  	[bflag:$0x0] =	sbarrier.arrive $0xFFFF  }
0xa8: {  	_ =	strace $0x9000004D  }
0xa9: {  	[bflag:$0x2] =	sbarrier.arrive $0xFFFF  }
0xaa: {  	p0 =	sne.s32 s1, $0x0;
	s0 =	rddreg [dreg:$0x3]  }
0xab: {  	s0 =	sadd.s32 @!p0 $0x100000, s0  }
0xac: {  	[sflag:s0] =	ssyncadd.tile.s32 @!p0 $0x1;
	_ =	shalt  }
.Lfunc_end2:
_tile_overlayer_lowered:
.L_overlay_start_2:
0xad: {  	(tag) =	ssettag $0x2  }
0xae: {  	s0 =	rddreg [dreg:$0x0];
	s2 =	stileid.u32  }
0xaf: {  	s1 =	rddreg [dreg:$0x1];
	p0 =	sne.s32 s2, $0x0  }
0xb0: {  	s3 =	rddreg [dreg:$0x2];
	[bflag:$0x3] =	sbarrier.arrive $0xFFFF;
	s2 =	simm.s32 @!p0 $0x1C03  }
0xb1: {  	[timem:s3], [sflag:s2] =	dma.local @!p0 [hbm:s0], s1  }
0xb2: {  	s0 =	simm.s32 @!p0 $0x3  }
0xb3: {  	_ =	swait.ge @!p0 [sflag:s0], s1  }
0xb4: {  	s1 =	ssub.s32 @!p0 $0x0, s1;
	[sflag:s0] =	ssyncset.done @!p0 $0x0  }
0xb5: {  	[sflag:s0] =	ssyncadd.s32 @!p0 s1  }
0xb6: {  	[bflag:$0x3] =	sbarrier.arrive $0xFFFF  }
0xb7: {  	_ =	shalt  }

// kernel: kernel.8.cloned.1.call-start
scs
__scs_entry_jumppad:
0x0: {  	(pc) =	sbr.rel $0x88, $3  }
0x1: {  	(tag) =	ssettag $0x0;
	lr =	simm.s32 $0x1  }
0x2: {  	[smem:$0x3F9B] =	sst lr;
	_ =	strace $0xD0000000  }
0x3: {  	_ = 	snop  }
0x4: {  	_ = 	snop  }
0x5: {  	_ = 	snop  }
0x6: {  	_ = 	snop  }
0x7: {  	_ = 	snop  }
__scs_overlays_trampoline_lowered:
0x8: {  	[smem:$0x3FAA] =	sst s0  }
0x9: {  	[smem:$0x3FAB] =	sst s1  }
0xa: {  	[smem:$0x3FAC] =	sst s2  }
0xb: {  	[smem:$0x3FAD] =	sst s3  }
0xc: {  	[smem:$0x3FAE] =	sst s4  }
0xd: {  	[smem:$0x3FAF] =	sst s5  }
0xe: {  	[smem:$0x3FB0] =	sst s6  }
0xf: {  	[smem:$0x3FB1] =	sst s7  }
0x10: {  	[smem:$0x3FB2] =	sst s8  }
0x11: {  	[smem:$0x3FB3] =	sst s9;
	s0 =	simm.s32 @!p0 $0x0  }
0x12: {  	s1 =	sld [smem:$0x3F99];
	s0 =	simm.s32 @p0 $0x1  }
0x13: {  	[smem:$0x3FB4] =	sst s0;
	s0 =	simm.s32 @!p1 $0x0  }
0x14: {  	s2 =	sld [smem:$0x3F98];
	s0 =	simm.s32 @p1 $0x1  }
0x15: {  	[smem:$0x3FB5] =	sst s0;
	s0 =	simm.s32 @!p2 $0x0  }
0x16: {  	s3 =	sld [smem:$0x3FDB];
	s0 =	simm.s32 @p2 $0x1  }
0x17: {  	s4 =	simm.s32 $0x1BF5;
	[smem:$0x3FB7] =	sst s0  }
0x18: {  	s0 =	sld [smem:$0x3F9A];
	_ =	swait.ge [sflag:s4], $0x0  }
0x19: {  	s7 =	sld [smem:$0x3F9B]  }
0x1a: {  	s8 =	sadd.s32 $0xFFFFE003, lr  }
0x1b: {  	s9 =	sadd.s32 $0xFFFFFEF7, lr;
	s5 =	simm.s32 $0xFFFFFFFF;
	p2 =	slt.u32 s8, $0xFFFFF086  }
0x1c: {  	p1 =	slt.u32 s9, $0xF7A;
	s5 =	simm.s32 @!p2 $0x0  }
0x1d: {  	s5 =	simm.s32 @p1 $0x1;
	p0 =	seq.s32 s7, s2  }
0x1e: {  	s7 =	smul.u32 @!p0 $0xF7A, s2;
	p2 =	seq.s32 @!p0 s5, $0x0  }
0x1f: {  	s9 =	smul.u32 $0xF7A, s1;
	s8 =	simm.s32 @!p0 $0x1BF5;
	p2 =	por !p2, p0  }
0x20: {  	[sflag:s8] =	ssyncset.s32 @!p0 $0xFFFFF086;
	s6 =	sadd.s32 @!p0 s3, s7;
	s7 =	simm.s32 @!p0 $0x108  }
0x21: {  	s3 =	sadd.s32 s3, s9;
	s6 =	sadd.s32 @!p0 $0x88, s6;
	s7 =	simm.s32 @p2 $0x1082  }
0x22: {  	[simem:s7], [sflag:s8] =	dma.local @!p0 [hbm:s6], $0xF7A  }
0x23: {  	s9 =	sor.u32 $0xD0000000, s2;
	s6 =	simm.s32 $0x108;
	_ =	swait.ge @!p0 [sflag:s8], $0x0  }
0x24: {  	s3 =	sadd.s32 $0x88, s3;
	s6 =	simm.s32 @!p1 $0x1082;
	[sflag:s4] =	ssyncset.s32 $0xFFFFF086  }
0x25: {  	[simem:s6], [sflag:s4] =	dma.local [hbm:s3], $0xF7A  }
0x26: {  	[smem:$0x3F9B] =	sst s1;
	(tag) =	ssettag s2;
	_ =	strace s9  }
0x27: {  	s1 =	sld [smem:$0x3FAB]  }
0x28: {  	s2 =	sld [smem:$0x3FAC]  }
0x29: {  	s4 =	sld [smem:$0x3FAE]  }
0x2a: {  	p0 =	seq.s32 s5, $0x0;
	s5 =	sld [smem:$0x3FAF]  }
0x2b: {  	s6 =	sld [smem:$0x3FB0]  }
0x2c: {  	s7 =	sld [smem:$0x3FB1]  }
0x2d: {  	s3 =	simm.s32 $0x108;
	s8 =	sld [smem:$0x3FB2]  }
0x2e: {  	s3 =	simm.s32 @!p0 $0x1082;
	s9 =	sld [smem:$0x3FB3]  }
0x2f: {  	lr =	sadd.s32 s0, s3;
	s0 =	sld [smem:$0x3FAA]  }
0x30: {  	s3 =	sld [smem:$0x3FAD]  }
0x31: {  	[smem:$0x3FB6] =	sst s10  }
0x32: {  	s10 =	sld [smem:$0x3FB4];
	_ =	sdelay $0x3  }
0x33: {  	p0 =	seq.s32 s10, $0x1;
	s10 =	sld [smem:$0x3FB6];
	_ =	sdelay $0x3  }
0x34: {  	[smem:$0x3FB6] =	sst s10  }
0x35: {  	s10 =	sld [smem:$0x3FB5];
	_ =	sdelay $0x3  }
0x36: {  	p1 =	seq.s32 s10, $0x1;
	s10 =	sld [smem:$0x3FB6];
	_ =	sdelay $0x3  }
0x37: {  	[smem:$0x3FB6] =	sst s10  }
0x38: {  	s10 =	sld [smem:$0x3FB7]  }
0x39: {  	_ = 	snop;
	(pc) =	sbr.ind lr, $3  }
0x3a: {  	_ = 	snop  }
0x3b: {  	_ = 	snop  }
0x3c: {  	p2 =	seq.s32 s10, $0x1;
	s10 =	sld [smem:$0x3FB6]  }
0x3d: {  	_ =	shalt  }
0x3e: {  	_ =	shalt  }
0x3f: {  	_ =	shalt  }
0x40: {  	_ =	shalt  }
0x41: {  	_ =	shalt  }
0x42: {  	_ =	shalt  }
0x43: {  	_ =	shalt  }
0x44: {  	_ =	shalt  }
0x45: {  	_ =	shalt  }
0x46: {  	_ =	shalt  }
0x47: {  	_ =	shalt  }
0x48: {  	_ =	shalt  }
0x49: {  	_ =	shalt  }
0x4a: {  	_ =	shalt  }
0x4b: {  	_ =	shalt  }
0x4c: {  	_ =	shalt  }
0x4d: {  	_ =	shalt  }
0x4e: {  	_ =	shalt  }
0x4f: {  	_ =	shalt  }
0x50: {  	_ =	shalt  }
0x51: {  	_ =	shalt  }
0x52: {  	_ =	shalt  }
0x53: {  	_ =	shalt  }
0x54: {  	_ =	shalt  }
0x55: {  	_ =	shalt  }
0x56: {  	_ =	shalt  }
0x57: {  	_ =	shalt  }
0x58: {  	_ =	shalt  }
0x59: {  	_ =	shalt  }
0x5a: {  	_ =	shalt  }
0x5b: {  	_ =	shalt  }
0x5c: {  	_ =	shalt  }
0x5d: {  	_ =	shalt  }
0x5e: {  	_ =	shalt  }
0x5f: {  	_ =	shalt  }
0x60: {  	_ =	shalt  }
0x61: {  	_ =	shalt  }
0x62: {  	_ =	shalt  }
0x63: {  	_ =	shalt  }
0x64: {  	_ =	shalt  }
0x65: {  	_ =	shalt  }
0x66: {  	_ =	shalt  }
0x67: {  	_ =	shalt  }
0x68: {  	_ =	shalt  }
0x69: {  	_ =	shalt  }
0x6a: {  	_ =	shalt  }
0x6b: {  	_ =	shalt  }
0x6c: {  	_ =	shalt  }
0x6d: {  	_ =	shalt  }
0x6e: {  	_ =	shalt  }
0x6f: {  	_ =	shalt  }
0x70: {  	_ =	shalt  }
0x71: {  	_ =	shalt  }
0x72: {  	_ =	shalt  }
0x73: {  	_ =	shalt  }
0x74: {  	_ =	shalt  }
0x75: {  	_ =	shalt  }
0x76: {  	_ =	shalt  }
0x77: {  	_ =	shalt  }
0x78: {  	_ =	shalt  }
0x79: {  	_ =	shalt  }
0x7a: {  	_ =	shalt  }
0x7b: {  	_ =	shalt  }
0x7c: {  	_ =	shalt  }
0x7d: {  	_ =	shalt  }
0x7e: {  	_ =	shalt  }
0x7f: {  	_ =	shalt  }
0x80: {  	_ =	shalt  }
0x81: {  	_ =	shalt  }
0x82: {  	_ =	shalt  }
0x83: {  	_ =	shalt  }
0x84: {  	_ =	shalt  }
0x85: {  	_ =	shalt  }
0x86: {  	_ =	shalt  }
0x87: {  	_ =	shalt  }
.Lfunc_end0:
.L_simem_size_0:
called_computation_lowered:
.L_overlay_start_0:
0x88: {  	s2 =	sld [smem:$0x3FD9]  }
0x89: {  	s3 =	sld [smem:$0x3FFE];
	_ =	sdelay $0x1  }
0x8a: {  	s1 =	srdreg.scid  }
0x8b: {  	s0 =	sand.u32 $0x1, s1  }
0x8c: {  	s16 =	sshll.u32 s0, $0xA;
	s2 =	sadd.s32 s3, s2  }
0x8d: {  	s2 =	sadd.s32 s2, s16  }
0x8e: {  	[smem:$0x3FC2] =	sst s2  }
0x8f: {  	_ = 	snop  }
0x90: {  	(tm) =	ssettm $0x1  }
0x91: {  	s17 =	sld [smem:$0x3FFB];
	_ =	sdelay $0x3  }
0x92: {  	_ =	strace s17  }
0x93: {  	s2 =	sld [smem:$0x3FFC];
	_ =	sdelay $0x3  }
0x94: {  	_ =	strace s2  }
0x95: {  	s2 =	sld [smem:$0x3FFD];
	_ =	sdelay $0x3  }
0x96: {  	_ =	strace s2  }
0x97: {  	_ =	strace $0x8FFFFFFF  }
0x98: {  	s18 =	sld [smem:$0x3FDB];
	_ =	sdelay $0x1  }
0x99: {  	s19 =	simm.s32 $_scs_section_size  }
0x9a: {  	s4 =	simm.s32 $_size__tile_overlayer_lowered;
	s5 =	simm.s32 $_tile_overlayer_lowered  }
0x9b: {  	s22 =	simm.s32 $0x1BFF;
	s21 =	sshll.u32 s5, $0x1;
	s2 =	sadd.s32 s19, s18  }
0x9c: {  	s6 =	simm.s32 $0x0;
	s20 =	sshll.u32 s4, $0x1;
	s4 =	sadd.s32 s21, s2  }
0x9d: {  	[timem:s6], [sflag:s22] =	dma.local [hbm:s4], s20  }
0x9e: {  	_ =	swait.ge [sflag:s22], s20  }
0x9f: {  	s3 =	ssub.s32 $0x0, s20;
	[sflag:s22] =	ssyncset.done $0x0  }
0xa0: {  	[sflag:s22] =	ssyncadd.s32 s3;
	_ =	sdelay $0x1  }
0xa1: {  	s23 =	simm.s32 $0x1B8B  }
0xa2: {  	_ =	swait.ge [sflag:s23], $0x1  }
0xa3: {  	[sflag:s23] =	ssyncset.done $0x0  }
0xa4: {  	s25 =	simm.s32 $0x1B8E;
	s24 =	sld [smem:$0x3FFE];
	[sflag:s23] =	ssyncadd.s32 $0xFFFFFFFF  }
0xa5: {  	s26 =	simm.s32 $execute0_lowered;
	[smem:$0x3FD2] =	sst s25  }
0xa6: {  	s4 =	sshll.u32 s26, $0x1;
	_ =	strace $0x80000046;
	[dreg:$0x1] =	wrdreg $0xFFFFFFFF  }
0xa7: {  	s28 =	simm.s32 $_size_execute0_lowered;
	s2 =	sadd.s32 s2, s4;
	[dreg:$0x0] =	wrdreg $0x0  }
0xa8: {  	s4 =	sshll.u32 s28, $0x1;
	[dreg:$0x2] =	wrdreg s2  }
0xa9: {  	[dreg:$0x3] =	wrdreg s4  }
0xaa: {  	[dreg:$0x4] =	wrdreg $0xC0  }
0xab: {  	_ =	task [dreg:s6], $0x5FFFF  }
0xac: {  	[dreg:$0x1] =	wrdreg $0xFFFFFFFF  }
0xad: {  	[dreg:$0x0] =	wrdreg $0x60  }
0xae: {  	[dreg:$0x2] =	wrdreg s24  }
0xaf: {  	[dreg:$0x3] =	wrdreg $0x2B900  }
0xb0: {  	[dreg:$0x4] =	wrdreg $0x9  }
0xb1: {  	_ =	task.clear_ibuf [dreg:s6], $0x5FFFF;
	_ =	strace $0x90000046  }
0xb2: {  	s29 =	simm.s32 $0x9;
	_ =	strace $0x80000048  }
0xb3: {  	_ =	swait.ge [sflag:s29], $0x1  }
0xb4: {  	[sflag:s29] =	ssyncadd.s32 $0xFFFFFFFF  }
0xb5: {  	_ =	strace $0x90000048  }
0xb6: {  	_ =	sfence  }
0xb7: {  	s30 =	sld [smem:$0x0];
	_ =	sdelay $0x2  }
0xb8: {  	s31 =	sshll.u32 s1, $0xD;
	s1 =	sshrl.u32 s1, $0x2  }
0xb9: {  	s3 =	sand.u32 $0x4000, s31;
	s1 =	sadd.s32 s1, s30  }
0xba: {  	s0 =	sor.u32 s3, s0;
	s1 =	sshll.u32 s1, $0x11  }
0xbb: {  	s0 =	sor.u32 s1, s0  }
0xbc: {  	s0 =	sadd.s32 $0x8F2B, s0  }
0xbd: {  	[sflag:s0] =	ssyncadd.remote.s32 $0x1  }
0xbe: {  	_ =	sfence.sel $0xFFFF  }
0xbf: {  	[dreg:$0x0] =	wrdreg $0xFFFFFFFF;
	(pc) =	sbr.abs _section_cstart, $3  }
0xc0: {  	[dreg:$0x1] =	wrdreg $0xFFFFFFFF  }
0xc1: {  	_ =	task.clear_ibuf [dreg:s6], $0x2FFFF;
	_ =	strace $0x9FFFFFFF  }
0xc2: {  	(tm) =	ssettm $0x7FFFFFFF  }
0xc3: {  	_ =	shalt  }
tec
execute0_lowered:
.L_overlay_start_1:
0x0: {  	(tag) =	ssettag $0x1  }
0x1: {  	s22 =	rddreg [dreg:$0x0]  }
0x2: {  	s1 =	rddreg [dreg:$0x1];
	s2 =	simm.s32 $0x0  }
0x3: {  	v0 =	vimm.f32 $1.000000000e+00;
	[smem:$0x7FF] =	sst s2  }
0x4: {  	s0 =	rddreg [dreg:$0x2];
	_ =	strace $0x80000047;
	[tilespmem:$0x2730] =	vst v0  }
0x5: {  	[tilespmem:$0x2740] =	vst v0  }
0x6: {  	[tilespmem:$0x2750] =	vst v0  }
0x7: {  	[tilespmem:$0x2760] =	vst v0  }
0x8: {  	[tilespmem:$0x2770] =	vst v0  }
0x9: {  	[tilespmem:$0x2780] =	vst v0  }
0xa: {  	[tilespmem:$0x2790] =	vst v0  }
0xb: {  	[tilespmem:$0x27A0] =	vst v0  }
0xc: {  	[tilespmem:$0x27B0] =	vst v0  }
0xd: {  	[tilespmem:$0x27C0] =	vst v0  }
0xe: {  	[tilespmem:$0x27D0] =	vst v0  }
0xf: {  	[tilespmem:$0x27E0] =	vst v0  }
0x10: {  	[tilespmem:$0x27F0] =	vst v0  }
0x11: {  	[tilespmem:$0x2800] =	vst v0  }
0x12: {  	[tilespmem:$0x2810] =	vst v0  }
0x13: {  	[tilespmem:$0x2820] =	vst v0  }
0x14: {  	[tilespmem:$0x2830] =	vst v0  }
0x15: {  	[tilespmem:$0x2840] =	vst v0  }
0x16: {  	[tilespmem:$0x2850] =	vst v0  }
0x17: {  	[tilespmem:$0x2860] =	vst v0  }
0x18: {  	[tilespmem:$0x2870] =	vst v0  }
0x19: {  	v1 =	vimm.f32 $0.0e+00;
	[tilespmem:$0x2710] =	vst v0  }
0x1a: {  	[tilespmem:$0x2B80] =	vst v1  }
0x1b: {  	[tilespmem:$0x2B70] =	vst v1  }
0x1c: {  	[tilespmem:$0x2B60] =	vst v1  }
0x1d: {  	[tilespmem:$0x2B50] =	vst v1  }
0x1e: {  	[tilespmem:$0x2B40] =	vst v1  }
0x1f: {  	[tilespmem:$0x2B30] =	vst v1  }
0x20: {  	[tilespmem:$0x2B20] =	vst v1  }
0x21: {  	[tilespmem:$0x2B10] =	vst v1  }
0x22: {  	[tilespmem:$0x2B00] =	vst v0  }
0x23: {  	[tilespmem:$0x2AF0] =	vst v0  }
0x24: {  	[tilespmem:$0x2AE0] =	vst v0  }
0x25: {  	[tilespmem:$0x2AD0] =	vst v0  }
0x26: {  	[tilespmem:$0x2AC0] =	vst v0  }
0x27: {  	[tilespmem:$0x2AB0] =	vst v0  }
0x28: {  	[tilespmem:$0x2AA0] =	vst v0  }
0x29: {  	[tilespmem:$0x2A90] =	vst v0  }
0x2a: {  	[tilespmem:$0x2A80] =	vst v0  }
0x2b: {  	[tilespmem:$0x2A70] =	vst v0  }
0x2c: {  	[tilespmem:$0x2A60] =	vst v0  }
0x2d: {  	[tilespmem:$0x2A50] =	vst v0  }
0x2e: {  	[tilespmem:$0x2A40] =	vst v0  }
0x2f: {  	[tilespmem:$0x2A30] =	vst v0  }
0x30: {  	[tilespmem:$0x2A20] =	vst v0  }
0x31: {  	[tilespmem:$0x2A10] =	vst v0  }
0x32: {  	[tilespmem:$0x2A00] =	vst v0  }
0x33: {  	[tilespmem:$0x29F0] =	vst v0  }
0x34: {  	[tilespmem:$0x29E0] =	vst v0  }
0x35: {  	[tilespmem:$0x29D0] =	vst v0  }
0x36: {  	[tilespmem:$0x29C0] =	vst v0  }
0x37: {  	[tilespmem:$0x29B0] =	vst v0  }
0x38: {  	[tilespmem:$0x29A0] =	vst v0  }
0x39: {  	[tilespmem:$0x2990] =	vst v0  }
0x3a: {  	[tilespmem:$0x2980] =	vst v0  }
0x3b: {  	[tilespmem:$0x2970] =	vst v0  }
0x3c: {  	[tilespmem:$0x2960] =	vst v0  }
0x3d: {  	[tilespmem:$0x2950] =	vst v0  }
0x3e: {  	[tilespmem:$0x2940] =	vst v0  }
0x3f: {  	[tilespmem:$0x2930] =	vst v0  }
0x40: {  	[tilespmem:$0x2920] =	vst v0  }
0x41: {  	[tilespmem:$0x2910] =	vst v0  }
0x42: {  	[tilespmem:$0x2900] =	vst v0  }
0x43: {  	[tilespmem:$0x28F0] =	vst v0  }
0x44: {  	[tilespmem:$0x28E0] =	vst v0  }
0x45: {  	[tilespmem:$0x28D0] =	vst v0  }
0x46: {  	[tilespmem:$0x28C0] =	vst v0  }
0x47: {  	[tilespmem:$0x28B0] =	vst v0  }
0x48: {  	s3 =	stileid.u32;
	[tilespmem:$0x28A0] =	vst v0  }
0x49: {  	s21 =	smul.u32 $0x280, s3;
	[tilespmem:$0x2890] =	vst v0  }
0x4a: {  	[tilespmem:$0x2880] =	vst v0  }
0x4b: {  	s6 =	simm.s32 $0x2B10;
	s5 =	simm.s32 $0x1;
	[tilespmem:$0x2720] =	vst v0;
	s4 =	sadd.s32 s21, s1  }
0x4c: {  	[spmem:s4] =	stream.linear.scatter [tilespmem:s6], [sflag:$0x1], $0x80, $0x38;
	[tilespmem:$0x2E10] =	vst v63  }
0x4d: {  	_ =	swait.ge [sflag:s5], $0x80  }
0x4e: {  	[sflag:s5] =	ssyncset.done $0x0  }
0x4f: {  	s7 =	sadd.s32 $0x80, s4;
	[sflag:s5] =	ssyncadd.s32 $0xFFFFFF80  }
0x50: {  	[spmem:s7] =	stream.linear.scatter [tilespmem:s6], [sflag:$0x1], $0x80, $0x38;
	[tilespmem:$0x2E10] =	vst v63  }
0x51: {  	_ =	swait.ge [sflag:s5], $0x80  }
0x52: {  	[sflag:s5] =	ssyncset.done $0x0  }
0x53: {  	s8 =	sadd.s32 $0x100, s4;
	[sflag:s5] =	ssyncadd.s32 $0xFFFFFF80  }
0x54: {  	[spmem:s8] =	stream.linear.scatter [tilespmem:s6], [sflag:$0x1], $0x80, $0x38;
	[tilespmem:$0x2E10] =	vst v63  }
0x55: {  	_ =	swait.ge [sflag:s5], $0x80  }
0x56: {  	[sflag:s5] =	ssyncset.done $0x0  }
0x57: {  	s9 =	sadd.s32 $0x180, s4;
	[sflag:s5] =	ssyncadd.s32 $0xFFFFFF80  }
0x58: {  	[spmem:s9] =	stream.linear.scatter [tilespmem:s6], [sflag:$0x1], $0x80, $0x38;
	[tilespmem:$0x2E10] =	vst v63  }
0x59: {  	s10 =	srdreg.scid;
	_ =	swait.ge [sflag:s5], $0x80  }
0x5a: {  	s23 =	sand.u32 $0x1, s10;
	s29 =	sshll.u32 s3, $0x1;
	[sflag:s5] =	ssyncset.done $0x0  }
0x5b: {  	s11 =	sor.u32 s23, s29;
	s10 =	sadd.s32 $0x200, s4;
	[sflag:s5] =	ssyncadd.s32 $0xFFFFFF80  }
0x5c: {  	[spmem:s10] =	stream.linear.scatter [tilespmem:s6], [sflag:$0x1], $0x80, $0x38;
	[tilespmem:$0x2E10] =	vst v63  }
0x5d: {  	s11 =	smul.u32 $0x4E2, s11;
	_ =	swait.ge [sflag:s5], $0x80  }
0x5e: {  	[sflag:s5] =	ssyncset.done $0x0  }
0x5f: {  	s11 =	sadd.s32 s11, s22;
	[sflag:s5] =	ssyncadd.s32 $0xFFFFFF80  }
0x60: {  	s11 =	sadd.s32 $0x1400, s11;
	[bflag:$0x0] =	sbarrier.arrive $0xFFFF  }
0x61: {  	[tilespmem:s2], [sflag:$0x1] =	stream.linear.gather [hbm4b:s11+s2], $0x2710, $0x38;
	[tilespmem:$0x2E10] =	vst v63  }
0x62: {  	_ =	swait.ge [sflag:s5], $0x2710  }
0x63: {  	[sflag:s5] =	ssyncset.done $0x0  }
0x64: {  	s12 =	simm.s32 $0x3E8;
	s13 =	simm.s32 $0x2710;
	[sflag:s5] =	ssyncadd.s32 $0xFFFFD8F0  }
0x65: {  	[spmem:s1] =	stream.indirect.scatter.add.f32 [tilespmem:s13], [sflag:$0x1], $0x1, s2, s12, $0xb8;
	[tilespmem:$0x2E10] =	vst v63  }
0x66: {  	_ =	swait.ge [sflag:s5], $0x3E8  }
0x67: {  	[sflag:s5] =	ssyncset.done $0x0  }
0x68: {  	[sflag:s5] =	ssyncadd.s32 $0xFFFFFC18  }
0x69: {  	[spmem:s1] =	stream.indirect.scatter.add.f32 [tilespmem:s13], [sflag:$0x1], $0x1, s12, s12, $0xb8;
	[tilespmem:$0x2E10] =	vst v63  }
0x6a: {  	_ =	swait.ge [sflag:s5], $0x3E8  }
0x6b: {  	[sflag:s5] =	ssyncset.done $0x0  }
0x6c: {  	s14 =	simm.s32 $0x7D0;
	[sflag:s5] =	ssyncadd.s32 $0xFFFFFC18  }
0x6d: {  	[spmem:s1] =	stream.indirect.scatter.add.f32 [tilespmem:s13], [sflag:$0x1], $0x1, s14, s12, $0xb8;
	[tilespmem:$0x2E10] =	vst v63  }
0x6e: {  	_ =	swait.ge [sflag:s5], $0x3E8  }
0x6f: {  	[sflag:s5] =	ssyncset.done $0x0  }
0x70: {  	s15 =	simm.s32 $0xBB8;
	[sflag:s5] =	ssyncadd.s32 $0xFFFFFC18  }
0x71: {  	[spmem:s1] =	stream.indirect.scatter.add.f32 [tilespmem:s13], [sflag:$0x1], $0x1, s15, s12, $0xb8;
	[tilespmem:$0x2E10] =	vst v63  }
0x72: {  	_ =	swait.ge [sflag:s5], $0x3E8  }
0x73: {  	[sflag:s5] =	ssyncset.done $0x0  }
0x74: {  	s16 =	simm.s32 $0xFA0;
	[sflag:s5] =	ssyncadd.s32 $0xFFFFFC18  }
0x75: {  	[spmem:s1] =	stream.indirect.scatter.add.f32 [tilespmem:s13], [sflag:$0x1], $0x1, s16, s12, $0xb8;
	[tilespmem:$0x2E10] =	vst v63  }
0x76: {  	_ =	swait.ge [sflag:s5], $0x3E8  }
0x77: {  	[sflag:s5] =	ssyncset.done $0x0  }
0x78: {  	s17 =	simm.s32 $0x1388;
	[sflag:s5] =	ssyncadd.s32 $0xFFFFFC18  }
0x79: {  	[spmem:s1] =	stream.indirect.scatter.add.f32 [tilespmem:s13], [sflag:$0x1], $0x1, s17, s12, $0xb8;
	[tilespmem:$0x2E10] =	vst v63  }
0x7a: {  	_ =	swait.ge [sflag:s5], $0x3E8  }
0x7b: {  	[sflag:s5] =	ssyncset.done $0x0  }
0x7c: {  	s18 =	simm.s32 $0x1770;
	[sflag:s5] =	ssyncadd.s32 $0xFFFFFC18  }
0x7d: {  	[spmem:s1] =	stream.indirect.scatter.add.f32 [tilespmem:s13], [sflag:$0x1], $0x1, s18, s12, $0xb8;
	[tilespmem:$0x2E10] =	vst v63  }
0x7e: {  	_ =	swait.ge [sflag:s5], $0x3E8  }
0x7f: {  	[sflag:s5] =	ssyncset.done $0x0  }
0x80: {  	s19 =	simm.s32 $0x1B58;
	[sflag:s5] =	ssyncadd.s32 $0xFFFFFC18  }
0x81: {  	[spmem:s1] =	stream.indirect.scatter.add.f32 [tilespmem:s13], [sflag:$0x1], $0x1, s19, s12, $0xb8;
	[tilespmem:$0x2E10] =	vst v63  }
0x82: {  	_ =	swait.ge [sflag:s5], $0x3E8  }
0x83: {  	s20 =	simm.s32 $0x1F40;
	[sflag:s5] =	ssyncset.done $0x0  }
0x84: {  	s24 =	smul.u32 $0x2800, s23;
	s23 =	ssub.s32 $0x2, s23;
	[sflag:s5] =	ssyncadd.s32 $0xFFFFFC18  }
0x85: {  	[spmem:s1] =	stream.indirect.scatter.add.f32 [tilespmem:s13], [sflag:$0x1], $0x1, s20, s12, $0xb8;
	[tilespmem:$0x2E10] =	vst v63  }
0x86: {  	s30 =	sshrl.u32 s23, $0x1;
	_ =	swait.ge [sflag:s5], $0x3E8  }
0x87: {  	s21 =	sadd.s32 s21, s24;
	s23 =	ssub.s32 s23, s30;
	[sflag:s5] =	ssyncset.done $0x0  }
0x88: {  	s24 =	sshrl.u32 s21, $0x3;
	s21 =	simm.s32 $0x2328;
	[sflag:s5] =	ssyncadd.s32 $0xFFFFFC18  }
0x89: {  	[spmem:s1] =	stream.indirect.scatter.add.f32 [tilespmem:s13], [sflag:$0x1], $0x1, s21, s12, $0xb8;
	[tilespmem:$0x2E10] =	vst v63  }
0x8a: {  	s31 =	sshll.u32 s3, $0x6;
	s25 =	smax.u32 s23, $0x1;
	_ =	swait.ge [sflag:s5], $0x3E8  }
0x8b: {  	s23 =	sor.u32 $0x1C01, s31;
	p0 =	sne.s32 s25, $0x1;
	[sflag:s5] =	ssyncset.done $0x0  }
.Ltmp0:
0x8c: {  	s22 =	sadd.s32 s24, s22;
	[sflag:s5] =	ssyncadd.s32 $0xFFFFFC18;
	(pc) =	sbr.rel @!p0 .LBB2_2-.Ltmp0, $4  }
0x8d: {  	s24 =	sshrl.u32 s4, $0x3;
	s22 =	sadd.s32 $0x15000, s22;
	[bflag:$0x0] =	sbarrier.arrive $0xFFFF  }
0x8e: {  	[hbm:s22], [sflag:s23] =	dma.local [spmem:s24], $0x50  }
0x8f: {  	_ =	swait.ge [sflag:s5], $0x50  }
0x90: {  	s25 =	sadd.s32 $0xFFFFFFFF, s25;
	[sflag:s5] =	ssyncset.done $0x0  }
.LBB2_1:
0x91: {  	p0 =	sne.s32 s25, $0x1;
	s25 =	sadd.s32 $0xFFFFFFFF, s25;
	[sflag:s5] =	ssyncadd.s32 $0xFFFFFFB0  }
0x92: {  	[tilespmem:$0x2730] =	vst v0  }
0x93: {  	[tilespmem:$0x2740] =	vst v0  }
0x94: {  	[tilespmem:$0x2750] =	vst v0  }
0x95: {  	[tilespmem:$0x2760] =	vst v0  }
0x96: {  	[tilespmem:$0x2770] =	vst v0  }
0x97: {  	[tilespmem:$0x2780] =	vst v0  }
0x98: {  	[tilespmem:$0x2790] =	vst v0  }
0x99: {  	[tilespmem:$0x27A0] =	vst v0  }
0x9a: {  	[tilespmem:$0x27B0] =	vst v0  }
0x9b: {  	[tilespmem:$0x27C0] =	vst v0  }
0x9c: {  	[tilespmem:$0x27D0] =	vst v0  }
0x9d: {  	[tilespmem:$0x27E0] =	vst v0  }
0x9e: {  	[tilespmem:$0x27F0] =	vst v0  }
0x9f: {  	[tilespmem:$0x2800] =	vst v0  }
0xa0: {  	[tilespmem:$0x2810] =	vst v0  }
0xa1: {  	[tilespmem:$0x2820] =	vst v0  }
0xa2: {  	[tilespmem:$0x2830] =	vst v0  }
0xa3: {  	[tilespmem:$0x2840] =	vst v0  }
0xa4: {  	[tilespmem:$0x2850] =	vst v0  }
0xa5: {  	[tilespmem:$0x2860] =	vst v0  }
0xa6: {  	[tilespmem:$0x2870] =	vst v0  }
0xa7: {  	[tilespmem:$0x2710] =	vst v0  }
0xa8: {  	[tilespmem:$0x2B80] =	vst v1  }
0xa9: {  	[tilespmem:$0x2B70] =	vst v1  }
0xaa: {  	[tilespmem:$0x2B60] =	vst v1  }
0xab: {  	[tilespmem:$0x2B50] =	vst v1  }
0xac: {  	[tilespmem:$0x2B40] =	vst v1  }
0xad: {  	[tilespmem:$0x2B30] =	vst v1  }
0xae: {  	[tilespmem:$0x2B20] =	vst v1  }
0xaf: {  	[tilespmem:$0x2B10] =	vst v1  }
0xb0: {  	[tilespmem:$0x2B00] =	vst v0  }
0xb1: {  	[tilespmem:$0x2AF0] =	vst v0  }
0xb2: {  	[tilespmem:$0x2AE0] =	vst v0  }
0xb3: {  	[tilespmem:$0x2AD0] =	vst v0  }
0xb4: {  	[tilespmem:$0x2AC0] =	vst v0  }
0xb5: {  	[tilespmem:$0x2AB0] =	vst v0  }
0xb6: {  	[tilespmem:$0x2AA0] =	vst v0  }
0xb7: {  	[tilespmem:$0x2A90] =	vst v0  }
0xb8: {  	[tilespmem:$0x2A80] =	vst v0  }
0xb9: {  	[tilespmem:$0x2A70] =	vst v0  }
0xba: {  	[tilespmem:$0x2A60] =	vst v0  }
0xbb: {  	[tilespmem:$0x2A50] =	vst v0  }
0xbc: {  	[tilespmem:$0x2A40] =	vst v0  }
0xbd: {  	[tilespmem:$0x2A30] =	vst v0  }
0xbe: {  	[tilespmem:$0x2A20] =	vst v0  }
0xbf: {  	[tilespmem:$0x2A10] =	vst v0  }
0xc0: {  	[tilespmem:$0x2A00] =	vst v0  }
0xc1: {  	[tilespmem:$0x29F0] =	vst v0  }
0xc2: {  	[tilespmem:$0x29E0] =	vst v0  }
0xc3: {  	[tilespmem:$0x29D0] =	vst v0  }
0xc4: {  	[tilespmem:$0x29C0] =	vst v0  }
0xc5: {  	[tilespmem:$0x29B0] =	vst v0  }
0xc6: {  	[tilespmem:$0x29A0] =	vst v0  }
0xc7: {  	[tilespmem:$0x2990] =	vst v0  }
0xc8: {  	[tilespmem:$0x2980] =	vst v0  }
0xc9: {  	[tilespmem:$0x2970] =	vst v0  }
0xca: {  	[tilespmem:$0x2960] =	vst v0  }
0xcb: {  	[tilespmem:$0x2950] =	vst v0  }
0xcc: {  	[tilespmem:$0x2940] =	vst v0  }
0xcd: {  	[tilespmem:$0x2930] =	vst v0  }
0xce: {  	[tilespmem:$0x2920] =	vst v0  }
0xcf: {  	[tilespmem:$0x2910] =	vst v0  }
0xd0: {  	[tilespmem:$0x2900] =	vst v0  }
0xd1: {  	[tilespmem:$0x28F0] =	vst v0  }
0xd2: {  	[tilespmem:$0x28E0] =	vst v0  }
0xd3: {  	[tilespmem:$0x28D0] =	vst v0  }
0xd4: {  	[tilespmem:$0x28C0] =	vst v0  }
0xd5: {  	[tilespmem:$0x28B0] =	vst v0  }
0xd6: {  	[tilespmem:$0x28A0] =	vst v0  }
0xd7: {  	[tilespmem:$0x2890] =	vst v0  }
0xd8: {  	[tilespmem:$0x2880] =	vst v0  }
0xd9: {  	[tilespmem:$0x2720] =	vst v0  }
0xda: {  	[spmem:s4] =	stream.linear.scatter [tilespmem:s6], [sflag:$0x1], $0x80, $0x38;
	[tilespmem:$0x2E10] =	vst v63  }
0xdb: {  	_ =	swait.ge [sflag:s5], $0x80  }
0xdc: {  	[sflag:s5] =	ssyncset.done $0x0  }
0xdd: {  	[sflag:s5] =	ssyncadd.s32 $0xFFFFFF80  }
0xde: {  	[spmem:s7] =	stream.linear.scatter [tilespmem:s6], [sflag:$0x1], $0x80, $0x38;
	[tilespmem:$0x2E10] =	vst v63  }
0xdf: {  	_ =	swait.ge [sflag:s5], $0x80  }
0xe0: {  	[sflag:s5] =	ssyncset.done $0x0  }
0xe1: {  	[sflag:s5] =	ssyncadd.s32 $0xFFFFFF80  }
0xe2: {  	[spmem:s8] =	stream.linear.scatter [tilespmem:s6], [sflag:$0x1], $0x80, $0x38;
	[tilespmem:$0x2E10] =	vst v63  }
0xe3: {  	_ =	swait.ge [sflag:s5], $0x80  }
0xe4: {  	[sflag:s5] =	ssyncset.done $0x0  }
0xe5: {  	[sflag:s5] =	ssyncadd.s32 $0xFFFFFF80  }
0xe6: {  	[spmem:s9] =	stream.linear.scatter [tilespmem:s6], [sflag:$0x1], $0x80, $0x38;
	[tilespmem:$0x2E10] =	vst v63  }
0xe7: {  	_ =	swait.ge [sflag:s5], $0x80  }
0xe8: {  	[sflag:s5] =	ssyncset.done $0x0  }
0xe9: {  	[sflag:s5] =	ssyncadd.s32 $0xFFFFFF80  }
0xea: {  	[spmem:s10] =	stream.linear.scatter [tilespmem:s6], [sflag:$0x1], $0x80, $0x38;
	[tilespmem:$0x2E10] =	vst v63  }
0xeb: {  	_ =	swait.ge [sflag:s5], $0x80  }
0xec: {  	[sflag:s5] =	ssyncset.done $0x0  }
0xed: {  	[sflag:s5] =	ssyncadd.s32 $0xFFFFFF80  }
0xee: {  	[bflag:$0x0] =	sbarrier.arrive $0xFFFF  }
0xef: {  	[tilespmem:s2], [sflag:$0x1] =	stream.linear.gather [hbm4b:s11+s2], $0x2710, $0x38;
	[tilespmem:$0x2E10] =	vst v63  }
0xf0: {  	_ =	swait.ge [sflag:s5], $0x2710  }
0xf1: {  	[sflag:s5] =	ssyncset.done $0x0  }
0xf2: {  	[sflag:s5] =	ssyncadd.s32 $0xFFFFD8F0  }
0xf3: {  	[spmem:s1] =	stream.indirect.scatter.add.f32 [tilespmem:s13], [sflag:$0x1], $0x1, s2, s12, $0xb8;
	[tilespmem:$0x2E10] =	vst v63  }
0xf4: {  	_ =	swait.ge [sflag:s5], $0x3E8  }
0xf5: {  	[sflag:s5] =	ssyncset.done $0x0  }
0xf6: {  	[sflag:s5] =	ssyncadd.s32 $0xFFFFFC18  }
0xf7: {  	[spmem:s1] =	stream.indirect.scatter.add.f32 [tilespmem:s13], [sflag:$0x1], $0x1, s12, s12, $0xb8;
	[tilespmem:$0x2E10] =	vst v63  }
0xf8: {  	_ =	swait.ge [sflag:s5], $0x3E8  }
0xf9: {  	[sflag:s5] =	ssyncset.done $0x0  }
0xfa: {  	[sflag:s5] =	ssyncadd.s32 $0xFFFFFC18  }
0xfb: {  	[spmem:s1] =	stream.indirect.scatter.add.f32 [tilespmem:s13], [sflag:$0x1], $0x1, s14, s12, $0xb8;
	[tilespmem:$0x2E10] =	vst v63  }
0xfc: {  	_ =	swait.ge [sflag:s5], $0x3E8  }
0xfd: {  	[sflag:s5] =	ssyncset.done $0x0  }
0xfe: {  	[sflag:s5] =	ssyncadd.s32 $0xFFFFFC18  }
0xff: {  	[spmem:s1] =	stream.indirect.scatter.add.f32 [tilespmem:s13], [sflag:$0x1], $0x1, s15, s12, $0xb8;
	[tilespmem:$0x2E10] =	vst v63  }
0x100: {  	_ =	swait.ge [sflag:s5], $0x3E8  }
0x101: {  	[sflag:s5] =	ssyncset.done $0x0  }
0x102: {  	[sflag:s5] =	ssyncadd.s32 $0xFFFFFC18  }
0x103: {  	[spmem:s1] =	stream.indirect.scatter.add.f32 [tilespmem:s13], [sflag:$0x1], $0x1, s16, s12, $0xb8;
	[tilespmem:$0x2E10] =	vst v63  }
0x104: {  	_ =	swait.ge [sflag:s5], $0x3E8  }
0x105: {  	[sflag:s5] =	ssyncset.done $0x0  }
0x106: {  	[sflag:s5] =	ssyncadd.s32 $0xFFFFFC18  }
0x107: {  	[spmem:s1] =	stream.indirect.scatter.add.f32 [tilespmem:s13], [sflag:$0x1], $0x1, s17, s12, $0xb8;
	[tilespmem:$0x2E10] =	vst v63  }
0x108: {  	_ =	swait.ge [sflag:s5], $0x3E8  }
0x109: {  	[sflag:s5] =	ssyncset.done $0x0  }
0x10a: {  	[sflag:s5] =	ssyncadd.s32 $0xFFFFFC18  }
0x10b: {  	[spmem:s1] =	stream.indirect.scatter.add.f32 [tilespmem:s13], [sflag:$0x1], $0x1, s18, s12, $0xb8;
	[tilespmem:$0x2E10] =	vst v63  }
0x10c: {  	_ =	swait.ge [sflag:s5], $0x3E8  }
0x10d: {  	[sflag:s5] =	ssyncset.done $0x0  }
0x10e: {  	[sflag:s5] =	ssyncadd.s32 $0xFFFFFC18  }
0x10f: {  	[spmem:s1] =	stream.indirect.scatter.add.f32 [tilespmem:s13], [sflag:$0x1], $0x1, s19, s12, $0xb8;
	[tilespmem:$0x2E10] =	vst v63  }
0x110: {  	_ =	swait.ge [sflag:s5], $0x3E8  }
0x111: {  	[sflag:s5] =	ssyncset.done $0x0  }
0x112: {  	[sflag:s5] =	ssyncadd.s32 $0xFFFFFC18  }
0x113: {  	[spmem:s1] =	stream.indirect.scatter.add.f32 [tilespmem:s13], [sflag:$0x1], $0x1, s20, s12, $0xb8;
	[tilespmem:$0x2E10] =	vst v63  }
0x114: {  	_ =	swait.ge [sflag:s5], $0x3E8  }
0x115: {  	[sflag:s5] =	ssyncset.done $0x0  }
0x116: {  	[sflag:s5] =	ssyncadd.s32 $0xFFFFFC18  }
0x117: {  	[spmem:s1] =	stream.indirect.scatter.add.f32 [tilespmem:s13], [sflag:$0x1], $0x1, s21, s12, $0xb8;
	[tilespmem:$0x2E10] =	vst v63  }
0x118: {  	_ =	swait.ge [sflag:s5], $0x3E8  }
0x119: {  	[sflag:s5] =	ssyncset.done $0x0  }
.Ltmp1:
0x11a: {  	[sflag:s5] =	ssyncadd.s32 $0xFFFFFC18;
	(pc) =	sbr.rel @p0 .LBB2_1-.Ltmp1, $4  }
0x11b: {  	[bflag:$0x0] =	sbarrier.arrive $0xFFFF  }
0x11c: {  	[hbm:s22], [sflag:s23] =	dma.local [spmem:s24], $0x50  }
0x11d: {  	_ =	swait.ge [sflag:s5], $0x50  }
0x11e: {  	[sflag:s5] =	ssyncset.done $0x0  }
.LBB2_2:
0x11f: {  	[sflag:s5] =	ssyncadd.s32 $0xFFFFFFB0  }
0x120: {  	_ =	sfence.sel $0x180000  }
0x121: {  	[bflag:$0x0] =	sbarrier.arrive $0xFFFF  }
0x122: {  	p0 =	sne.s32 s3, $0x0;
	_ =	strace $0x90000047  }
0x123: {  	s0 =	sadd.s32 @!p0 $0x100000, s0;
	[bflag:$0x2] =	sbarrier.arrive $0xFFFF  }
0x124: {  	[sflag:s0] =	ssyncadd.tile.s32 @!p0 $0x1;
	_ =	shalt  }
.Lfunc_end2:
_tile_overlayer_lowered:
.L_overlay_start_2:
0x125: {  	(tag) =	ssettag $0x2  }
0x126: {  	s0 =	rddreg [dreg:$0x0];
	s2 =	stileid.u32  }
0x127: {  	s1 =	rddreg [dreg:$0x1];
	p0 =	sne.s32 s2, $0x0  }
0x128: {  	s3 =	rddreg [dreg:$0x2];
	[bflag:$0x3] =	sbarrier.arrive $0xFFFF;
	s2 =	simm.s32 @!p0 $0x1C01  }
0x129: {  	[timem:s3], [sflag:s2] =	dma.local @!p0 [hbm:s0], s1  }
0x12a: {  	s0 =	simm.s32 @!p0 $0x1  }
0x12b: {  	_ =	swait.ge @!p0 [sflag:s0], s1  }
0x12c: {  	s1 =	ssub.s32 @!p0 $0x0, s1;
	[sflag:s0] =	ssyncset.done @!p0 $0x0  }
0x12d: {  	[sflag:s0] =	ssyncadd.s32 @!p0 s1  }
0x12e: {  	[bflag:$0x3] =	sbarrier.arrive $0xFFFF  }
0x12f: {  	_ =	shalt  }

</sc_bundles>
